<compile_context>
chip_gen: v7x
topology: tpu7x:2x2x1
jax: 0.10.2.dev20260603
libtpu: 0.0.44.dev20260713+nightly
codegen_flags: <defaults>
</compile_context>

<pallas_src>
import functools

import jax
import jax.numpy as jnp
from jax import lax
from jax.experimental import pallas as pl
from jax.experimental.pallas import tpu as pltpu
from jax.experimental.pallas import tpu_sc as plsc

_B = 16384
_D = 128
_L = 16
_NC = 2
_NS = 16
_NW = _NC * _NS
_ROWS = _B // _NW
_CH = 64
_NCH = _ROWS // _CH
_NG = _CH // _L


def _perm(v, idx):
    return lax.gather(
        v, idx.reshape(_L, 1),
        lax.GatherDimensionNumbers(
            offset_dims=(), collapsed_slice_dims=(0,), start_index_map=(0,)),
        slice_sizes=(1,), mode=lax.GatherScatterMode.PROMISE_IN_BOUNDS)


def _tree_sum(vs):
    while len(vs) > 1:
        vs = [a + b for a, b in zip(vs[0::2], vs[1::2])]
    return vs[0]


def _push(stack, v, merge):
    lvl = 0
    while stack and stack[-1][0] == lvl:
        _, u = stack.pop()
        v = merge(u, v)
        lvl += 1
    stack.append((lvl, v))


def _tec_body(hid, rid, tid, nhid, ent, rel, pos_out, neg_out,
              idx_h, idx_r, idx_t, idx_nh,
              h_a, r_a, t_a, nh_a, h_b, r_b, t_b, nh_b,
              m_p, m_n, pos_s, neg_s, sem_a, sem_b):
    wid = lax.axis_index("s") * _NC + lax.axis_index("c")
    iota = lax.iota(jnp.int32, _L)
    lo_mask = iota < (_L // 2)
    even = (iota & (_L // 2 - 1)) * 2
    odd = even + 1

    def merge(a, b):
        ce = jnp.where(lo_mask, _perm(a, even), _perm(b, even))
        co = jnp.where(lo_mask, _perm(a, odd), _perm(b, odd))
        return ce + co

    set_a = (h_a, r_a, t_a, nh_a, sem_a)
    set_b = (h_b, r_b, t_b, nh_b, sem_b)

    id0 = pl.ds(wid * _ROWS, _CH)
    sl0 = pl.ds(0, _CH)
    j1 = pltpu.async_copy(hid.at[id0], idx_h.at[sl0], sem_a)
    j2 = pltpu.async_copy(rid.at[id0], idx_r.at[sl0], sem_a)
    j3 = pltpu.async_copy(tid.at[id0], idx_t.at[sl0], sem_a)
    j4 = pltpu.async_copy(nhid.at[id0], idx_nh.at[sl0], sem_a)
    j1.wait()
    j2.wait()
    j3.wait()
    j4.wait()

    def fire(ch, bufs):
        hb, rb, tb, nhb, sem = bufs
        sl = pl.ds(ch * _CH, _CH)
        pltpu.async_copy(ent.at[idx_h.at[sl]], hb, sem)
        pltpu.async_copy(rel.at[idx_r.at[sl]], rb, sem)
        pltpu.async_copy(ent.at[idx_t.at[sl]], tb, sem)
        pltpu.async_copy(ent.at[idx_nh.at[sl]], nhb, sem)

    def wait(bufs):
        hb, rb, tb, nhb, sem = bufs
        dummy_e = ent.at[pl.ds(0, _CH)]
        dummy_r = rel.at[pl.ds(0, _CH)]
        pltpu.make_async_copy(dummy_e, hb, sem).wait()
        pltpu.make_async_copy(dummy_r, rb, sem).wait()
        pltpu.make_async_copy(dummy_e, tb, sem).wait()
        pltpu.make_async_copy(dummy_e, nhb, sem).wait()

    def compute(ch, bufs):
        hb, rb, tb, nhb, _ = bufs
        off = ch * _CH

        @plsc.parallel_loop(0, _CH, 1)
        def row_body(row):
            ps = []
            ns = []
            for c in range(_D // _L):
                sl = pl.ds(c * _L, _L)
                rt = rb[row, sl] - tb[row, sl]
                ps.append(jnp.abs(hb[row, sl] + rt))
                ns.append(jnp.abs(nhb[row, sl] + rt))
            m_p[row, :] = _tree_sum(ps)
            m_n[row, :] = _tree_sum(ns)

        @plsc.parallel_loop(0, _NG, 1)
        def group_body(g):
            base = g * _L
            stack_p = []
            stack_n = []
            for i in range(_L):
                _push(stack_p, m_p[base + i, :], merge)
                _push(stack_n, m_n[base + i, :], merge)
            pos_s[pl.ds(off + base, _L)] = stack_p[0][1]
            neg_s[pl.ds(off + base, _L)] = stack_n[0][1]

    fire(0, set_a)

    ids = pl.ds(wid * _ROWS + _CH, _ROWS - _CH)
    slr = pl.ds(_CH, _ROWS - _CH)
    i1 = pltpu.async_copy(hid.at[ids], idx_h.at[slr], sem_b)
    i2 = pltpu.async_copy(rid.at[ids], idx_r.at[slr], sem_b)
    i3 = pltpu.async_copy(tid.at[ids], idx_t.at[slr], sem_b)
    i4 = pltpu.async_copy(nhid.at[ids], idx_nh.at[slr], sem_b)
    i1.wait()
    i2.wait()
    i3.wait()
    i4.wait()

    def pair_body(i, carry):
        ch_a = 2 * i
        ch_b = ch_a + 1
        fire(ch_b, set_b)
        wait(set_a)
        compute(ch_a, set_a)

        @pl.when(ch_a + 2 < _NCH)
        def _():
            fire(ch_a + 2, set_a)

        wait(set_b)
        compute(ch_b, set_b)
        return carry

    lax.fori_loop(0, _NCH // 2, pair_body, 0)

    out_base = wid * _ROWS
    o1 = pltpu.async_copy(pos_s, pos_out.at[pl.ds(out_base, _ROWS)], sem_a)
    o2 = pltpu.async_copy(neg_s, neg_out.at[pl.ds(out_base, _ROWS)], sem_b)
    o1.wait()
    o2.wait()


_row_buf = pltpu.VMEM((_CH, _D), jnp.float32)
_transe_sc = functools.partial(
    pl.kernel,
    mesh=plsc.VectorSubcoreMesh(core_axis_name="c", subcore_axis_name="s"),
    out_type=[
        jax.ShapeDtypeStruct((_B,), jnp.float32),
        jax.ShapeDtypeStruct((_B,), jnp.float32),
    ],
    scratch_types=[
        pltpu.VMEM((_ROWS,), jnp.int32),
        pltpu.VMEM((_ROWS,), jnp.int32),
        pltpu.VMEM((_ROWS,), jnp.int32),
        pltpu.VMEM((_ROWS,), jnp.int32),
        _row_buf, _row_buf, _row_buf, _row_buf,
        _row_buf, _row_buf, _row_buf, _row_buf,
        pltpu.VMEM((_CH, _L), jnp.float32),
        pltpu.VMEM((_CH, _L), jnp.float32),
        pltpu.VMEM((_ROWS,), jnp.float32),
        pltpu.VMEM((_ROWS,), jnp.float32),
        pltpu.SemaphoreType.DMA,
        pltpu.SemaphoreType.DMA,
    ],
)(_tec_body)


def kernel(pos_hID, pos_rID, pos_tID, neg_tID, neg_hID, ent_emb, rel_emb):
    del neg_tID
    i32 = jnp.int32
    pos_score, neg_score = _transe_sc(
        pos_hID.astype(i32), pos_rID.astype(i32), pos_tID.astype(i32),
        neg_hID.astype(i32), ent_emb, rel_emb)
    return (pos_score, neg_score)

# --- scband reference (transcript-rebuilt; emitter-appended) ---
"""Pipeline reference for scband-trans-e-15805479649326 (READ-ONLY COPY).

The authoritative reference and input builder live on the scoring server;
editing this copy changes nothing except your own understanding.
"""

import jax, jax.numpy as jnp
import numpy as np

B = 16384
ENTNUM = 100000
RELNUM = 1000
EMBDIM = 128


def setup_inputs(seed: int = 0) -> dict:
    key = jax.random.key(seed)
    ks = jax.random.split(key, 7)
    pos_hID = jax.random.randint(ks[0], (B,), 0, ENTNUM, dtype=jnp.int64) if jax.config.jax_enable_x64 else jax.random.randint(ks[0], (B,), 0, ENTNUM)
    pos_rID = jax.random.randint(ks[1], (B,), 0, RELNUM)
    pos_tID = jax.random.randint(ks[2], (B,), 0, ENTNUM)
    neg_tID = jax.random.randint(ks[3], (B,), 0, ENTNUM)
    neg_hID = jax.random.randint(ks[4], (B,), 0, ENTNUM)
    # xavier_uniform-like init for embedding tables (learned params)
    ent_bound = float(np.sqrt(6.0 / (ENTNUM + EMBDIM)))
    rel_bound = float(np.sqrt(6.0 / (RELNUM + EMBDIM)))
    ent_emb = jax.random.uniform(ks[5], (ENTNUM, EMBDIM), jnp.float32, -ent_bound, ent_bound)
    rel_emb = jax.random.uniform(ks[6], (RELNUM, EMBDIM), jnp.float32, -rel_bound, rel_bound)
    return {
        "pos_hID": pos_hID,
        "pos_rID": pos_rID,
        "pos_tID": pos_tID,
        "neg_tID": neg_tID,
        "neg_hID": neg_hID,
        "ent_emb": ent_emb,
        "rel_emb": rel_emb,
    }


def _calc(h, t, r):
    return jnp.abs(h + r - t)


def reference(pos_hID, pos_rID, pos_tID, neg_tID, neg_hID, ent_emb, rel_emb):
    # embedding lookups (gather)
    p_h = jnp.take(ent_emb, pos_hID, axis=0)
    p_r = jnp.take(rel_emb, pos_rID, axis=0)
    p_t = jnp.take(ent_emb, pos_tID, axis=0)
    n_r = jnp.take(rel_emb, pos_rID, axis=0)
    # original code randomly corrupts head or tail; fixed to head-corruption
    # branch for determinism (head=True)
    n_h = jnp.take(ent_emb, neg_hID, axis=0)
    n_t = jnp.take(ent_emb, pos_tID, axis=0)
    pos_score = jnp.sum(_calc(p_h, p_t, p_r), axis=1)
    neg_score = jnp.sum(_calc(n_h, n_t, n_r), axis=1)
    return (pos_score, neg_score)

if __name__ == "__main__":
    import jax
    _d = setup_inputs()
    print(jax.jit(kernel)(*tuple(_d.values())))

</pallas_src>

<mosaic_0001>
#map = affine_map<(d0, d1) -> (0)>
#map1 = affine_map<(d0, d1) -> (0, 0)>
module attributes {stable_mosaic.version = 14 : i64} {
  func.func @_tec_body(%arg0: i32, %arg1: i32, %arg2: memref<16384xi32, #tpu.memory_space<hbm>>, %arg3: memref<16384xi32, #tpu.memory_space<hbm>>, %arg4: memref<16384xi32, #tpu.memory_space<hbm>>, %arg5: memref<16384xi32, #tpu.memory_space<hbm>>, %arg6: memref<100000x128xf32, #tpu.memory_space<hbm>>, %arg7: memref<1000x128xf32, #tpu.memory_space<hbm>>, %arg8: memref<16384xf32, #tpu.memory_space<hbm>>, %arg9: memref<16384xf32, #tpu.memory_space<hbm>>, %arg10: memref<512xi32, #tpu.memory_space<vmem>>, %arg11: memref<512xi32, #tpu.memory_space<vmem>>, %arg12: memref<512xi32, #tpu.memory_space<vmem>>, %arg13: memref<512xi32, #tpu.memory_space<vmem>>, %arg14: memref<64x128xf32, #tpu.memory_space<vmem>>, %arg15: memref<64x128xf32, #tpu.memory_space<vmem>>, %arg16: memref<64x128xf32, #tpu.memory_space<vmem>>, %arg17: memref<64x128xf32, #tpu.memory_space<vmem>>, %arg18: memref<64x128xf32, #tpu.memory_space<vmem>>, %arg19: memref<64x128xf32, #tpu.memory_space<vmem>>, %arg20: memref<64x128xf32, #tpu.memory_space<vmem>>, %arg21: memref<64x128xf32, #tpu.memory_space<vmem>>, %arg22: memref<64x16xf32, #tpu.memory_space<vmem>>, %arg23: memref<64x16xf32, #tpu.memory_space<vmem>>, %arg24: memref<512xf32, #tpu.memory_space<vmem>>, %arg25: memref<512xf32, #tpu.memory_space<vmem>>, %arg26: memref<!tpu.dma_semaphore, #tpu.memory_space<semaphore_mem>>, %arg27: memref<!tpu.dma_semaphore, #tpu.memory_space<semaphore_mem>>) attributes {dimension_semantics = [#tpu.dimension_semantics<core_parallel>, #tpu.dimension_semantics<subcore_parallel>], iteration_bounds = array<i64: 2, 16>, scalar_prefetch = 0 : i64, scratch_operands = 18 : i64, tpu.core_type = #tpu.core_type<sc_vector_subcore>, window_params = [{transform_indices = #map}, {transform_indices = #map}, {transform_indices = #map}, {transform_indices = #map}, {transform_indices = #map1}, {transform_indices = #map1}, {transform_indices = #map}, {transform_indices = #map}]} {
    %mul3A = arith.constant 2 : i32
    %mul3A_0 = arith.muli %arg1, %mul3A : i32
    %add3A = arith.addi %mul3A_0, %arg0 : i32
    %iota3A = tpu.iota {dimensions = array<i32: 0>} : vector<16xi32>
    %lt3A = arith.constant 8 : i32
    %lt3A_1 = vector.broadcast %lt3A : i32 to vector<16xi32>
    %lt3A_2 = arith.cmpi slt, %iota3A, %lt3A_1 : vector<16xi32>
    %and3A = arith.constant 7 : i32
    %and3A_3 = vector.broadcast %and3A : i32 to vector<16xi32>
    %and3A_4 = arith.andi %iota3A, %and3A_3 : vector<16xi32>
    %mul3A_5 = arith.constant 2 : i32
    %mul3A_6 = vector.broadcast %mul3A_5 : i32 to vector<16xi32>
    %mul3A_7 = arith.muli %and3A_4, %mul3A_6 : vector<16xi32>
    %add3A_8 = arith.constant 1 : i32
    %add3A_9 = vector.broadcast %add3A_8 : i32 to vector<16xi32>
    %add3A_10 = arith.addi %mul3A_7, %add3A_9 : vector<16xi32>
    %mul3A_11 = arith.constant 512 : i32
    %mul3A_12 = arith.muli %add3A, %mul3A_11 : i32
    %dma_start3A = arith.constant 0 : i32
    %dma_start3A_13 = tpu.memref_slice %arg10[%dma_start3A] : memref<512xi32, #tpu.memory_space<vmem>> -> memref<64xi32, #tpu.memory_space<vmem>>
    %dma_start3A_14 = tpu.memref_slice %arg2[%mul3A_12] : memref<16384xi32, #tpu.memory_space<hbm>> -> memref<64xi32, #tpu.memory_space<hbm>>
    %dma_start3A_15 = arith.constant 0 : i32
    %dma_start3A_16 = tpu.memref_slice %arg10[%dma_start3A_15] : memref<512xi32, #tpu.memory_space<vmem>> -> memref<64xi32, #tpu.memory_space<vmem>>
    %dma_start3A_17 = tpu.memref_slice %arg2[%mul3A_12] : memref<16384xi32, #tpu.memory_space<hbm>> -> memref<64xi32, #tpu.memory_space<hbm>>
    tpu.enqueue_dma source(%dma_start3A_17 : memref<64xi32, #tpu.memory_space<hbm>>) target(%dma_start3A_16 : memref<64xi32, #tpu.memory_space<vmem>>) target_semaphore(%arg26 : memref<!tpu.dma_semaphore, #tpu.memory_space<semaphore_mem>>)
    %dma_start3A_18 = arith.constant 0 : i32
    %dma_start3A_19 = tpu.memref_slice %arg11[%dma_start3A_18] : memref<512xi32, #tpu.memory_space<vmem>> -> memref<64xi32, #tpu.memory_space<vmem>>
    %dma_start3A_20 = tpu.memref_slice %arg3[%mul3A_12] : memref<16384xi32, #tpu.memory_space<hbm>> -> memref<64xi32, #tpu.memory_space<hbm>>
    %dma_start3A_21 = arith.constant 0 : i32
    %dma_start3A_22 = tpu.memref_slice %arg11[%dma_start3A_21] : memref<512xi32, #tpu.memory_space<vmem>> -> memref<64xi32, #tpu.memory_space<vmem>>
    %dma_start3A_23 = tpu.memref_slice %arg3[%mul3A_12] : memref<16384xi32, #tpu.memory_space<hbm>> -> memref<64xi32, #tpu.memory_space<hbm>>
    tpu.enqueue_dma source(%dma_start3A_23 : memref<64xi32, #tpu.memory_space<hbm>>) target(%dma_start3A_22 : memref<64xi32, #tpu.memory_space<vmem>>) target_semaphore(%arg26 : memref<!tpu.dma_semaphore, #tpu.memory_space<semaphore_mem>>)
    %dma_start3A_24 = arith.constant 0 : i32
    %dma_start3A_25 = tpu.memref_slice %arg12[%dma_start3A_24] : memref<512xi32, #tpu.memory_space<vmem>> -> memref<64xi32, #tpu.memory_space<vmem>>
    %dma_start3A_26 = tpu.memref_slice %arg4[%mul3A_12] : memref<16384xi32, #tpu.memory_space<hbm>> -> memref<64xi32, #tpu.memory_space<hbm>>
    %dma_start3A_27 = arith.constant 0 : i32
    %dma_start3A_28 = tpu.memref_slice %arg12[%dma_start3A_27] : memref<512xi32, #tpu.memory_space<vmem>> -> memref<64xi32, #tpu.memory_space<vmem>>
    %dma_start3A_29 = tpu.memref_slice %arg4[%mul3A_12] : memref<16384xi32, #tpu.memory_space<hbm>> -> memref<64xi32, #tpu.memory_space<hbm>>
    tpu.enqueue_dma source(%dma_start3A_29 : memref<64xi32, #tpu.memory_space<hbm>>) target(%dma_start3A_28 : memref<64xi32, #tpu.memory_space<vmem>>) target_semaphore(%arg26 : memref<!tpu.dma_semaphore, #tpu.memory_space<semaphore_mem>>)
    %dma_start3A_30 = arith.constant 0 : i32
    %dma_start3A_31 = tpu.memref_slice %arg13[%dma_start3A_30] : memref<512xi32, #tpu.memory_space<vmem>> -> memref<64xi32, #tpu.memory_space<vmem>>
    %dma_start3A_32 = tpu.memref_slice %arg5[%mul3A_12] : memref<16384xi32, #tpu.memory_space<hbm>> -> memref<64xi32, #tpu.memory_space<hbm>>
    %dma_start3A_33 = arith.constant 0 : i32
    %dma_start3A_34 = tpu.memref_slice %arg13[%dma_start3A_33] : memref<512xi32, #tpu.memory_space<vmem>> -> memref<64xi32, #tpu.memory_space<vmem>>
    %dma_start3A_35 = tpu.memref_slice %arg5[%mul3A_12] : memref<16384xi32, #tpu.memory_space<hbm>> -> memref<64xi32, #tpu.memory_space<hbm>>
    tpu.enqueue_dma source(%dma_start3A_35 : memref<64xi32, #tpu.memory_space<hbm>>) target(%dma_start3A_34 : memref<64xi32, #tpu.memory_space<vmem>>) target_semaphore(%arg26 : memref<!tpu.dma_semaphore, #tpu.memory_space<semaphore_mem>>)
    %dma_wait3A = arith.constant 0 : i32
    %dma_wait3A_36 = tpu.memref_slice %arg10[%dma_wait3A] : memref<512xi32, #tpu.memory_space<vmem>> -> memref<64xi32, #tpu.memory_space<vmem>>
    %dma_wait3A_37 = tpu.memref_slice %arg2[%mul3A_12] : memref<16384xi32, #tpu.memory_space<hbm>> -> memref<64xi32, #tpu.memory_space<hbm>>
    %dma_wait3A_38 = arith.constant 0 : i32
    %dma_wait3A_39 = tpu.memref_slice %arg10[%dma_wait3A_38] : memref<512xi32, #tpu.memory_space<vmem>> -> memref<64xi32, #tpu.memory_space<vmem>>
    %dma_wait3A_40 = tpu.memref_slice %arg2[%mul3A_12] : memref<16384xi32, #tpu.memory_space<hbm>> -> memref<64xi32, #tpu.memory_space<hbm>>
    tpu.wait_dma2 semaphore(%arg26 : memref<!tpu.dma_semaphore, #tpu.memory_space<semaphore_mem>>) src(%dma_wait3A_40 : memref<64xi32, #tpu.memory_space<hbm>>) dst(%dma_wait3A_39 : memref<64xi32, #tpu.memory_space<vmem>>)
    %dma_wait3A_41 = arith.constant 0 : i32
    %dma_wait3A_42 = tpu.memref_slice %arg11[%dma_wait3A_41] : memref<512xi32, #tpu.memory_space<vmem>> -> memref<64xi32, #tpu.memory_space<vmem>>
    %dma_wait3A_43 = tpu.memref_slice %arg3[%mul3A_12] : memref<16384xi32, #tpu.memory_space<hbm>> -> memref<64xi32, #tpu.memory_space<hbm>>
    %dma_wait3A_44 = arith.constant 0 : i32
    %dma_wait3A_45 = tpu.memref_slice %arg11[%dma_wait3A_44] : memref<512xi32, #tpu.memory_space<vmem>> -> memref<64xi32, #tpu.memory_space<vmem>>
    %dma_wait3A_46 = tpu.memref_slice %arg3[%mul3A_12] : memref<16384xi32, #tpu.memory_space<hbm>> -> memref<64xi32, #tpu.memory_space<hbm>>
    tpu.wait_dma2 semaphore(%arg26 : memref<!tpu.dma_semaphore, #tpu.memory_space<semaphore_mem>>) src(%dma_wait3A_46 : memref<64xi32, #tpu.memory_space<hbm>>) dst(%dma_wait3A_45 : memref<64xi32, #tpu.memory_space<vmem>>)
    %dma_wait3A_47 = arith.constant 0 : i32
    %dma_wait3A_48 = tpu.memref_slice %arg12[%dma_wait3A_47] : memref<512xi32, #tpu.memory_space<vmem>> -> memref<64xi32, #tpu.memory_space<vmem>>
    %dma_wait3A_49 = tpu.memref_slice %arg4[%mul3A_12] : memref<16384xi32, #tpu.memory_space<hbm>> -> memref<64xi32, #tpu.memory_space<hbm>>
    %dma_wait3A_50 = arith.constant 0 : i32
    %dma_wait3A_51 = tpu.memref_slice %arg12[%dma_wait3A_50] : memref<512xi32, #tpu.memory_space<vmem>> -> memref<64xi32, #tpu.memory_space<vmem>>
    %dma_wait3A_52 = tpu.memref_slice %arg4[%mul3A_12] : memref<16384xi32, #tpu.memory_space<hbm>> -> memref<64xi32, #tpu.memory_space<hbm>>
    tpu.wait_dma2 semaphore(%arg26 : memref<!tpu.dma_semaphore, #tpu.memory_space<semaphore_mem>>) src(%dma_wait3A_52 : memref<64xi32, #tpu.memory_space<hbm>>) dst(%dma_wait3A_51 : memref<64xi32, #tpu.memory_space<vmem>>)
    %dma_wait3A_53 = arith.constant 0 : i32
    %dma_wait3A_54 = tpu.memref_slice %arg13[%dma_wait3A_53] : memref<512xi32, #tpu.memory_space<vmem>> -> memref<64xi32, #tpu.memory_space<vmem>>
    %dma_wait3A_55 = tpu.memref_slice %arg5[%mul3A_12] : memref<16384xi32, #tpu.memory_space<hbm>> -> memref<64xi32, #tpu.memory_space<hbm>>
    %dma_wait3A_56 = arith.constant 0 : i32
    %dma_wait3A_57 = tpu.memref_slice %arg13[%dma_wait3A_56] : memref<512xi32, #tpu.memory_space<vmem>> -> memref<64xi32, #tpu.memory_space<vmem>>
    %dma_wait3A_58 = tpu.memref_slice %arg5[%mul3A_12] : memref<16384xi32, #tpu.memory_space<hbm>> -> memref<64xi32, #tpu.memory_space<hbm>>
    tpu.wait_dma2 semaphore(%arg26 : memref<!tpu.dma_semaphore, #tpu.memory_space<semaphore_mem>>) src(%dma_wait3A_58 : memref<64xi32, #tpu.memory_space<hbm>>) dst(%dma_wait3A_57 : memref<64xi32, #tpu.memory_space<vmem>>)
    %dma_start3A_59 = arith.constant 0 : i32
    %dma_start3A_60 = tpu.memref_slice %arg10[%dma_start3A_59] : memref<512xi32, #tpu.memory_space<vmem>> -> memref<64xi32, #tpu.memory_space<vmem>>
    %dma_start3A_61 = arith.constant 0 : i32
    %dma_start3A_62 = arith.constant 0 : i32
    %dma_start3A_63 = tpu.memref_slice %arg6[%dma_start3A_61, %dma_start3A_62] : memref<100000x128xf32, #tpu.memory_space<hbm>> -> memref<100000x128xf32, #tpu.memory_space<hbm>>
    tpu.enqueue_indirect_dma source(%dma_start3A_63 : memref<100000x128xf32, #tpu.memory_space<hbm>>) target(%arg14 : memref<64x128xf32, #tpu.memory_space<vmem>>) offsets(%dma_start3A_60 : memref<64xi32, #tpu.memory_space<vmem>>) semaphore(%arg26 : memref<!tpu.dma_semaphore, #tpu.memory_space<semaphore_mem>>)
    %dma_start3A_64 = arith.constant 0 : i32
    %dma_start3A_65 = tpu.memref_slice %arg11[%dma_start3A_64] : memref<512xi32, #tpu.memory_space<vmem>> -> memref<64xi32, #tpu.memory_space<vmem>>
    %dma_start3A_66 = arith.constant 0 : i32
    %dma_start3A_67 = arith.constant 0 : i32
    %dma_start3A_68 = tpu.memref_slice %arg7[%dma_start3A_66, %dma_start3A_67] : memref<1000x128xf32, #tpu.memory_space<hbm>> -> memref<1000x128xf32, #tpu.memory_space<hbm>>
    tpu.enqueue_indirect_dma source(%dma_start3A_68 : memref<1000x128xf32, #tpu.memory_space<hbm>>) target(%arg15 : memref<64x128xf32, #tpu.memory_space<vmem>>) offsets(%dma_start3A_65 : memref<64xi32, #tpu.memory_space<vmem>>) semaphore(%arg26 : memref<!tpu.dma_semaphore, #tpu.memory_space<semaphore_mem>>)
    %dma_start3A_69 = arith.constant 0 : i32
    %dma_start3A_70 = tpu.memref_slice %arg12[%dma_start3A_69] : memref<512xi32, #tpu.memory_space<vmem>> -> memref<64xi32, #tpu.memory_space<vmem>>
    %dma_start3A_71 = arith.constant 0 : i32
    %dma_start3A_72 = arith.constant 0 : i32
    %dma_start3A_73 = tpu.memref_slice %arg6[%dma_start3A_71, %dma_start3A_72] : memref<100000x128xf32, #tpu.memory_space<hbm>> -> memref<100000x128xf32, #tpu.memory_space<hbm>>
    tpu.enqueue_indirect_dma source(%dma_start3A_73 : memref<100000x128xf32, #tpu.memory_space<hbm>>) target(%arg16 : memref<64x128xf32, #tpu.memory_space<vmem>>) offsets(%dma_start3A_70 : memref<64xi32, #tpu.memory_space<vmem>>) semaphore(%arg26 : memref<!tpu.dma_semaphore, #tpu.memory_space<semaphore_mem>>)
    %dma_start3A_74 = arith.constant 0 : i32
    %dma_start3A_75 = tpu.memref_slice %arg13[%dma_start3A_74] : memref<512xi32, #tpu.memory_space<vmem>> -> memref<64xi32, #tpu.memory_space<vmem>>
    %dma_start3A_76 = arith.constant 0 : i32
    %dma_start3A_77 = arith.constant 0 : i32
    %dma_start3A_78 = tpu.memref_slice %arg6[%dma_start3A_76, %dma_start3A_77] : memref<100000x128xf32, #tpu.memory_space<hbm>> -> memref<100000x128xf32, #tpu.memory_space<hbm>>
    tpu.enqueue_indirect_dma source(%dma_start3A_78 : memref<100000x128xf32, #tpu.memory_space<hbm>>) target(%arg17 : memref<64x128xf32, #tpu.memory_space<vmem>>) offsets(%dma_start3A_75 : memref<64xi32, #tpu.memory_space<vmem>>) semaphore(%arg26 : memref<!tpu.dma_semaphore, #tpu.memory_space<semaphore_mem>>)
    %mul3A_79 = arith.constant 512 : i32
    %mul3A_80 = arith.muli %add3A, %mul3A_79 : i32
    %add3A_81 = arith.constant 64 : i32
    %add3A_82 = arith.addi %mul3A_80, %add3A_81 : i32
    %dma_start3A_83 = arith.constant 64 : i32
    %dma_start3A_84 = tpu.memref_slice %arg10[%dma_start3A_83] : memref<512xi32, #tpu.memory_space<vmem>> -> memref<448xi32, #tpu.memory_space<vmem>>
    %dma_start3A_85 = tpu.memref_slice %arg2[%add3A_82] : memref<16384xi32, #tpu.memory_space<hbm>> -> memref<448xi32, #tpu.memory_space<hbm>>
    %dma_start3A_86 = arith.constant 64 : i32
    %dma_start3A_87 = tpu.memref_slice %arg10[%dma_start3A_86] : memref<512xi32, #tpu.memory_space<vmem>> -> memref<448xi32, #tpu.memory_space<vmem>>
    %dma_start3A_88 = tpu.memref_slice %arg2[%add3A_82] : memref<16384xi32, #tpu.memory_space<hbm>> -> memref<448xi32, #tpu.memory_space<hbm>>
    tpu.enqueue_dma source(%dma_start3A_88 : memref<448xi32, #tpu.memory_space<hbm>>) target(%dma_start3A_87 : memref<448xi32, #tpu.memory_space<vmem>>) target_semaphore(%arg27 : memref<!tpu.dma_semaphore, #tpu.memory_space<semaphore_mem>>)
    %dma_start3A_89 = arith.constant 64 : i32
    %dma_start3A_90 = tpu.memref_slice %arg11[%dma_start3A_89] : memref<512xi32, #tpu.memory_space<vmem>> -> memref<448xi32, #tpu.memory_space<vmem>>
    %dma_start3A_91 = tpu.memref_slice %arg3[%add3A_82] : memref<16384xi32, #tpu.memory_space<hbm>> -> memref<448xi32, #tpu.memory_space<hbm>>
    %dma_start3A_92 = arith.constant 64 : i32
    %dma_start3A_93 = tpu.memref_slice %arg11[%dma_start3A_92] : memref<512xi32, #tpu.memory_space<vmem>> -> memref<448xi32, #tpu.memory_space<vmem>>
    %dma_start3A_94 = tpu.memref_slice %arg3[%add3A_82] : memref<16384xi32, #tpu.memory_space<hbm>> -> memref<448xi32, #tpu.memory_space<hbm>>
    tpu.enqueue_dma source(%dma_start3A_94 : memref<448xi32, #tpu.memory_space<hbm>>) target(%dma_start3A_93 : memref<448xi32, #tpu.memory_space<vmem>>) target_semaphore(%arg27 : memref<!tpu.dma_semaphore, #tpu.memory_space<semaphore_mem>>)
    %dma_start3A_95 = arith.constant 64 : i32
    %dma_start3A_96 = tpu.memref_slice %arg12[%dma_start3A_95] : memref<512xi32, #tpu.memory_space<vmem>> -> memref<448xi32, #tpu.memory_space<vmem>>
    %dma_start3A_97 = tpu.memref_slice %arg4[%add3A_82] : memref<16384xi32, #tpu.memory_space<hbm>> -> memref<448xi32, #tpu.memory_space<hbm>>
    %dma_start3A_98 = arith.constant 64 : i32
    %dma_start3A_99 = tpu.memref_slice %arg12[%dma_start3A_98] : memref<512xi32, #tpu.memory_space<vmem>> -> memref<448xi32, #tpu.memory_space<vmem>>
    %dma_start3A_100 = tpu.memref_slice %arg4[%add3A_82] : memref<16384xi32, #tpu.memory_space<hbm>> -> memref<448xi32, #tpu.memory_space<hbm>>
    tpu.enqueue_dma source(%dma_start3A_100 : memref<448xi32, #tpu.memory_space<hbm>>) target(%dma_start3A_99 : memref<448xi32, #tpu.memory_space<vmem>>) target_semaphore(%arg27 : memref<!tpu.dma_semaphore, #tpu.memory_space<semaphore_mem>>)
    %dma_start3A_101 = arith.constant 64 : i32
    %dma_start3A_102 = tpu.memref_slice %arg13[%dma_start3A_101] : memref<512xi32, #tpu.memory_space<vmem>> -> memref<448xi32, #tpu.memory_space<vmem>>
    %dma_start3A_103 = tpu.memref_slice %arg5[%add3A_82] : memref<16384xi32, #tpu.memory_space<hbm>> -> memref<448xi32, #tpu.memory_space<hbm>>
    %dma_start3A_104 = arith.constant 64 : i32
    %dma_start3A_105 = tpu.memref_slice %arg13[%dma_start3A_104] : memref<512xi32, #tpu.memory_space<vmem>> -> memref<448xi32, #tpu.memory_space<vmem>>
    %dma_start3A_106 = tpu.memref_slice %arg5[%add3A_82] : memref<16384xi32, #tpu.memory_space<hbm>> -> memref<448xi32, #tpu.memory_space<hbm>>
    tpu.enqueue_dma source(%dma_start3A_106 : memref<448xi32, #tpu.memory_space<hbm>>) target(%dma_start3A_105 : memref<448xi32, #tpu.memory_space<vmem>>) target_semaphore(%arg27 : memref<!tpu.dma_semaphore, #tpu.memory_space<semaphore_mem>>)
    %dma_wait3A_107 = arith.constant 64 : i32
    %dma_wait3A_108 = tpu.memref_slice %arg10[%dma_wait3A_107] : memref<512xi32, #tpu.memory_space<vmem>> -> memref<448xi32, #tpu.memory_space<vmem>>
    %dma_wait3A_109 = tpu.memref_slice %arg2[%add3A_82] : memref<16384xi32, #tpu.memory_space<hbm>> -> memref<448xi32, #tpu.memory_space<hbm>>
    %dma_wait3A_110 = arith.constant 64 : i32
    %dma_wait3A_111 = tpu.memref_slice %arg10[%dma_wait3A_110] : memref<512xi32, #tpu.memory_space<vmem>> -> memref<448xi32, #tpu.memory_space<vmem>>
    %dma_wait3A_112 = tpu.memref_slice %arg2[%add3A_82] : memref<16384xi32, #tpu.memory_space<hbm>> -> memref<448xi32, #tpu.memory_space<hbm>>
    tpu.wait_dma2 semaphore(%arg27 : memref<!tpu.dma_semaphore, #tpu.memory_space<semaphore_mem>>) src(%dma_wait3A_112 : memref<448xi32, #tpu.memory_space<hbm>>) dst(%dma_wait3A_111 : memref<448xi32, #tpu.memory_space<vmem>>)
    %dma_wait3A_113 = arith.constant 64 : i32
    %dma_wait3A_114 = tpu.memref_slice %arg11[%dma_wait3A_113] : memref<512xi32, #tpu.memory_space<vmem>> -> memref<448xi32, #tpu.memory_space<vmem>>
    %dma_wait3A_115 = tpu.memref_slice %arg3[%add3A_82] : memref<16384xi32, #tpu.memory_space<hbm>> -> memref<448xi32, #tpu.memory_space<hbm>>
    %dma_wait3A_116 = arith.constant 64 : i32
    %dma_wait3A_117 = tpu.memref_slice %arg11[%dma_wait3A_116] : memref<512xi32, #tpu.memory_space<vmem>> -> memref<448xi32, #tpu.memory_space<vmem>>
    %dma_wait3A_118 = tpu.memref_slice %arg3[%add3A_82] : memref<16384xi32, #tpu.memory_space<hbm>> -> memref<448xi32, #tpu.memory_space<hbm>>
    tpu.wait_dma2 semaphore(%arg27 : memref<!tpu.dma_semaphore, #tpu.memory_space<semaphore_mem>>) src(%dma_wait3A_118 : memref<448xi32, #tpu.memory_space<hbm>>) dst(%dma_wait3A_117 : memref<448xi32, #tpu.memory_space<vmem>>)
    %dma_wait3A_119 = arith.constant 64 : i32
    %dma_wait3A_120 = tpu.memref_slice %arg12[%dma_wait3A_119] : memref<512xi32, #tpu.memory_space<vmem>> -> memref<448xi32, #tpu.memory_space<vmem>>
    %dma_wait3A_121 = tpu.memref_slice %arg4[%add3A_82] : memref<16384xi32, #tpu.memory_space<hbm>> -> memref<448xi32, #tpu.memory_space<hbm>>
    %dma_wait3A_122 = arith.constant 64 : i32
    %dma_wait3A_123 = tpu.memref_slice %arg12[%dma_wait3A_122] : memref<512xi32, #tpu.memory_space<vmem>> -> memref<448xi32, #tpu.memory_space<vmem>>
    %dma_wait3A_124 = tpu.memref_slice %arg4[%add3A_82] : memref<16384xi32, #tpu.memory_space<hbm>> -> memref<448xi32, #tpu.memory_space<hbm>>
    tpu.wait_dma2 semaphore(%arg27 : memref<!tpu.dma_semaphore, #tpu.memory_space<semaphore_mem>>) src(%dma_wait3A_124 : memref<448xi32, #tpu.memory_space<hbm>>) dst(%dma_wait3A_123 : memref<448xi32, #tpu.memory_space<vmem>>)
    %dma_wait3A_125 = arith.constant 64 : i32
    %dma_wait3A_126 = tpu.memref_slice %arg13[%dma_wait3A_125] : memref<512xi32, #tpu.memory_space<vmem>> -> memref<448xi32, #tpu.memory_space<vmem>>
    %dma_wait3A_127 = tpu.memref_slice %arg5[%add3A_82] : memref<16384xi32, #tpu.memory_space<hbm>> -> memref<448xi32, #tpu.memory_space<hbm>>
    %dma_wait3A_128 = arith.constant 64 : i32
    %dma_wait3A_129 = tpu.memref_slice %arg13[%dma_wait3A_128] : memref<512xi32, #tpu.memory_space<vmem>> -> memref<448xi32, #tpu.memory_space<vmem>>
    %dma_wait3A_130 = tpu.memref_slice %arg5[%add3A_82] : memref<16384xi32, #tpu.memory_space<hbm>> -> memref<448xi32, #tpu.memory_space<hbm>>
    tpu.wait_dma2 semaphore(%arg27 : memref<!tpu.dma_semaphore, #tpu.memory_space<semaphore_mem>>) src(%dma_wait3A_130 : memref<448xi32, #tpu.memory_space<hbm>>) dst(%dma_wait3A_129 : memref<448xi32, #tpu.memory_space<vmem>>)
    %scan3A = arith.constant 0 : i32
    %scan3A_131 = arith.constant 0 : i32
    %scan3A_132 = arith.constant 4 : i32
    %scan3A_133 = arith.addi %scan3A_131, %scan3A_132 : i32
    %scan3A_134 = arith.constant 1 : i32
    scf.for %scan3A_146 = %scan3A_131 to %scan3A_133 step %scan3A_134  : i32 {
      %mul3A_147 = arith.constant 2 : i32
      %mul3A_148 = arith.muli %mul3A_147, %scan3A_146 : i32
      %add3A_149 = arith.constant 1 : i32
      %add3A_150 = arith.addi %mul3A_148, %add3A_149 : i32
      %mul3A_151 = arith.constant 64 : i32
      %mul3A_152 = arith.muli %add3A_150, %mul3A_151 : i32
      %dma_start3A_153 = tpu.memref_slice %arg10[%mul3A_152] : memref<512xi32, #tpu.memory_space<vmem>> -> memref<64xi32, #tpu.memory_space<vmem>>
      %dma_start3A_154 = arith.constant 0 : i32
      %dma_start3A_155 = arith.constant 0 : i32
      %dma_start3A_156 = tpu.memref_slice %arg6[%dma_start3A_154, %dma_start3A_155] : memref<100000x128xf32, #tpu.memory_space<hbm>> -> memref<100000x128xf32, #tpu.memory_space<hbm>>
      tpu.enqueue_indirect_dma source(%dma_start3A_156 : memref<100000x128xf32, #tpu.memory_space<hbm>>) target(%arg18 : memref<64x128xf32, #tpu.memory_space<vmem>>) offsets(%dma_start3A_153 : memref<64xi32, #tpu.memory_space<vmem>>) semaphore(%arg27 : memref<!tpu.dma_semaphore, #tpu.memory_space<semaphore_mem>>)
      %dma_start3A_157 = tpu.memref_slice %arg11[%mul3A_152] : memref<512xi32, #tpu.memory_space<vmem>> -> memref<64xi32, #tpu.memory_space<vmem>>
      %dma_start3A_158 = arith.constant 0 : i32
      %dma_start3A_159 = arith.constant 0 : i32
      %dma_start3A_160 = tpu.memref_slice %arg7[%dma_start3A_158, %dma_start3A_159] : memref<1000x128xf32, #tpu.memory_space<hbm>> -> memref<1000x128xf32, #tpu.memory_space<hbm>>
      tpu.enqueue_indirect_dma source(%dma_start3A_160 : memref<1000x128xf32, #tpu.memory_space<hbm>>) target(%arg19 : memref<64x128xf32, #tpu.memory_space<vmem>>) offsets(%dma_start3A_157 : memref<64xi32, #tpu.memory_space<vmem>>) semaphore(%arg27 : memref<!tpu.dma_semaphore, #tpu.memory_space<semaphore_mem>>)
      %dma_start3A_161 = tpu.memref_slice %arg12[%mul3A_152] : memref<512xi32, #tpu.memory_space<vmem>> -> memref<64xi32, #tpu.memory_space<vmem>>
      %dma_start3A_162 = arith.constant 0 : i32
      %dma_start3A_163 = arith.constant 0 : i32
      %dma_start3A_164 = tpu.memref_slice %arg6[%dma_start3A_162, %dma_start3A_163] : memref<100000x128xf32, #tpu.memory_space<hbm>> -> memref<100000x128xf32, #tpu.memory_space<hbm>>
      tpu.enqueue_indirect_dma source(%dma_start3A_164 : memref<100000x128xf32, #tpu.memory_space<hbm>>) target(%arg20 : memref<64x128xf32, #tpu.memory_space<vmem>>) offsets(%dma_start3A_161 : memref<64xi32, #tpu.memory_space<vmem>>) semaphore(%arg27 : memref<!tpu.dma_semaphore, #tpu.memory_space<semaphore_mem>>)
      %dma_start3A_165 = tpu.memref_slice %arg13[%mul3A_152] : memref<512xi32, #tpu.memory_space<vmem>> -> memref<64xi32, #tpu.memory_space<vmem>>
      %dma_start3A_166 = arith.constant 0 : i32
      %dma_start3A_167 = arith.constant 0 : i32
      %dma_start3A_168 = tpu.memref_slice %arg6[%dma_start3A_166, %dma_start3A_167] : memref<100000x128xf32, #tpu.memory_space<hbm>> -> memref<100000x128xf32, #tpu.memory_space<hbm>>
      tpu.enqueue_indirect_dma source(%dma_start3A_168 : memref<100000x128xf32, #tpu.memory_space<hbm>>) target(%arg21 : memref<64x128xf32, #tpu.memory_space<vmem>>) offsets(%dma_start3A_165 : memref<64xi32, #tpu.memory_space<vmem>>) semaphore(%arg27 : memref<!tpu.dma_semaphore, #tpu.memory_space<semaphore_mem>>)
      %dma_wait3A_169 = arith.constant 0 : i32
      %dma_wait3A_170 = arith.constant 0 : i32
      %dma_wait3A_171 = tpu.memref_slice %arg6[%dma_wait3A_169, %dma_wait3A_170] : memref<100000x128xf32, #tpu.memory_space<hbm>> -> memref<64x128xf32, #tpu.memory_space<hbm>>
      %dma_wait3A_172 = arith.constant 0 : i32
      %dma_wait3A_173 = arith.constant 0 : i32
      %dma_wait3A_174 = tpu.memref_slice %arg6[%dma_wait3A_172, %dma_wait3A_173] : memref<100000x128xf32, #tpu.memory_space<hbm>> -> memref<64x128xf32, #tpu.memory_space<hbm>>
      tpu.wait_dma2 semaphore(%arg26 : memref<!tpu.dma_semaphore, #tpu.memory_space<semaphore_mem>>) src(%dma_wait3A_174 : memref<64x128xf32, #tpu.memory_space<hbm>>) dst(%arg14 : memref<64x128xf32, #tpu.memory_space<vmem>>)
      %dma_wait3A_175 = arith.constant 0 : i32
      %dma_wait3A_176 = arith.constant 0 : i32
      %dma_wait3A_177 = tpu.memref_slice %arg7[%dma_wait3A_175, %dma_wait3A_176] : memref<1000x128xf32, #tpu.memory_space<hbm>> -> memref<64x128xf32, #tpu.memory_space<hbm>>
      %dma_wait3A_178 = arith.constant 0 : i32
      %dma_wait3A_179 = arith.constant 0 : i32
      %dma_wait3A_180 = tpu.memref_slice %arg7[%dma_wait3A_178, %dma_wait3A_179] : memref<1000x128xf32, #tpu.memory_space<hbm>> -> memref<64x128xf32, #tpu.memory_space<hbm>>
      tpu.wait_dma2 semaphore(%arg26 : memref<!tpu.dma_semaphore, #tpu.memory_space<semaphore_mem>>) src(%dma_wait3A_180 : memref<64x128xf32, #tpu.memory_space<hbm>>) dst(%arg15 : memref<64x128xf32, #tpu.memory_space<vmem>>)
      %dma_wait3A_181 = arith.constant 0 : i32
      %dma_wait3A_182 = arith.constant 0 : i32
      %dma_wait3A_183 = tpu.memref_slice %arg6[%dma_wait3A_181, %dma_wait3A_182] : memref<100000x128xf32, #tpu.memory_space<hbm>> -> memref<64x128xf32, #tpu.memory_space<hbm>>
      %dma_wait3A_184 = arith.constant 0 : i32
      %dma_wait3A_185 = arith.constant 0 : i32
      %dma_wait3A_186 = tpu.memref_slice %arg6[%dma_wait3A_184, %dma_wait3A_185] : memref<100000x128xf32, #tpu.memory_space<hbm>> -> memref<64x128xf32, #tpu.memory_space<hbm>>
      tpu.wait_dma2 semaphore(%arg26 : memref<!tpu.dma_semaphore, #tpu.memory_space<semaphore_mem>>) src(%dma_wait3A_186 : memref<64x128xf32, #tpu.memory_space<hbm>>) dst(%arg16 : memref<64x128xf32, #tpu.memory_space<vmem>>)
      %dma_wait3A_187 = arith.constant 0 : i32
      %dma_wait3A_188 = arith.constant 0 : i32
      %dma_wait3A_189 = tpu.memref_slice %arg6[%dma_wait3A_187, %dma_wait3A_188] : memref<100000x128xf32, #tpu.memory_space<hbm>> -> memref<64x128xf32, #tpu.memory_space<hbm>>
      %dma_wait3A_190 = arith.constant 0 : i32
      %dma_wait3A_191 = arith.constant 0 : i32
      %dma_wait3A_192 = tpu.memref_slice %arg6[%dma_wait3A_190, %dma_wait3A_191] : memref<100000x128xf32, #tpu.memory_space<hbm>> -> memref<64x128xf32, #tpu.memory_space<hbm>>
      tpu.wait_dma2 semaphore(%arg26 : memref<!tpu.dma_semaphore, #tpu.memory_space<semaphore_mem>>) src(%dma_wait3A_192 : memref<64x128xf32, #tpu.memory_space<hbm>>) dst(%arg17 : memref<64x128xf32, #tpu.memory_space<vmem>>)
      %mul3A_193 = arith.constant 64 : i32
      %mul3A_194 = arith.muli %mul3A_148, %mul3A_193 : i32
      %parallel_loop3A = arith.constant 0 : i32
      %parallel_loop3A_195 = arith.constant 64 : i32
      %parallel_loop3A_196 = arith.constant 1 : i32
      scf.for %parallel_loop3A_237 = %parallel_loop3A to %parallel_loop3A_195 step %parallel_loop3A_196  : i32 {
        %parallel_loop3A_238 = arith.index_cast %parallel_loop3A_237 : i32 to index
        %parallel_loop3A_239 = arith.constant 0 : index
        %parallel_loop3A_240 = tpu.vector_load %arg15[%parallel_loop3A_238, %parallel_loop3A_239] {strides = array<i32>} : memref<64x128xf32, #tpu.memory_space<vmem>>, vector<1x16xf32>,
        %parallel_loop3A_241 = vector.shape_cast %parallel_loop3A_240 : vector<1x16xf32> to vector<16xf32>
        %parallel_loop3A_242 = arith.index_cast %parallel_loop3A_237 : i32 to index
        %parallel_loop3A_243 = arith.constant 0 : index
        %parallel_loop3A_244 = tpu.vector_load %arg16[%parallel_loop3A_242, %parallel_loop3A_243] {strides = array<i32>} : memref<64x128xf32, #tpu.memory_space<vmem>>, vector<1x16xf32>,
        %parallel_loop3A_245 = vector.shape_cast %parallel_loop3A_244 : vector<1x16xf32> to vector<16xf32>
        %parallel_loop3A_246 = arith.subf %parallel_loop3A_241, %parallel_loop3A_245 : vector<16xf32>
        %parallel_loop3A_247 = arith.index_cast %parallel_loop3A_237 : i32 to index
        %parallel_loop3A_248 = arith.constant 0 : index
        %parallel_loop3A_249 = tpu.vector_load %arg14[%parallel_loop3A_247, %parallel_loop3A_248] {strides = array<i32>} : memref<64x128xf32, #tpu.memory_space<vmem>>, vector<1x16xf32>,
        %parallel_loop3A_250 = vector.shape_cast %parallel_loop3A_249 : vector<1x16xf32> to vector<16xf32>
        %parallel_loop3A_251 = arith.addf %parallel_loop3A_250, %parallel_loop3A_246 : vector<16xf32>
        %parallel_loop3A_252 = math.absf %parallel_loop3A_251 : vector<16xf32>
        %parallel_loop3A_253 = arith.index_cast %parallel_loop3A_237 : i32 to index
        %parallel_loop3A_254 = arith.constant 0 : index
        %parallel_loop3A_255 = tpu.vector_load %arg17[%parallel_loop3A_253, %parallel_loop3A_254] {strides = array<i32>} : memref<64x128xf32, #tpu.memory_space<vmem>>, vector<1x16xf32>,
        %parallel_loop3A_256 = vector.shape_cast %parallel_loop3A_255 : vector<1x16xf32> to vector<16xf32>
        %parallel_loop3A_257 = arith.addf %parallel_loop3A_256, %parallel_loop3A_246 : vector<16xf32>
        %parallel_loop3A_258 = math.absf %parallel_loop3A_257 : vector<16xf32>
        %parallel_loop3A_259 = arith.index_cast %parallel_loop3A_237 : i32 to index
        %parallel_loop3A_260 = arith.constant 16 : index
        %parallel_loop3A_261 = tpu.vector_load %arg15[%parallel_loop3A_259, %parallel_loop3A_260] {strides = array<i32>} : memref<64x128xf32, #tpu.memory_space<vmem>>, vector<1x16xf32>,
        %parallel_loop3A_262 = vector.shape_cast %parallel_loop3A_261 : vector<1x16xf32> to vector<16xf32>
        %parallel_loop3A_263 = arith.index_cast %parallel_loop3A_237 : i32 to index
        %parallel_loop3A_264 = arith.constant 16 : index
        %parallel_loop3A_265 = tpu.vector_load %arg16[%parallel_loop3A_263, %parallel_loop3A_264] {strides = array<i32>} : memref<64x128xf32, #tpu.memory_space<vmem>>, vector<1x16xf32>,
        %parallel_loop3A_266 = vector.shape_cast %parallel_loop3A_265 : vector<1x16xf32> to vector<16xf32>
        %parallel_loop3A_267 = arith.subf %parallel_loop3A_262, %parallel_loop3A_266 : vector<16xf32>
        %parallel_loop3A_268 = arith.index_cast %parallel_loop3A_237 : i32 to index
        %parallel_loop3A_269 = arith.constant 16 : index
        %parallel_loop3A_270 = tpu.vector_load %arg14[%parallel_loop3A_268, %parallel_loop3A_269] {strides = array<i32>} : memref<64x128xf32, #tpu.memory_space<vmem>>, vector<1x16xf32>,
        %parallel_loop3A_271 = vector.shape_cast %parallel_loop3A_270 : vector<1x16xf32> to vector<16xf32>
        %parallel_loop3A_272 = arith.addf %parallel_loop3A_271, %parallel_loop3A_267 : vector<16xf32>
        %parallel_loop3A_273 = math.absf %parallel_loop3A_272 : vector<16xf32>
        %parallel_loop3A_274 = arith.index_cast %parallel_loop3A_237 : i32 to index
        %parallel_loop3A_275 = arith.constant 16 : index
        %parallel_loop3A_276 = tpu.vector_load %arg17[%parallel_loop3A_274, %parallel_loop3A_275] {strides = array<i32>} : memref<64x128xf32, #tpu.memory_space<vmem>>, vector<1x16xf32>,
        %parallel_loop3A_277 = vector.shape_cast %parallel_loop3A_276 : vector<1x16xf32> to vector<16xf32>
        %parallel_loop3A_278 = arith.addf %parallel_loop3A_277, %parallel_loop3A_267 : vector<16xf32>
        %parallel_loop3A_279 = math.absf %parallel_loop3A_278 : vector<16xf32>
        %parallel_loop3A_280 = arith.index_cast %parallel_loop3A_237 : i32 to index
        %parallel_loop3A_281 = arith.constant 32 : index
        %parallel_loop3A_282 = tpu.vector_load %arg15[%parallel_loop3A_280, %parallel_loop3A_281] {strides = array<i32>} : memref<64x128xf32, #tpu.memory_space<vmem>>, vector<1x16xf32>,
        %parallel_loop3A_283 = vector.shape_cast %parallel_loop3A_282 : vector<1x16xf32> to vector<16xf32>
        %parallel_loop3A_284 = arith.index_cast %parallel_loop3A_237 : i32 to index
        %parallel_loop3A_285 = arith.constant 32 : index
        %parallel_loop3A_286 = tpu.vector_load %arg16[%parallel_loop3A_284, %parallel_loop3A_285] {strides = array<i32>} : memref<64x128xf32, #tpu.memory_space<vmem>>, vector<1x16xf32>,
        %parallel_loop3A_287 = vector.shape_cast %parallel_loop3A_286 : vector<1x16xf32> to vector<16xf32>
        %parallel_loop3A_288 = arith.subf %parallel_loop3A_283, %parallel_loop3A_287 : vector<16xf32>
        %parallel_loop3A_289 = arith.index_cast %parallel_loop3A_237 : i32 to index
        %parallel_loop3A_290 = arith.constant 32 : index
        %parallel_loop3A_291 = tpu.vector_load %arg14[%parallel_loop3A_289, %parallel_loop3A_290] {strides = array<i32>} : memref<64x128xf32, #tpu.memory_space<vmem>>, vector<1x16xf32>,
        %parallel_loop3A_292 = vector.shape_cast %parallel_loop3A_291 : vector<1x16xf32> to vector<16xf32>
        %parallel_loop3A_293 = arith.addf %parallel_loop3A_292, %parallel_loop3A_288 : vector<16xf32>
        %parallel_loop3A_294 = math.absf %parallel_loop3A_293 : vector<16xf32>
        %parallel_loop3A_295 = arith.index_cast %parallel_loop3A_237 : i32 to index
        %parallel_loop3A_296 = arith.constant 32 : index
        %parallel_loop3A_297 = tpu.vector_load %arg17[%parallel_loop3A_295, %parallel_loop3A_296] {strides = array<i32>} : memref<64x128xf32, #tpu.memory_space<vmem>>, vector<1x16xf32>,
        %parallel_loop3A_298 = vector.shape_cast %parallel_loop3A_297 : vector<1x16xf32> to vector<16xf32>
        %parallel_loop3A_299 = arith.addf %parallel_loop3A_298, %parallel_loop3A_288 : vector<16xf32>
        %parallel_loop3A_300 = math.absf %parallel_loop3A_299 : vector<16xf32>
        %parallel_loop3A_301 = arith.index_cast %parallel_loop3A_237 : i32 to index
        %parallel_loop3A_302 = arith.constant 48 : index
        %parallel_loop3A_303 = tpu.vector_load %arg15[%parallel_loop3A_301, %parallel_loop3A_302] {strides = array<i32>} : memref<64x128xf32, #tpu.memory_space<vmem>>, vector<1x16xf32>,
        %parallel_loop3A_304 = vector.shape_cast %parallel_loop3A_303 : vector<1x16xf32> to vector<16xf32>
        %parallel_loop3A_305 = arith.index_cast %parallel_loop3A_237 : i32 to index
        %parallel_loop3A_306 = arith.constant 48 : index
        %parallel_loop3A_307 = tpu.vector_load %arg16[%parallel_loop3A_305, %parallel_loop3A_306] {strides = array<i32>} : memref<64x128xf32, #tpu.memory_space<vmem>>, vector<1x16xf32>,
        %parallel_loop3A_308 = vector.shape_cast %parallel_loop3A_307 : vector<1x16xf32> to vector<16xf32>
        %parallel_loop3A_309 = arith.subf %parallel_loop3A_304, %parallel_loop3A_308 : vector<16xf32>
        %parallel_loop3A_310 = arith.index_cast %parallel_loop3A_237 : i32 to index
        %parallel_loop3A_311 = arith.constant 48 : index
        %parallel_loop3A_312 = tpu.vector_load %arg14[%parallel_loop3A_310, %parallel_loop3A_311] {strides = array<i32>} : memref<64x128xf32, #tpu.memory_space<vmem>>, vector<1x16xf32>,
        %parallel_loop3A_313 = vector.shape_cast %parallel_loop3A_312 : vector<1x16xf32> to vector<16xf32>
        %parallel_loop3A_314 = arith.addf %parallel_loop3A_313, %parallel_loop3A_309 : vector<16xf32>
        %parallel_loop3A_315 = math.absf %parallel_loop3A_314 : vector<16xf32>
        %parallel_loop3A_316 = arith.index_cast %parallel_loop3A_237 : i32 to index
        %parallel_loop3A_317 = arith.constant 48 : index
        %parallel_loop3A_318 = tpu.vector_load %arg17[%parallel_loop3A_316, %parallel_loop3A_317] {strides = array<i32>} : memref<64x128xf32, #tpu.memory_space<vmem>>, vector<1x16xf32>,
        %parallel_loop3A_319 = vector.shape_cast %parallel_loop3A_318 : vector<1x16xf32> to vector<16xf32>
        %parallel_loop3A_320 = arith.addf %parallel_loop3A_319, %parallel_loop3A_309 : vector<16xf32>
        %parallel_loop3A_321 = math.absf %parallel_loop3A_320 : vector<16xf32>
        %parallel_loop3A_322 = arith.index_cast %parallel_loop3A_237 : i32 to index
        %parallel_loop3A_323 = arith.constant 64 : index
        %parallel_loop3A_324 = tpu.vector_load %arg15[%parallel_loop3A_322, %parallel_loop3A_323] {strides = array<i32>} : memref<64x128xf32, #tpu.memory_space<vmem>>, vector<1x16xf32>,
        %parallel_loop3A_325 = vector.shape_cast %parallel_loop3A_324 : vector<1x16xf32> to vector<16xf32>
        %parallel_loop3A_326 = arith.index_cast %parallel_loop3A_237 : i32 to index
        %parallel_loop3A_327 = arith.constant 64 : index
        %parallel_loop3A_328 = tpu.vector_load %arg16[%parallel_loop3A_326, %parallel_loop3A_327] {strides = array<i32>} : memref<64x128xf32, #tpu.memory_space<vmem>>, vector<1x16xf32>,
        %parallel_loop3A_329 = vector.shape_cast %parallel_loop3A_328 : vector<1x16xf32> to vector<16xf32>
        %parallel_loop3A_330 = arith.subf %parallel_loop3A_325, %parallel_loop3A_329 : vector<16xf32>
        %parallel_loop3A_331 = arith.index_cast %parallel_loop3A_237 : i32 to index
        %parallel_loop3A_332 = arith.constant 64 : index
        %parallel_loop3A_333 = tpu.vector_load %arg14[%parallel_loop3A_331, %parallel_loop3A_332] {strides = array<i32>} : memref<64x128xf32, #tpu.memory_space<vmem>>, vector<1x16xf32>,
        %parallel_loop3A_334 = vector.shape_cast %parallel_loop3A_333 : vector<1x16xf32> to vector<16xf32>
        %parallel_loop3A_335 = arith.addf %parallel_loop3A_334, %parallel_loop3A_330 : vector<16xf32>
        %parallel_loop3A_336 = math.absf %parallel_loop3A_335 : vector<16xf32>
        %parallel_loop3A_337 = arith.index_cast %parallel_loop3A_237 : i32 to index
        %parallel_loop3A_338 = arith.constant 64 : index
        %parallel_loop3A_339 = tpu.vector_load %arg17[%parallel_loop3A_337, %parallel_loop3A_338] {strides = array<i32>} : memref<64x128xf32, #tpu.memory_space<vmem>>, vector<1x16xf32>,
        %parallel_loop3A_340 = vector.shape_cast %parallel_loop3A_339 : vector<1x16xf32> to vector<16xf32>
        %parallel_loop3A_341 = arith.addf %parallel_loop3A_340, %parallel_loop3A_330 : vector<16xf32>
        %parallel_loop3A_342 = math.absf %parallel_loop3A_341 : vector<16xf32>
        %parallel_loop3A_343 = arith.index_cast %parallel_loop3A_237 : i32 to index
        %parallel_loop3A_344 = arith.constant 80 : index
        %parallel_loop3A_345 = tpu.vector_load %arg15[%parallel_loop3A_343, %parallel_loop3A_344] {strides = array<i32>} : memref<64x128xf32, #tpu.memory_space<vmem>>, vector<1x16xf32>,
        %parallel_loop3A_346 = vector.shape_cast %parallel_loop3A_345 : vector<1x16xf32> to vector<16xf32>
        %parallel_loop3A_347 = arith.index_cast %parallel_loop3A_237 : i32 to index
        %parallel_loop3A_348 = arith.constant 80 : index
        %parallel_loop3A_349 = tpu.vector_load %arg16[%parallel_loop3A_347, %parallel_loop3A_348] {strides = array<i32>} : memref<64x128xf32, #tpu.memory_space<vmem>>, vector<1x16xf32>,
        %parallel_loop3A_350 = vector.shape_cast %parallel_loop3A_349 : vector<1x16xf32> to vector<16xf32>
        %parallel_loop3A_351 = arith.subf %parallel_loop3A_346, %parallel_loop3A_350 : vector<16xf32>
        %parallel_loop3A_352 = arith.index_cast %parallel_loop3A_237 : i32 to index
        %parallel_loop3A_353 = arith.constant 80 : index
        %parallel_loop3A_354 = tpu.vector_load %arg14[%parallel_loop3A_352, %parallel_loop3A_353] {strides = array<i32>} : memref<64x128xf32, #tpu.memory_space<vmem>>, vector<1x16xf32>,
        %parallel_loop3A_355 = vector.shape_cast %parallel_loop3A_354 : vector<1x16xf32> to vector<16xf32>
        %parallel_loop3A_356 = arith.addf %parallel_loop3A_355, %parallel_loop3A_351 : vector<16xf32>
        %parallel_loop3A_357 = math.absf %parallel_loop3A_356 : vector<16xf32>
        %parallel_loop3A_358 = arith.index_cast %parallel_loop3A_237 : i32 to index
        %parallel_loop3A_359 = arith.constant 80 : index
        %parallel_loop3A_360 = tpu.vector_load %arg17[%parallel_loop3A_358, %parallel_loop3A_359] {strides = array<i32>} : memref<64x128xf32, #tpu.memory_space<vmem>>, vector<1x16xf32>,
        %parallel_loop3A_361 = vector.shape_cast %parallel_loop3A_360 : vector<1x16xf32> to vector<16xf32>
        %parallel_loop3A_362 = arith.addf %parallel_loop3A_361, %parallel_loop3A_351 : vector<16xf32>
        %parallel_loop3A_363 = math.absf %parallel_loop3A_362 : vector<16xf32>
        %parallel_loop3A_364 = arith.index_cast %parallel_loop3A_237 : i32 to index
        %parallel_loop3A_365 = arith.constant 96 : index
        %parallel_loop3A_366 = tpu.vector_load %arg15[%parallel_loop3A_364, %parallel_loop3A_365] {strides = array<i32>} : memref<64x128xf32, #tpu.memory_space<vmem>>, vector<1x16xf32>,
        %parallel_loop3A_367 = vector.shape_cast %parallel_loop3A_366 : vector<1x16xf32> to vector<16xf32>
        %parallel_loop3A_368 = arith.index_cast %parallel_loop3A_237 : i32 to index
        %parallel_loop3A_369 = arith.constant 96 : index
        %parallel_loop3A_370 = tpu.vector_load %arg16[%parallel_loop3A_368, %parallel_loop3A_369] {strides = array<i32>} : memref<64x128xf32, #tpu.memory_space<vmem>>, vector<1x16xf32>,
        %parallel_loop3A_371 = vector.shape_cast %parallel_loop3A_370 : vector<1x16xf32> to vector<16xf32>
        %parallel_loop3A_372 = arith.subf %parallel_loop3A_367, %parallel_loop3A_371 : vector<16xf32>
        %parallel_loop3A_373 = arith.index_cast %parallel_loop3A_237 : i32 to index
        %parallel_loop3A_374 = arith.constant 96 : index
        %parallel_loop3A_375 = tpu.vector_load %arg14[%parallel_loop3A_373, %parallel_loop3A_374] {strides = array<i32>} : memref<64x128xf32, #tpu.memory_space<vmem>>, vector<1x16xf32>,
        %parallel_loop3A_376 = vector.shape_cast %parallel_loop3A_375 : vector<1x16xf32> to vector<16xf32>
        %parallel_loop3A_377 = arith.addf %parallel_loop3A_376, %parallel_loop3A_372 : vector<16xf32>
        %parallel_loop3A_378 = math.absf %parallel_loop3A_377 : vector<16xf32>
        %parallel_loop3A_379 = arith.index_cast %parallel_loop3A_237 : i32 to index
        %parallel_loop3A_380 = arith.constant 96 : index
        %parallel_loop3A_381 = tpu.vector_load %arg17[%parallel_loop3A_379, %parallel_loop3A_380] {strides = array<i32>} : memref<64x128xf32, #tpu.memory_space<vmem>>, vector<1x16xf32>,
        %parallel_loop3A_382 = vector.shape_cast %parallel_loop3A_381 : vector<1x16xf32> to vector<16xf32>
        %parallel_loop3A_383 = arith.addf %parallel_loop3A_382, %parallel_loop3A_372 : vector<16xf32>
        %parallel_loop3A_384 = math.absf %parallel_loop3A_383 : vector<16xf32>
        %parallel_loop3A_385 = arith.index_cast %parallel_loop3A_237 : i32 to index
        %parallel_loop3A_386 = arith.constant 112 : index
        %parallel_loop3A_387 = tpu.vector_load %arg15[%parallel_loop3A_385, %parallel_loop3A_386] {strides = array<i32>} : memref<64x128xf32, #tpu.memory_space<vmem>>, vector<1x16xf32>,
        %parallel_loop3A_388 = vector.shape_cast %parallel_loop3A_387 : vector<1x16xf32> to vector<16xf32>
        %parallel_loop3A_389 = arith.index_cast %parallel_loop3A_237 : i32 to index
        %parallel_loop3A_390 = arith.constant 112 : index
        %parallel_loop3A_391 = tpu.vector_load %arg16[%parallel_loop3A_389, %parallel_loop3A_390] {strides = array<i32>} : memref<64x128xf32, #tpu.memory_space<vmem>>, vector<1x16xf32>,
        %parallel_loop3A_392 = vector.shape_cast %parallel_loop3A_391 : vector<1x16xf32> to vector<16xf32>
        %parallel_loop3A_393 = arith.subf %parallel_loop3A_388, %parallel_loop3A_392 : vector<16xf32>
        %parallel_loop3A_394 = arith.index_cast %parallel_loop3A_237 : i32 to index
        %parallel_loop3A_395 = arith.constant 112 : index
        %parallel_loop3A_396 = tpu.vector_load %arg14[%parallel_loop3A_394, %parallel_loop3A_395] {strides = array<i32>} : memref<64x128xf32, #tpu.memory_space<vmem>>, vector<1x16xf32>,
        %parallel_loop3A_397 = vector.shape_cast %parallel_loop3A_396 : vector<1x16xf32> to vector<16xf32>
        %parallel_loop3A_398 = arith.addf %parallel_loop3A_397, %parallel_loop3A_393 : vector<16xf32>
        %parallel_loop3A_399 = math.absf %parallel_loop3A_398 : vector<16xf32>
        %parallel_loop3A_400 = arith.index_cast %parallel_loop3A_237 : i32 to index
        %parallel_loop3A_401 = arith.constant 112 : index
        %parallel_loop3A_402 = tpu.vector_load %arg17[%parallel_loop3A_400, %parallel_loop3A_401] {strides = array<i32>} : memref<64x128xf32, #tpu.memory_space<vmem>>, vector<1x16xf32>,
        %parallel_loop3A_403 = vector.shape_cast %parallel_loop3A_402 : vector<1x16xf32> to vector<16xf32>
        %parallel_loop3A_404 = arith.addf %parallel_loop3A_403, %parallel_loop3A_393 : vector<16xf32>
        %parallel_loop3A_405 = math.absf %parallel_loop3A_404 : vector<16xf32>
        %parallel_loop3A_406 = arith.addf %parallel_loop3A_252, %parallel_loop3A_273 : vector<16xf32>
        %parallel_loop3A_407 = arith.addf %parallel_loop3A_294, %parallel_loop3A_315 : vector<16xf32>
        %parallel_loop3A_408 = arith.addf %parallel_loop3A_336, %parallel_loop3A_357 : vector<16xf32>
        %parallel_loop3A_409 = arith.addf %parallel_loop3A_378, %parallel_loop3A_399 : vector<16xf32>
        %parallel_loop3A_410 = arith.addf %parallel_loop3A_406, %parallel_loop3A_407 : vector<16xf32>
        %parallel_loop3A_411 = arith.addf %parallel_loop3A_408, %parallel_loop3A_409 : vector<16xf32>
        %parallel_loop3A_412 = arith.addf %parallel_loop3A_410, %parallel_loop3A_411 : vector<16xf32>
        %parallel_loop3A_413 = arith.index_cast %parallel_loop3A_237 : i32 to index
        %parallel_loop3A_414 = arith.constant 0 : index
        %parallel_loop3A_415 = tpu.vector_load %arg22[%parallel_loop3A_413, %parallel_loop3A_414] {strides = array<i32>} : memref<64x16xf32, #tpu.memory_space<vmem>>, vector<1x16xf32>,
        %parallel_loop3A_416 = vector.shape_cast %parallel_loop3A_415 : vector<1x16xf32> to vector<16xf32>
        %parallel_loop3A_417 = vector.shape_cast %parallel_loop3A_412 : vector<16xf32> to vector<1x16xf32>
        tpu.vector_store %arg22[%parallel_loop3A_413, %parallel_loop3A_414], %parallel_loop3A_417 {strides = array<i32>} : memref<64x16xf32, #tpu.memory_space<vmem>>, vector<1x16xf32>,
        %parallel_loop3A_418 = arith.addf %parallel_loop3A_258, %parallel_loop3A_279 : vector<16xf32>
        %parallel_loop3A_419 = arith.addf %parallel_loop3A_300, %parallel_loop3A_321 : vector<16xf32>
        %parallel_loop3A_420 = arith.addf %parallel_loop3A_342, %parallel_loop3A_363 : vector<16xf32>
        %parallel_loop3A_421 = arith.addf %parallel_loop3A_384, %parallel_loop3A_405 : vector<16xf32>
        %parallel_loop3A_422 = arith.addf %parallel_loop3A_418, %parallel_loop3A_419 : vector<16xf32>
        %parallel_loop3A_423 = arith.addf %parallel_loop3A_420, %parallel_loop3A_421 : vector<16xf32>
        %parallel_loop3A_424 = arith.addf %parallel_loop3A_422, %parallel_loop3A_423 : vector<16xf32>
        %parallel_loop3A_425 = arith.index_cast %parallel_loop3A_237 : i32 to index
        %parallel_loop3A_426 = arith.constant 0 : index
        %parallel_loop3A_427 = tpu.vector_load %arg23[%parallel_loop3A_425, %parallel_loop3A_426] {strides = array<i32>} : memref<64x16xf32, #tpu.memory_space<vmem>>, vector<1x16xf32>,
        %parallel_loop3A_428 = vector.shape_cast %parallel_loop3A_427 : vector<1x16xf32> to vector<16xf32>
        %parallel_loop3A_429 = vector.shape_cast %parallel_loop3A_424 : vector<16xf32> to vector<1x16xf32>
        tpu.vector_store %arg23[%parallel_loop3A_425, %parallel_loop3A_426], %parallel_loop3A_429 {strides = array<i32>} : memref<64x16xf32, #tpu.memory_space<vmem>>, vector<1x16xf32>,
      } {sc.loop_unroll_factor = 1 : i64, sc.parallel_access}
      %parallel_loop3A_197 = arith.constant 0 : i32
      %parallel_loop3A_198 = arith.constant 4 : i32
      %parallel_loop3A_199 = arith.constant 1 : i32
      scf.for %parallel_loop3A_237 = %parallel_loop3A_197 to %parallel_loop3A_198 step %parallel_loop3A_199  : i32 {
        %parallel_loop3A_238 = arith.constant 16 : i32
        %parallel_loop3A_239 = arith.muli %parallel_loop3A_237, %parallel_loop3A_238 : i32
        %parallel_loop3A_240 = arith.constant 0 : i32
        %parallel_loop3A_241 = arith.addi %parallel_loop3A_239, %parallel_loop3A_240 : i32
        %parallel_loop3A_242 = arith.index_cast %parallel_loop3A_241 : i32 to index
        %parallel_loop3A_243 = arith.constant 0 : index
        %parallel_loop3A_244 = tpu.vector_load %arg22[%parallel_loop3A_242, %parallel_loop3A_243] {strides = array<i32>} : memref<64x16xf32, #tpu.memory_space<vmem>>, vector<1x16xf32>,
        %parallel_loop3A_245 = vector.shape_cast %parallel_loop3A_244 : vector<1x16xf32> to vector<16xf32>
        %parallel_loop3A_246 = arith.constant 0 : i32
        %parallel_loop3A_247 = arith.addi %parallel_loop3A_239, %parallel_loop3A_246 : i32
        %parallel_loop3A_248 = arith.index_cast %parallel_loop3A_247 : i32 to index
        %parallel_loop3A_249 = arith.constant 0 : index
        %parallel_loop3A_250 = tpu.vector_load %arg23[%parallel_loop3A_248, %parallel_loop3A_249] {strides = array<i32>} : memref<64x16xf32, #tpu.memory_space<vmem>>, vector<1x16xf32>,
        %parallel_loop3A_251 = vector.shape_cast %parallel_loop3A_250 : vector<1x16xf32> to vector<16xf32>
        %parallel_loop3A_252 = arith.constant 1 : i32
        %parallel_loop3A_253 = arith.addi %parallel_loop3A_239, %parallel_loop3A_252 : i32
        %parallel_loop3A_254 = arith.index_cast %parallel_loop3A_253 : i32 to index
        %parallel_loop3A_255 = arith.constant 0 : index
        %parallel_loop3A_256 = tpu.vector_load %arg22[%parallel_loop3A_254, %parallel_loop3A_255] {strides = array<i32>} : memref<64x16xf32, #tpu.memory_space<vmem>>, vector<1x16xf32>,
        %parallel_loop3A_257 = vector.shape_cast %parallel_loop3A_256 : vector<1x16xf32> to vector<16xf32>
        %parallel_loop3A_258 = vector.shape_cast %mul3A_7 : vector<16xi32> to vector<16x1xi32>
        %parallel_loop3A_259 = vector.shape_cast %parallel_loop3A_258 : vector<16x1xi32> to vector<16xi32>
        %parallel_loop3A_260 = tpu.dynamic_gather %parallel_loop3A_245[%parallel_loop3A_259] in [0] : vector<16xf32>, vector<16xi32> -> vector<16xf32>
        %parallel_loop3A_261 = vector.shape_cast %mul3A_7 : vector<16xi32> to vector<16x1xi32>
        %parallel_loop3A_262 = vector.shape_cast %parallel_loop3A_261 : vector<16x1xi32> to vector<16xi32>
        %parallel_loop3A_263 = tpu.dynamic_gather %parallel_loop3A_257[%parallel_loop3A_262] in [0] : vector<16xf32>, vector<16xi32> -> vector<16xf32>
        %parallel_loop3A_264 = arith.select %lt3A_2, %parallel_loop3A_260, %parallel_loop3A_263 : vector<16xi1>, vector<16xf32>
        %parallel_loop3A_265 = vector.shape_cast %add3A_10 : vector<16xi32> to vector<16x1xi32>
        %parallel_loop3A_266 = vector.shape_cast %parallel_loop3A_265 : vector<16x1xi32> to vector<16xi32>
        %parallel_loop3A_267 = tpu.dynamic_gather %parallel_loop3A_245[%parallel_loop3A_266] in [0] : vector<16xf32>, vector<16xi32> -> vector<16xf32>
        %parallel_loop3A_268 = vector.shape_cast %add3A_10 : vector<16xi32> to vector<16x1xi32>
        %parallel_loop3A_269 = vector.shape_cast %parallel_loop3A_268 : vector<16x1xi32> to vector<16xi32>
        %parallel_loop3A_270 = tpu.dynamic_gather %parallel_loop3A_257[%parallel_loop3A_269] in [0] : vector<16xf32>, vector<16xi32> -> vector<16xf32>
        %parallel_loop3A_271 = arith.select %lt3A_2, %parallel_loop3A_267, %parallel_loop3A_270 : vector<16xi1>, vector<16xf32>
        %parallel_loop3A_272 = arith.addf %parallel_loop3A_264, %parallel_loop3A_271 : vector<16xf32>
        %parallel_loop3A_273 = arith.constant 1 : i32
        %parallel_loop3A_274 = arith.addi %parallel_loop3A_239, %parallel_loop3A_273 : i32
        %parallel_loop3A_275 = arith.index_cast %parallel_loop3A_274 : i32 to index
        %parallel_loop3A_276 = arith.constant 0 : index
        %parallel_loop3A_277 = tpu.vector_load %arg23[%parallel_loop3A_275, %parallel_loop3A_276] {strides = array<i32>} : memref<64x16xf32, #tpu.memory_space<vmem>>, vector<1x16xf32>,
        %parallel_loop3A_278 = vector.shape_cast %parallel_loop3A_277 : vector<1x16xf32> to vector<16xf32>
        %parallel_loop3A_279 = vector.shape_cast %mul3A_7 : vector<16xi32> to vector<16x1xi32>
        %parallel_loop3A_280 = vector.shape_cast %parallel_loop3A_279 : vector<16x1xi32> to vector<16xi32>
        %parallel_loop3A_281 = tpu.dynamic_gather %parallel_loop3A_251[%parallel_loop3A_280] in [0] : vector<16xf32>, vector<16xi32> -> vector<16xf32>
        %parallel_loop3A_282 = vector.shape_cast %mul3A_7 : vector<16xi32> to vector<16x1xi32>
        %parallel_loop3A_283 = vector.shape_cast %parallel_loop3A_282 : vector<16x1xi32> to vector<16xi32>
        %parallel_loop3A_284 = tpu.dynamic_gather %parallel_loop3A_278[%parallel_loop3A_283] in [0] : vector<16xf32>, vector<16xi32> -> vector<16xf32>
        %parallel_loop3A_285 = arith.select %lt3A_2, %parallel_loop3A_281, %parallel_loop3A_284 : vector<16xi1>, vector<16xf32>
        %parallel_loop3A_286 = vector.shape_cast %add3A_10 : vector<16xi32> to vector<16x1xi32>
        %parallel_loop3A_287 = vector.shape_cast %parallel_loop3A_286 : vector<16x1xi32> to vector<16xi32>
        %parallel_loop3A_288 = tpu.dynamic_gather %parallel_loop3A_251[%parallel_loop3A_287] in [0] : vector<16xf32>, vector<16xi32> -> vector<16xf32>
        %parallel_loop3A_289 = vector.shape_cast %add3A_10 : vector<16xi32> to vector<16x1xi32>
        %parallel_loop3A_290 = vector.shape_cast %parallel_loop3A_289 : vector<16x1xi32> to vector<16xi32>
        %parallel_loop3A_291 = tpu.dynamic_gather %parallel_loop3A_278[%parallel_loop3A_290] in [0] : vector<16xf32>, vector<16xi32> -> vector<16xf32>
        %parallel_loop3A_292 = arith.select %lt3A_2, %parallel_loop3A_288, %parallel_loop3A_291 : vector<16xi1>, vector<16xf32>
        %parallel_loop3A_293 = arith.addf %parallel_loop3A_285, %parallel_loop3A_292 : vector<16xf32>
        %parallel_loop3A_294 = arith.constant 2 : i32
        %parallel_loop3A_295 = arith.addi %parallel_loop3A_239, %parallel_loop3A_294 : i32
        %parallel_loop3A_296 = arith.index_cast %parallel_loop3A_295 : i32 to index
        %parallel_loop3A_297 = arith.constant 0 : index
        %parallel_loop3A_298 = tpu.vector_load %arg22[%parallel_loop3A_296, %parallel_loop3A_297] {strides = array<i32>} : memref<64x16xf32, #tpu.memory_space<vmem>>, vector<1x16xf32>,
        %parallel_loop3A_299 = vector.shape_cast %parallel_loop3A_298 : vector<1x16xf32> to vector<16xf32>
        %parallel_loop3A_300 = arith.constant 2 : i32
        %parallel_loop3A_301 = arith.addi %parallel_loop3A_239, %parallel_loop3A_300 : i32
        %parallel_loop3A_302 = arith.index_cast %parallel_loop3A_301 : i32 to index
        %parallel_loop3A_303 = arith.constant 0 : index
        %parallel_loop3A_304 = tpu.vector_load %arg23[%parallel_loop3A_302, %parallel_loop3A_303] {strides = array<i32>} : memref<64x16xf32, #tpu.memory_space<vmem>>, vector<1x16xf32>,
        %parallel_loop3A_305 = vector.shape_cast %parallel_loop3A_304 : vector<1x16xf32> to vector<16xf32>
        %parallel_loop3A_306 = arith.constant 3 : i32
        %parallel_loop3A_307 = arith.addi %parallel_loop3A_239, %parallel_loop3A_306 : i32
        %parallel_loop3A_308 = arith.index_cast %parallel_loop3A_307 : i32 to index
        %parallel_loop3A_309 = arith.constant 0 : index
        %parallel_loop3A_310 = tpu.vector_load %arg22[%parallel_loop3A_308, %parallel_loop3A_309] {strides = array<i32>} : memref<64x16xf32, #tpu.memory_space<vmem>>, vector<1x16xf32>,
        %parallel_loop3A_311 = vector.shape_cast %parallel_loop3A_310 : vector<1x16xf32> to vector<16xf32>
        %parallel_loop3A_312 = vector.shape_cast %mul3A_7 : vector<16xi32> to vector<16x1xi32>
        %parallel_loop3A_313 = vector.shape_cast %parallel_loop3A_312 : vector<16x1xi32> to vector<16xi32>
        %parallel_loop3A_314 = tpu.dynamic_gather %parallel_loop3A_299[%parallel_loop3A_313] in [0] : vector<16xf32>, vector<16xi32> -> vector<16xf32>
        %parallel_loop3A_315 = vector.shape_cast %mul3A_7 : vector<16xi32> to vector<16x1xi32>
        %parallel_loop3A_316 = vector.shape_cast %parallel_loop3A_315 : vector<16x1xi32> to vector<16xi32>
        %parallel_loop3A_317 = tpu.dynamic_gather %parallel_loop3A_311[%parallel_loop3A_316] in [0] : vector<16xf32>, vector<16xi32> -> vector<16xf32>
        %parallel_loop3A_318 = arith.select %lt3A_2, %parallel_loop3A_314, %parallel_loop3A_317 : vector<16xi1>, vector<16xf32>
        %parallel_loop3A_319 = vector.shape_cast %add3A_10 : vector<16xi32> to vector<16x1xi32>
        %parallel_loop3A_320 = vector.shape_cast %parallel_loop3A_319 : vector<16x1xi32> to vector<16xi32>
        %parallel_loop3A_321 = tpu.dynamic_gather %parallel_loop3A_299[%parallel_loop3A_320] in [0] : vector<16xf32>, vector<16xi32> -> vector<16xf32>
        %parallel_loop3A_322 = vector.shape_cast %add3A_10 : vector<16xi32> to vector<16x1xi32>
        %parallel_loop3A_323 = vector.shape_cast %parallel_loop3A_322 : vector<16x1xi32> to vector<16xi32>
        %parallel_loop3A_324 = tpu.dynamic_gather %parallel_loop3A_311[%parallel_loop3A_323] in [0] : vector<16xf32>, vector<16xi32> -> vector<16xf32>
        %parallel_loop3A_325 = arith.select %lt3A_2, %parallel_loop3A_321, %parallel_loop3A_324 : vector<16xi1>, vector<16xf32>
        %parallel_loop3A_326 = arith.addf %parallel_loop3A_318, %parallel_loop3A_325 : vector<16xf32>
        %parallel_loop3A_327 = vector.shape_cast %mul3A_7 : vector<16xi32> to vector<16x1xi32>
        %parallel_loop3A_328 = vector.shape_cast %parallel_loop3A_327 : vector<16x1xi32> to vector<16xi32>
        %parallel_loop3A_329 = tpu.dynamic_gather %parallel_loop3A_272[%parallel_loop3A_328] in [0] : vector<16xf32>, vector<16xi32> -> vector<16xf32>
        %parallel_loop3A_330 = vector.shape_cast %mul3A_7 : vector<16xi32> to vector<16x1xi32>
        %parallel_loop3A_331 = vector.shape_cast %parallel_loop3A_330 : vector<16x1xi32> to vector<16xi32>
        %parallel_loop3A_332 = tpu.dynamic_gather %parallel_loop3A_326[%parallel_loop3A_331] in [0] : vector<16xf32>, vector<16xi32> -> vector<16xf32>
        %parallel_loop3A_333 = arith.select %lt3A_2, %parallel_loop3A_329, %parallel_loop3A_332 : vector<16xi1>, vector<16xf32>
        %parallel_loop3A_334 = vector.shape_cast %add3A_10 : vector<16xi32> to vector<16x1xi32>
        %parallel_loop3A_335 = vector.shape_cast %parallel_loop3A_334 : vector<16x1xi32> to vector<16xi32>
        %parallel_loop3A_336 = tpu.dynamic_gather %parallel_loop3A_272[%parallel_loop3A_335] in [0] : vector<16xf32>, vector<16xi32> -> vector<16xf32>
        %parallel_loop3A_337 = vector.shape_cast %add3A_10 : vector<16xi32> to vector<16x1xi32>
        %parallel_loop3A_338 = vector.shape_cast %parallel_loop3A_337 : vector<16x1xi32> to vector<16xi32>
        %parallel_loop3A_339 = tpu.dynamic_gather %parallel_loop3A_326[%parallel_loop3A_338] in [0] : vector<16xf32>, vector<16xi32> -> vector<16xf32>
        %parallel_loop3A_340 = arith.select %lt3A_2, %parallel_loop3A_336, %parallel_loop3A_339 : vector<16xi1>, vector<16xf32>
        %parallel_loop3A_341 = arith.addf %parallel_loop3A_333, %parallel_loop3A_340 : vector<16xf32>
        %parallel_loop3A_342 = arith.constant 3 : i32
        %parallel_loop3A_343 = arith.addi %parallel_loop3A_239, %parallel_loop3A_342 : i32
        %parallel_loop3A_344 = arith.index_cast %parallel_loop3A_343 : i32 to index
        %parallel_loop3A_345 = arith.constant 0 : index
        %parallel_loop3A_346 = tpu.vector_load %arg23[%parallel_loop3A_344, %parallel_loop3A_345] {strides = array<i32>} : memref<64x16xf32, #tpu.memory_space<vmem>>, vector<1x16xf32>,
        %parallel_loop3A_347 = vector.shape_cast %parallel_loop3A_346 : vector<1x16xf32> to vector<16xf32>
        %parallel_loop3A_348 = vector.shape_cast %mul3A_7 : vector<16xi32> to vector<16x1xi32>
        %parallel_loop3A_349 = vector.shape_cast %parallel_loop3A_348 : vector<16x1xi32> to vector<16xi32>
        %parallel_loop3A_350 = tpu.dynamic_gather %parallel_loop3A_305[%parallel_loop3A_349] in [0] : vector<16xf32>, vector<16xi32> -> vector<16xf32>
        %parallel_loop3A_351 = vector.shape_cast %mul3A_7 : vector<16xi32> to vector<16x1xi32>
        %parallel_loop3A_352 = vector.shape_cast %parallel_loop3A_351 : vector<16x1xi32> to vector<16xi32>
        %parallel_loop3A_353 = tpu.dynamic_gather %parallel_loop3A_347[%parallel_loop3A_352] in [0] : vector<16xf32>, vector<16xi32> -> vector<16xf32>
        %parallel_loop3A_354 = arith.select %lt3A_2, %parallel_loop3A_350, %parallel_loop3A_353 : vector<16xi1>, vector<16xf32>
        %parallel_loop3A_355 = vector.shape_cast %add3A_10 : vector<16xi32> to vector<16x1xi32>
        %parallel_loop3A_356 = vector.shape_cast %parallel_loop3A_355 : vector<16x1xi32> to vector<16xi32>
        %parallel_loop3A_357 = tpu.dynamic_gather %parallel_loop3A_305[%parallel_loop3A_356] in [0] : vector<16xf32>, vector<16xi32> -> vector<16xf32>
        %parallel_loop3A_358 = vector.shape_cast %add3A_10 : vector<16xi32> to vector<16x1xi32>
        %parallel_loop3A_359 = vector.shape_cast %parallel_loop3A_358 : vector<16x1xi32> to vector<16xi32>
        %parallel_loop3A_360 = tpu.dynamic_gather %parallel_loop3A_347[%parallel_loop3A_359] in [0] : vector<16xf32>, vector<16xi32> -> vector<16xf32>
        %parallel_loop3A_361 = arith.select %lt3A_2, %parallel_loop3A_357, %parallel_loop3A_360 : vector<16xi1>, vector<16xf32>
        %parallel_loop3A_362 = arith.addf %parallel_loop3A_354, %parallel_loop3A_361 : vector<16xf32>
        %parallel_loop3A_363 = vector.shape_cast %mul3A_7 : vector<16xi32> to vector<16x1xi32>
        %parallel_loop3A_364 = vector.shape_cast %parallel_loop3A_363 : vector<16x1xi32> to vector<16xi32>
        %parallel_loop3A_365 = tpu.dynamic_gather %parallel_loop3A_293[%parallel_loop3A_364] in [0] : vector<16xf32>, vector<16xi32> -> vector<16xf32>
        %parallel_loop3A_366 = vector.shape_cast %mul3A_7 : vector<16xi32> to vector<16x1xi32>
        %parallel_loop3A_367 = vector.shape_cast %parallel_loop3A_366 : vector<16x1xi32> to vector<16xi32>
        %parallel_loop3A_368 = tpu.dynamic_gather %parallel_loop3A_362[%parallel_loop3A_367] in [0] : vector<16xf32>, vector<16xi32> -> vector<16xf32>
        %parallel_loop3A_369 = arith.select %lt3A_2, %parallel_loop3A_365, %parallel_loop3A_368 : vector<16xi1>, vector<16xf32>
        %parallel_loop3A_370 = vector.shape_cast %add3A_10 : vector<16xi32> to vector<16x1xi32>
        %parallel_loop3A_371 = vector.shape_cast %parallel_loop3A_370 : vector<16x1xi32> to vector<16xi32>
        %parallel_loop3A_372 = tpu.dynamic_gather %parallel_loop3A_293[%parallel_loop3A_371] in [0] : vector<16xf32>, vector<16xi32> -> vector<16xf32>
        %parallel_loop3A_373 = vector.shape_cast %add3A_10 : vector<16xi32> to vector<16x1xi32>
        %parallel_loop3A_374 = vector.shape_cast %parallel_loop3A_373 : vector<16x1xi32> to vector<16xi32>
        %parallel_loop3A_375 = tpu.dynamic_gather %parallel_loop3A_362[%parallel_loop3A_374] in [0] : vector<16xf32>, vector<16xi32> -> vector<16xf32>
        %parallel_loop3A_376 = arith.select %lt3A_2, %parallel_loop3A_372, %parallel_loop3A_375 : vector<16xi1>, vector<16xf32>
        %parallel_loop3A_377 = arith.addf %parallel_loop3A_369, %parallel_loop3A_376 : vector<16xf32>
        %parallel_loop3A_378 = arith.constant 4 : i32
        %parallel_loop3A_379 = arith.addi %parallel_loop3A_239, %parallel_loop3A_378 : i32
        %parallel_loop3A_380 = arith.index_cast %parallel_loop3A_379 : i32 to index
        %parallel_loop3A_381 = arith.constant 0 : index
        %parallel_loop3A_382 = tpu.vector_load %arg22[%parallel_loop3A_380, %parallel_loop3A_381] {strides = array<i32>} : memref<64x16xf32, #tpu.memory_space<vmem>>, vector<1x16xf32>,
        %parallel_loop3A_383 = vector.shape_cast %parallel_loop3A_382 : vector<1x16xf32> to vector<16xf32>
        %parallel_loop3A_384 = arith.constant 4 : i32
        %parallel_loop3A_385 = arith.addi %parallel_loop3A_239, %parallel_loop3A_384 : i32
        %parallel_loop3A_386 = arith.index_cast %parallel_loop3A_385 : i32 to index
        %parallel_loop3A_387 = arith.constant 0 : index
        %parallel_loop3A_388 = tpu.vector_load %arg23[%parallel_loop3A_386, %parallel_loop3A_387] {strides = array<i32>} : memref<64x16xf32, #tpu.memory_space<vmem>>, vector<1x16xf32>,
        %parallel_loop3A_389 = vector.shape_cast %parallel_loop3A_388 : vector<1x16xf32> to vector<16xf32>
        %parallel_loop3A_390 = arith.constant 5 : i32
        %parallel_loop3A_391 = arith.addi %parallel_loop3A_239, %parallel_loop3A_390 : i32
        %parallel_loop3A_392 = arith.index_cast %parallel_loop3A_391 : i32 to index
        %parallel_loop3A_393 = arith.constant 0 : index
        %parallel_loop3A_394 = tpu.vector_load %arg22[%parallel_loop3A_392, %parallel_loop3A_393] {strides = array<i32>} : memref<64x16xf32, #tpu.memory_space<vmem>>, vector<1x16xf32>,
        %parallel_loop3A_395 = vector.shape_cast %parallel_loop3A_394 : vector<1x16xf32> to vector<16xf32>
        %parallel_loop3A_396 = vector.shape_cast %mul3A_7 : vector<16xi32> to vector<16x1xi32>
        %parallel_loop3A_397 = vector.shape_cast %parallel_loop3A_396 : vector<16x1xi32> to vector<16xi32>
        %parallel_loop3A_398 = tpu.dynamic_gather %parallel_loop3A_383[%parallel_loop3A_397] in [0] : vector<16xf32>, vector<16xi32> -> vector<16xf32>
        %parallel_loop3A_399 = vector.shape_cast %mul3A_7 : vector<16xi32> to vector<16x1xi32>
        %parallel_loop3A_400 = vector.shape_cast %parallel_loop3A_399 : vector<16x1xi32> to vector<16xi32>
        %parallel_loop3A_401 = tpu.dynamic_gather %parallel_loop3A_395[%parallel_loop3A_400] in [0] : vector<16xf32>, vector<16xi32> -> vector<16xf32>
        %parallel_loop3A_402 = arith.select %lt3A_2, %parallel_loop3A_398, %parallel_loop3A_401 : vector<16xi1>, vector<16xf32>
        %parallel_loop3A_403 = vector.shape_cast %add3A_10 : vector<16xi32> to vector<16x1xi32>
        %parallel_loop3A_404 = vector.shape_cast %parallel_loop3A_403 : vector<16x1xi32> to vector<16xi32>
        %parallel_loop3A_405 = tpu.dynamic_gather %parallel_loop3A_383[%parallel_loop3A_404] in [0] : vector<16xf32>, vector<16xi32> -> vector<16xf32>
        %parallel_loop3A_406 = vector.shape_cast %add3A_10 : vector<16xi32> to vector<16x1xi32>
        %parallel_loop3A_407 = vector.shape_cast %parallel_loop3A_406 : vector<16x1xi32> to vector<16xi32>
        %parallel_loop3A_408 = tpu.dynamic_gather %parallel_loop3A_395[%parallel_loop3A_407] in [0] : vector<16xf32>, vector<16xi32> -> vector<16xf32>
        %parallel_loop3A_409 = arith.select %lt3A_2, %parallel_loop3A_405, %parallel_loop3A_408 : vector<16xi1>, vector<16xf32>
        %parallel_loop3A_410 = arith.addf %parallel_loop3A_402, %parallel_loop3A_409 : vector<16xf32>
        %parallel_loop3A_411 = arith.constant 5 : i32
        %parallel_loop3A_412 = arith.addi %parallel_loop3A_239, %parallel_loop3A_411 : i32
        %parallel_loop3A_413 = arith.index_cast %parallel_loop3A_412 : i32 to index
        %parallel_loop3A_414 = arith.constant 0 : index
        %parallel_loop3A_415 = tpu.vector_load %arg23[%parallel_loop3A_413, %parallel_loop3A_414] {strides = array<i32>} : memref<64x16xf32, #tpu.memory_space<vmem>>, vector<1x16xf32>,
        %parallel_loop3A_416 = vector.shape_cast %parallel_loop3A_415 : vector<1x16xf32> to vector<16xf32>
        %parallel_loop3A_417 = vector.shape_cast %mul3A_7 : vector<16xi32> to vector<16x1xi32>
        %parallel_loop3A_418 = vector.shape_cast %parallel_loop3A_417 : vector<16x1xi32> to vector<16xi32>
        %parallel_loop3A_419 = tpu.dynamic_gather %parallel_loop3A_389[%parallel_loop3A_418] in [0] : vector<16xf32>, vector<16xi32> -> vector<16xf32>
        %parallel_loop3A_420 = vector.shape_cast %mul3A_7 : vector<16xi32> to vector<16x1xi32>
        %parallel_loop3A_421 = vector.shape_cast %parallel_loop3A_420 : vector<16x1xi32> to vector<16xi32>
        %parallel_loop3A_422 = tpu.dynamic_gather %parallel_loop3A_416[%parallel_loop3A_421] in [0] : vector<16xf32>, vector<16xi32> -> vector<16xf32>
        %parallel_loop3A_423 = arith.select %lt3A_2, %parallel_loop3A_419, %parallel_loop3A_422 : vector<16xi1>, vector<16xf32>
        %parallel_loop3A_424 = vector.shape_cast %add3A_10 : vector<16xi32> to vector<16x1xi32>
        %parallel_loop3A_425 = vector.shape_cast %parallel_loop3A_424 : vector<16x1xi32> to vector<16xi32>
        %parallel_loop3A_426 = tpu.dynamic_gather %parallel_loop3A_389[%parallel_loop3A_425] in [0] : vector<16xf32>, vector<16xi32> -> vector<16xf32>
        %parallel_loop3A_427 = vector.shape_cast %add3A_10 : vector<16xi32> to vector<16x1xi32>
        %parallel_loop3A_428 = vector.shape_cast %parallel_loop3A_427 : vector<16x1xi32> to vector<16xi32>
        %parallel_loop3A_429 = tpu.dynamic_gather %parallel_loop3A_416[%parallel_loop3A_428] in [0] : vector<16xf32>, vector<16xi32> -> vector<16xf32>
        %parallel_loop3A_430 = arith.select %lt3A_2, %parallel_loop3A_426, %parallel_loop3A_429 : vector<16xi1>, vector<16xf32>
        %parallel_loop3A_431 = arith.addf %parallel_loop3A_423, %parallel_loop3A_430 : vector<16xf32>
        %parallel_loop3A_432 = arith.constant 6 : i32
        %parallel_loop3A_433 = arith.addi %parallel_loop3A_239, %parallel_loop3A_432 : i32
        %parallel_loop3A_434 = arith.index_cast %parallel_loop3A_433 : i32 to index
        %parallel_loop3A_435 = arith.constant 0 : index
        %parallel_loop3A_436 = tpu.vector_load %arg22[%parallel_loop3A_434, %parallel_loop3A_435] {strides = array<i32>} : memref<64x16xf32, #tpu.memory_space<vmem>>, vector<1x16xf32>,
        %parallel_loop3A_437 = vector.shape_cast %parallel_loop3A_436 : vector<1x16xf32> to vector<16xf32>
        %parallel_loop3A_438 = arith.constant 6 : i32
        %parallel_loop3A_439 = arith.addi %parallel_loop3A_239, %parallel_loop3A_438 : i32
        %parallel_loop3A_440 = arith.index_cast %parallel_loop3A_439 : i32 to index
        %parallel_loop3A_441 = arith.constant 0 : index
        %parallel_loop3A_442 = tpu.vector_load %arg23[%parallel_loop3A_440, %parallel_loop3A_441] {strides = array<i32>} : memref<64x16xf32, #tpu.memory_space<vmem>>, vector<1x16xf32>,
        %parallel_loop3A_443 = vector.shape_cast %parallel_loop3A_442 : vector<1x16xf32> to vector<16xf32>
        %parallel_loop3A_444 = arith.constant 7 : i32
        %parallel_loop3A_445 = arith.addi %parallel_loop3A_239, %parallel_loop3A_444 : i32
        %parallel_loop3A_446 = arith.index_cast %parallel_loop3A_445 : i32 to index
        %parallel_loop3A_447 = arith.constant 0 : index
        %parallel_loop3A_448 = tpu.vector_load %arg22[%parallel_loop3A_446, %parallel_loop3A_447] {strides = array<i32>} : memref<64x16xf32, #tpu.memory_space<vmem>>, vector<1x16xf32>,
        %parallel_loop3A_449 = vector.shape_cast %parallel_loop3A_448 : vector<1x16xf32> to vector<16xf32>
        %parallel_loop3A_450 = vector.shape_cast %mul3A_7 : vector<16xi32> to vector<16x1xi32>
        %parallel_loop3A_451 = vector.shape_cast %parallel_loop3A_450 : vector<16x1xi32> to vector<16xi32>
        %parallel_loop3A_452 = tpu.dynamic_gather %parallel_loop3A_437[%parallel_loop3A_451] in [0] : vector<16xf32>, vector<16xi32> -> vector<16xf32>
        %parallel_loop3A_453 = vector.shape_cast %mul3A_7 : vector<16xi32> to vector<16x1xi32>
        %parallel_loop3A_454 = vector.shape_cast %parallel_loop3A_453 : vector<16x1xi32> to vector<16xi32>
        %parallel_loop3A_455 = tpu.dynamic_gather %parallel_loop3A_449[%parallel_loop3A_454] in [0] : vector<16xf32>, vector<16xi32> -> vector<16xf32>
        %parallel_loop3A_456 = arith.select %lt3A_2, %parallel_loop3A_452, %parallel_loop3A_455 : vector<16xi1>, vector<16xf32>
        %parallel_loop3A_457 = vector.shape_cast %add3A_10 : vector<16xi32> to vector<16x1xi32>
        %parallel_loop3A_458 = vector.shape_cast %parallel_loop3A_457 : vector<16x1xi32> to vector<16xi32>
        %parallel_loop3A_459 = tpu.dynamic_gather %parallel_loop3A_437[%parallel_loop3A_458] in [0] : vector<16xf32>, vector<16xi32> -> vector<16xf32>
        %parallel_loop3A_460 = vector.shape_cast %add3A_10 : vector<16xi32> to vector<16x1xi32>
        %parallel_loop3A_461 = vector.shape_cast %parallel_loop3A_460 : vector<16x1xi32> to vector<16xi32>
        %parallel_loop3A_462 = tpu.dynamic_gather %parallel_loop3A_449[%parallel_loop3A_461] in [0] : vector<16xf32>, vector<16xi32> -> vector<16xf32>
        %parallel_loop3A_463 = arith.select %lt3A_2, %parallel_loop3A_459, %parallel_loop3A_462 : vector<16xi1>, vector<16xf32>
        %parallel_loop3A_464 = arith.addf %parallel_loop3A_456, %parallel_loop3A_463 : vector<16xf32>
        %parallel_loop3A_465 = vector.shape_cast %mul3A_7 : vector<16xi32> to vector<16x1xi32>
        %parallel_loop3A_466 = vector.shape_cast %parallel_loop3A_465 : vector<16x1xi32> to vector<16xi32>
        %parallel_loop3A_467 = tpu.dynamic_gather %parallel_loop3A_410[%parallel_loop3A_466] in [0] : vector<16xf32>, vector<16xi32> -> vector<16xf32>
        %parallel_loop3A_468 = vector.shape_cast %mul3A_7 : vector<16xi32> to vector<16x1xi32>
        %parallel_loop3A_469 = vector.shape_cast %parallel_loop3A_468 : vector<16x1xi32> to vector<16xi32>
        %parallel_loop3A_470 = tpu.dynamic_gather %parallel_loop3A_464[%parallel_loop3A_469] in [0] : vector<16xf32>, vector<16xi32> -> vector<16xf32>
        %parallel_loop3A_471 = arith.select %lt3A_2, %parallel_loop3A_467, %parallel_loop3A_470 : vector<16xi1>, vector<16xf32>
        %parallel_loop3A_472 = vector.shape_cast %add3A_10 : vector<16xi32> to vector<16x1xi32>
        %parallel_loop3A_473 = vector.shape_cast %parallel_loop3A_472 : vector<16x1xi32> to vector<16xi32>
        %parallel_loop3A_474 = tpu.dynamic_gather %parallel_loop3A_410[%parallel_loop3A_473] in [0] : vector<16xf32>, vector<16xi32> -> vector<16xf32>
        %parallel_loop3A_475 = vector.shape_cast %add3A_10 : vector<16xi32> to vector<16x1xi32>
        %parallel_loop3A_476 = vector.shape_cast %parallel_loop3A_475 : vector<16x1xi32> to vector<16xi32>
        %parallel_loop3A_477 = tpu.dynamic_gather %parallel_loop3A_464[%parallel_loop3A_476] in [0] : vector<16xf32>, vector<16xi32> -> vector<16xf32>
        %parallel_loop3A_478 = arith.select %lt3A_2, %parallel_loop3A_474, %parallel_loop3A_477 : vector<16xi1>, vector<16xf32>
        %parallel_loop3A_479 = arith.addf %parallel_loop3A_471, %parallel_loop3A_478 : vector<16xf32>
        %parallel_loop3A_480 = vector.shape_cast %mul3A_7 : vector<16xi32> to vector<16x1xi32>
        %parallel_loop3A_481 = vector.shape_cast %parallel_loop3A_480 : vector<16x1xi32> to vector<16xi32>
        %parallel_loop3A_482 = tpu.dynamic_gather %parallel_loop3A_341[%parallel_loop3A_481] in [0] : vector<16xf32>, vector<16xi32> -> vector<16xf32>
        %parallel_loop3A_483 = vector.shape_cast %mul3A_7 : vector<16xi32> to vector<16x1xi32>
        %parallel_loop3A_484 = vector.shape_cast %parallel_loop3A_483 : vector<16x1xi32> to vector<16xi32>
        %parallel_loop3A_485 = tpu.dynamic_gather %parallel_loop3A_479[%parallel_loop3A_484] in [0] : vector<16xf32>, vector<16xi32> -> vector<16xf32>
        %parallel_loop3A_486 = arith.select %lt3A_2, %parallel_loop3A_482, %parallel_loop3A_485 : vector<16xi1>, vector<16xf32>
        %parallel_loop3A_487 = vector.shape_cast %add3A_10 : vector<16xi32> to vector<16x1xi32>
        %parallel_loop3A_488 = vector.shape_cast %parallel_loop3A_487 : vector<16x1xi32> to vector<16xi32>
        %parallel_loop3A_489 = tpu.dynamic_gather %parallel_loop3A_341[%parallel_loop3A_488] in [0] : vector<16xf32>, vector<16xi32> -> vector<16xf32>
        %parallel_loop3A_490 = vector.shape_cast %add3A_10 : vector<16xi32> to vector<16x1xi32>
        %parallel_loop3A_491 = vector.shape_cast %parallel_loop3A_490 : vector<16x1xi32> to vector<16xi32>
        %parallel_loop3A_492 = tpu.dynamic_gather %parallel_loop3A_479[%parallel_loop3A_491] in [0] : vector<16xf32>, vector<16xi32> -> vector<16xf32>
        %parallel_loop3A_493 = arith.select %lt3A_2, %parallel_loop3A_489, %parallel_loop3A_492 : vector<16xi1>, vector<16xf32>
        %parallel_loop3A_494 = arith.addf %parallel_loop3A_486, %parallel_loop3A_493 : vector<16xf32>
        %parallel_loop3A_495 = arith.constant 7 : i32
        %parallel_loop3A_496 = arith.addi %parallel_loop3A_239, %parallel_loop3A_495 : i32
        %parallel_loop3A_497 = arith.index_cast %parallel_loop3A_496 : i32 to index
        %parallel_loop3A_498 = arith.constant 0 : index
        %parallel_loop3A_499 = tpu.vector_load %arg23[%parallel_loop3A_497, %parallel_loop3A_498] {strides = array<i32>} : memref<64x16xf32, #tpu.memory_space<vmem>>, vector<1x16xf32>,
        %parallel_loop3A_500 = vector.shape_cast %parallel_loop3A_499 : vector<1x16xf32> to vector<16xf32>
        %parallel_loop3A_501 = vector.shape_cast %mul3A_7 : vector<16xi32> to vector<16x1xi32>
        %parallel_loop3A_502 = vector.shape_cast %parallel_loop3A_501 : vector<16x1xi32> to vector<16xi32>
        %parallel_loop3A_503 = tpu.dynamic_gather %parallel_loop3A_443[%parallel_loop3A_502] in [0] : vector<16xf32>, vector<16xi32> -> vector<16xf32>
        %parallel_loop3A_504 = vector.shape_cast %mul3A_7 : vector<16xi32> to vector<16x1xi32>
        %parallel_loop3A_505 = vector.shape_cast %parallel_loop3A_504 : vector<16x1xi32> to vector<16xi32>
        %parallel_loop3A_506 = tpu.dynamic_gather %parallel_loop3A_500[%parallel_loop3A_505] in [0] : vector<16xf32>, vector<16xi32> -> vector<16xf32>
        %parallel_loop3A_507 = arith.select %lt3A_2, %parallel_loop3A_503, %parallel_loop3A_506 : vector<16xi1>, vector<16xf32>
        %parallel_loop3A_508 = vector.shape_cast %add3A_10 : vector<16xi32> to vector<16x1xi32>
        %parallel_loop3A_509 = vector.shape_cast %parallel_loop3A_508 : vector<16x1xi32> to vector<16xi32>
        %parallel_loop3A_510 = tpu.dynamic_gather %parallel_loop3A_443[%parallel_loop3A_509] in [0] : vector<16xf32>, vector<16xi32> -> vector<16xf32>
        %parallel_loop3A_511 = vector.shape_cast %add3A_10 : vector<16xi32> to vector<16x1xi32>
        %parallel_loop3A_512 = vector.shape_cast %parallel_loop3A_511 : vector<16x1xi32> to vector<16xi32>
        %parallel_loop3A_513 = tpu.dynamic_gather %parallel_loop3A_500[%parallel_loop3A_512] in [0] : vector<16xf32>, vector<16xi32> -> vector<16xf32>
        %parallel_loop3A_514 = arith.select %lt3A_2, %parallel_loop3A_510, %parallel_loop3A_513 : vector<16xi1>, vector<16xf32>
        %parallel_loop3A_515 = arith.addf %parallel_loop3A_507, %parallel_loop3A_514 : vector<16xf32>
        %parallel_loop3A_516 = vector.shape_cast %mul3A_7 : vector<16xi32> to vector<16x1xi32>
        %parallel_loop3A_517 = vector.shape_cast %parallel_loop3A_516 : vector<16x1xi32> to vector<16xi32>
        %parallel_loop3A_518 = tpu.dynamic_gather %parallel_loop3A_431[%parallel_loop3A_517] in [0] : vector<16xf32>, vector<16xi32> -> vector<16xf32>
        %parallel_loop3A_519 = vector.shape_cast %mul3A_7 : vector<16xi32> to vector<16x1xi32>
        %parallel_loop3A_520 = vector.shape_cast %parallel_loop3A_519 : vector<16x1xi32> to vector<16xi32>
        %parallel_loop3A_521 = tpu.dynamic_gather %parallel_loop3A_515[%parallel_loop3A_520] in [0] : vector<16xf32>, vector<16xi32> -> vector<16xf32>
        %parallel_loop3A_522 = arith.select %lt3A_2, %parallel_loop3A_518, %parallel_loop3A_521 : vector<16xi1>, vector<16xf32>
        %parallel_loop3A_523 = vector.shape_cast %add3A_10 : vector<16xi32> to vector<16x1xi32>
        %parallel_loop3A_524 = vector.shape_cast %parallel_loop3A_523 : vector<16x1xi32> to vector<16xi32>
        %parallel_loop3A_525 = tpu.dynamic_gather %parallel_loop3A_431[%parallel_loop3A_524] in [0] : vector<16xf32>, vector<16xi32> -> vector<16xf32>
        %parallel_loop3A_526 = vector.shape_cast %add3A_10 : vector<16xi32> to vector<16x1xi32>
        %parallel_loop3A_527 = vector.shape_cast %parallel_loop3A_526 : vector<16x1xi32> to vector<16xi32>
        %parallel_loop3A_528 = tpu.dynamic_gather %parallel_loop3A_515[%parallel_loop3A_527] in [0] : vector<16xf32>, vector<16xi32> -> vector<16xf32>
        %parallel_loop3A_529 = arith.select %lt3A_2, %parallel_loop3A_525, %parallel_loop3A_528 : vector<16xi1>, vector<16xf32>
        %parallel_loop3A_530 = arith.addf %parallel_loop3A_522, %parallel_loop3A_529 : vector<16xf32>
        %parallel_loop3A_531 = vector.shape_cast %mul3A_7 : vector<16xi32> to vector<16x1xi32>
        %parallel_loop3A_532 = vector.shape_cast %parallel_loop3A_531 : vector<16x1xi32> to vector<16xi32>
        %parallel_loop3A_533 = tpu.dynamic_gather %parallel_loop3A_377[%parallel_loop3A_532] in [0] : vector<16xf32>, vector<16xi32> -> vector<16xf32>
        %parallel_loop3A_534 = vector.shape_cast %mul3A_7 : vector<16xi32> to vector<16x1xi32>
        %parallel_loop3A_535 = vector.shape_cast %parallel_loop3A_534 : vector<16x1xi32> to vector<16xi32>
        %parallel_loop3A_536 = tpu.dynamic_gather %parallel_loop3A_530[%parallel_loop3A_535] in [0] : vector<16xf32>, vector<16xi32> -> vector<16xf32>
        %parallel_loop3A_537 = arith.select %lt3A_2, %parallel_loop3A_533, %parallel_loop3A_536 : vector<16xi1>, vector<16xf32>
        %parallel_loop3A_538 = vector.shape_cast %add3A_10 : vector<16xi32> to vector<16x1xi32>
        %parallel_loop3A_539 = vector.shape_cast %parallel_loop3A_538 : vector<16x1xi32> to vector<16xi32>
        %parallel_loop3A_540 = tpu.dynamic_gather %parallel_loop3A_377[%parallel_loop3A_539] in [0] : vector<16xf32>, vector<16xi32> -> vector<16xf32>
        %parallel_loop3A_541 = vector.shape_cast %add3A_10 : vector<16xi32> to vector<16x1xi32>
        %parallel_loop3A_542 = vector.shape_cast %parallel_loop3A_541 : vector<16x1xi32> to vector<16xi32>
        %parallel_loop3A_543 = tpu.dynamic_gather %parallel_loop3A_530[%parallel_loop3A_542] in [0] : vector<16xf32>, vector<16xi32> -> vector<16xf32>
        %parallel_loop3A_544 = arith.select %lt3A_2, %parallel_loop3A_540, %parallel_loop3A_543 : vector<16xi1>, vector<16xf32>
        %parallel_loop3A_545 = arith.addf %parallel_loop3A_537, %parallel_loop3A_544 : vector<16xf32>
        %parallel_loop3A_546 = arith.constant 8 : i32
        %parallel_loop3A_547 = arith.addi %parallel_loop3A_239, %parallel_loop3A_546 : i32
        %parallel_loop3A_548 = arith.index_cast %parallel_loop3A_547 : i32 to index
        %parallel_loop3A_549 = arith.constant 0 : index
        %parallel_loop3A_550 = tpu.vector_load %arg22[%parallel_loop3A_548, %parallel_loop3A_549] {strides = array<i32>} : memref<64x16xf32, #tpu.memory_space<vmem>>, vector<1x16xf32>,
        %parallel_loop3A_551 = vector.shape_cast %parallel_loop3A_550 : vector<1x16xf32> to vector<16xf32>
        %parallel_loop3A_552 = arith.constant 8 : i32
        %parallel_loop3A_553 = arith.addi %parallel_loop3A_239, %parallel_loop3A_552 : i32
        %parallel_loop3A_554 = arith.index_cast %parallel_loop3A_553 : i32 to index
        %parallel_loop3A_555 = arith.constant 0 : index
        %parallel_loop3A_556 = tpu.vector_load %arg23[%parallel_loop3A_554, %parallel_loop3A_555] {strides = array<i32>} : memref<64x16xf32, #tpu.memory_space<vmem>>, vector<1x16xf32>,
        %parallel_loop3A_557 = vector.shape_cast %parallel_loop3A_556 : vector<1x16xf32> to vector<16xf32>
        %parallel_loop3A_558 = arith.constant 9 : i32
        %parallel_loop3A_559 = arith.addi %parallel_loop3A_239, %parallel_loop3A_558 : i32
        %parallel_loop3A_560 = arith.index_cast %parallel_loop3A_559 : i32 to index
        %parallel_loop3A_561 = arith.constant 0 : index
        %parallel_loop3A_562 = tpu.vector_load %arg22[%parallel_loop3A_560, %parallel_loop3A_561] {strides = array<i32>} : memref<64x16xf32, #tpu.memory_space<vmem>>, vector<1x16xf32>,
        %parallel_loop3A_563 = vector.shape_cast %parallel_loop3A_562 : vector<1x16xf32> to vector<16xf32>
        %parallel_loop3A_564 = vector.shape_cast %mul3A_7 : vector<16xi32> to vector<16x1xi32>
        %parallel_loop3A_565 = vector.shape_cast %parallel_loop3A_564 : vector<16x1xi32> to vector<16xi32>
        %parallel_loop3A_566 = tpu.dynamic_gather %parallel_loop3A_551[%parallel_loop3A_565] in [0] : vector<16xf32>, vector<16xi32> -> vector<16xf32>
        %parallel_loop3A_567 = vector.shape_cast %mul3A_7 : vector<16xi32> to vector<16x1xi32>
        %parallel_loop3A_568 = vector.shape_cast %parallel_loop3A_567 : vector<16x1xi32> to vector<16xi32>
        %parallel_loop3A_569 = tpu.dynamic_gather %parallel_loop3A_563[%parallel_loop3A_568] in [0] : vector<16xf32>, vector<16xi32> -> vector<16xf32>
        %parallel_loop3A_570 = arith.select %lt3A_2, %parallel_loop3A_566, %parallel_loop3A_569 : vector<16xi1>, vector<16xf32>
        %parallel_loop3A_571 = vector.shape_cast %add3A_10 : vector<16xi32> to vector<16x1xi32>
        %parallel_loop3A_572 = vector.shape_cast %parallel_loop3A_571 : vector<16x1xi32> to vector<16xi32>
        %parallel_loop3A_573 = tpu.dynamic_gather %parallel_loop3A_551[%parallel_loop3A_572] in [0] : vector<16xf32>, vector<16xi32> -> vector<16xf32>
        %parallel_loop3A_574 = vector.shape_cast %add3A_10 : vector<16xi32> to vector<16x1xi32>
        %parallel_loop3A_575 = vector.shape_cast %parallel_loop3A_574 : vector<16x1xi32> to vector<16xi32>
        %parallel_loop3A_576 = tpu.dynamic_gather %parallel_loop3A_563[%parallel_loop3A_575] in [0] : vector<16xf32>, vector<16xi32> -> vector<16xf32>
        %parallel_loop3A_577 = arith.select %lt3A_2, %parallel_loop3A_573, %parallel_loop3A_576 : vector<16xi1>, vector<16xf32>
        %parallel_loop3A_578 = arith.addf %parallel_loop3A_570, %parallel_loop3A_577 : vector<16xf32>
        %parallel_loop3A_579 = arith.constant 9 : i32
        %parallel_loop3A_580 = arith.addi %parallel_loop3A_239, %parallel_loop3A_579 : i32
        %parallel_loop3A_581 = arith.index_cast %parallel_loop3A_580 : i32 to index
        %parallel_loop3A_582 = arith.constant 0 : index
        %parallel_loop3A_583 = tpu.vector_load %arg23[%parallel_loop3A_581, %parallel_loop3A_582] {strides = array<i32>} : memref<64x16xf32, #tpu.memory_space<vmem>>, vector<1x16xf32>,
        %parallel_loop3A_584 = vector.shape_cast %parallel_loop3A_583 : vector<1x16xf32> to vector<16xf32>
        %parallel_loop3A_585 = vector.shape_cast %mul3A_7 : vector<16xi32> to vector<16x1xi32>
        %parallel_loop3A_586 = vector.shape_cast %parallel_loop3A_585 : vector<16x1xi32> to vector<16xi32>
        %parallel_loop3A_587 = tpu.dynamic_gather %parallel_loop3A_557[%parallel_loop3A_586] in [0] : vector<16xf32>, vector<16xi32> -> vector<16xf32>
        %parallel_loop3A_588 = vector.shape_cast %mul3A_7 : vector<16xi32> to vector<16x1xi32>
        %parallel_loop3A_589 = vector.shape_cast %parallel_loop3A_588 : vector<16x1xi32> to vector<16xi32>
        %parallel_loop3A_590 = tpu.dynamic_gather %parallel_loop3A_584[%parallel_loop3A_589] in [0] : vector<16xf32>, vector<16xi32> -> vector<16xf32>
        %parallel_loop3A_591 = arith.select %lt3A_2, %parallel_loop3A_587, %parallel_loop3A_590 : vector<16xi1>, vector<16xf32>
        %parallel_loop3A_592 = vector.shape_cast %add3A_10 : vector<16xi32> to vector<16x1xi32>
        %parallel_loop3A_593 = vector.shape_cast %parallel_loop3A_592 : vector<16x1xi32> to vector<16xi32>
        %parallel_loop3A_594 = tpu.dynamic_gather %parallel_loop3A_557[%parallel_loop3A_593] in [0] : vector<16xf32>, vector<16xi32> -> vector<16xf32>
        %parallel_loop3A_595 = vector.shape_cast %add3A_10 : vector<16xi32> to vector<16x1xi32>
        %parallel_loop3A_596 = vector.shape_cast %parallel_loop3A_595 : vector<16x1xi32> to vector<16xi32>
        %parallel_loop3A_597 = tpu.dynamic_gather %parallel_loop3A_584[%parallel_loop3A_596] in [0] : vector<16xf32>, vector<16xi32> -> vector<16xf32>
        %parallel_loop3A_598 = arith.select %lt3A_2, %parallel_loop3A_594, %parallel_loop3A_597 : vector<16xi1>, vector<16xf32>
        %parallel_loop3A_599 = arith.addf %parallel_loop3A_591, %parallel_loop3A_598 : vector<16xf32>
        %parallel_loop3A_600 = arith.constant 10 : i32
        %parallel_loop3A_601 = arith.addi %parallel_loop3A_239, %parallel_loop3A_600 : i32
        %parallel_loop3A_602 = arith.index_cast %parallel_loop3A_601 : i32 to index
        %parallel_loop3A_603 = arith.constant 0 : index
        %parallel_loop3A_604 = tpu.vector_load %arg22[%parallel_loop3A_602, %parallel_loop3A_603] {strides = array<i32>} : memref<64x16xf32, #tpu.memory_space<vmem>>, vector<1x16xf32>,
        %parallel_loop3A_605 = vector.shape_cast %parallel_loop3A_604 : vector<1x16xf32> to vector<16xf32>
        %parallel_loop3A_606 = arith.constant 10 : i32
        %parallel_loop3A_607 = arith.addi %parallel_loop3A_239, %parallel_loop3A_606 : i32
        %parallel_loop3A_608 = arith.index_cast %parallel_loop3A_607 : i32 to index
        %parallel_loop3A_609 = arith.constant 0 : index
        %parallel_loop3A_610 = tpu.vector_load %arg23[%parallel_loop3A_608, %parallel_loop3A_609] {strides = array<i32>} : memref<64x16xf32, #tpu.memory_space<vmem>>, vector<1x16xf32>,
        %parallel_loop3A_611 = vector.shape_cast %parallel_loop3A_610 : vector<1x16xf32> to vector<16xf32>
        %parallel_loop3A_612 = arith.constant 11 : i32
        %parallel_loop3A_613 = arith.addi %parallel_loop3A_239, %parallel_loop3A_612 : i32
        %parallel_loop3A_614 = arith.index_cast %parallel_loop3A_613 : i32 to index
        %parallel_loop3A_615 = arith.constant 0 : index
        %parallel_loop3A_616 = tpu.vector_load %arg22[%parallel_loop3A_614, %parallel_loop3A_615] {strides = array<i32>} : memref<64x16xf32, #tpu.memory_space<vmem>>, vector<1x16xf32>,
        %parallel_loop3A_617 = vector.shape_cast %parallel_loop3A_616 : vector<1x16xf32> to vector<16xf32>
        %parallel_loop3A_618 = vector.shape_cast %mul3A_7 : vector<16xi32> to vector<16x1xi32>
        %parallel_loop3A_619 = vector.shape_cast %parallel_loop3A_618 : vector<16x1xi32> to vector<16xi32>
        %parallel_loop3A_620 = tpu.dynamic_gather %parallel_loop3A_605[%parallel_loop3A_619] in [0] : vector<16xf32>, vector<16xi32> -> vector<16xf32>
        %parallel_loop3A_621 = vector.shape_cast %mul3A_7 : vector<16xi32> to vector<16x1xi32>
        %parallel_loop3A_622 = vector.shape_cast %parallel_loop3A_621 : vector<16x1xi32> to vector<16xi32>
        %parallel_loop3A_623 = tpu.dynamic_gather %parallel_loop3A_617[%parallel_loop3A_622] in [0] : vector<16xf32>, vector<16xi32> -> vector<16xf32>
        %parallel_loop3A_624 = arith.select %lt3A_2, %parallel_loop3A_620, %parallel_loop3A_623 : vector<16xi1>, vector<16xf32>
        %parallel_loop3A_625 = vector.shape_cast %add3A_10 : vector<16xi32> to vector<16x1xi32>
        %parallel_loop3A_626 = vector.shape_cast %parallel_loop3A_625 : vector<16x1xi32> to vector<16xi32>
        %parallel_loop3A_627 = tpu.dynamic_gather %parallel_loop3A_605[%parallel_loop3A_626] in [0] : vector<16xf32>, vector<16xi32> -> vector<16xf32>
        %parallel_loop3A_628 = vector.shape_cast %add3A_10 : vector<16xi32> to vector<16x1xi32>
        %parallel_loop3A_629 = vector.shape_cast %parallel_loop3A_628 : vector<16x1xi32> to vector<16xi32>
        %parallel_loop3A_630 = tpu.dynamic_gather %parallel_loop3A_617[%parallel_loop3A_629] in [0] : vector<16xf32>, vector<16xi32> -> vector<16xf32>
        %parallel_loop3A_631 = arith.select %lt3A_2, %parallel_loop3A_627, %parallel_loop3A_630 : vector<16xi1>, vector<16xf32>
        %parallel_loop3A_632 = arith.addf %parallel_loop3A_624, %parallel_loop3A_631 : vector<16xf32>
        %parallel_loop3A_633 = vector.shape_cast %mul3A_7 : vector<16xi32> to vector<16x1xi32>
        %parallel_loop3A_634 = vector.shape_cast %parallel_loop3A_633 : vector<16x1xi32> to vector<16xi32>
        %parallel_loop3A_635 = tpu.dynamic_gather %parallel_loop3A_578[%parallel_loop3A_634] in [0] : vector<16xf32>, vector<16xi32> -> vector<16xf32>
        %parallel_loop3A_636 = vector.shape_cast %mul3A_7 : vector<16xi32> to vector<16x1xi32>
        %parallel_loop3A_637 = vector.shape_cast %parallel_loop3A_636 : vector<16x1xi32> to vector<16xi32>
        %parallel_loop3A_638 = tpu.dynamic_gather %parallel_loop3A_632[%parallel_loop3A_637] in [0] : vector<16xf32>, vector<16xi32> -> vector<16xf32>
        %parallel_loop3A_639 = arith.select %lt3A_2, %parallel_loop3A_635, %parallel_loop3A_638 : vector<16xi1>, vector<16xf32>
        %parallel_loop3A_640 = vector.shape_cast %add3A_10 : vector<16xi32> to vector<16x1xi32>
        %parallel_loop3A_641 = vector.shape_cast %parallel_loop3A_640 : vector<16x1xi32> to vector<16xi32>
        %parallel_loop3A_642 = tpu.dynamic_gather %parallel_loop3A_578[%parallel_loop3A_641] in [0] : vector<16xf32>, vector<16xi32> -> vector<16xf32>
        %parallel_loop3A_643 = vector.shape_cast %add3A_10 : vector<16xi32> to vector<16x1xi32>
        %parallel_loop3A_644 = vector.shape_cast %parallel_loop3A_643 : vector<16x1xi32> to vector<16xi32>
        %parallel_loop3A_645 = tpu.dynamic_gather %parallel_loop3A_632[%parallel_loop3A_644] in [0] : vector<16xf32>, vector<16xi32> -> vector<16xf32>
        %parallel_loop3A_646 = arith.select %lt3A_2, %parallel_loop3A_642, %parallel_loop3A_645 : vector<16xi1>, vector<16xf32>
        %parallel_loop3A_647 = arith.addf %parallel_loop3A_639, %parallel_loop3A_646 : vector<16xf32>
        %parallel_loop3A_648 = arith.constant 11 : i32
        %parallel_loop3A_649 = arith.addi %parallel_loop3A_239, %parallel_loop3A_648 : i32
        %parallel_loop3A_650 = arith.index_cast %parallel_loop3A_649 : i32 to index
        %parallel_loop3A_651 = arith.constant 0 : index
        %parallel_loop3A_652 = tpu.vector_load %arg23[%parallel_loop3A_650, %parallel_loop3A_651] {strides = array<i32>} : memref<64x16xf32, #tpu.memory_space<vmem>>, vector<1x16xf32>,
        %parallel_loop3A_653 = vector.shape_cast %parallel_loop3A_652 : vector<1x16xf32> to vector<16xf32>
        %parallel_loop3A_654 = vector.shape_cast %mul3A_7 : vector<16xi32> to vector<16x1xi32>
        %parallel_loop3A_655 = vector.shape_cast %parallel_loop3A_654 : vector<16x1xi32> to vector<16xi32>
        %parallel_loop3A_656 = tpu.dynamic_gather %parallel_loop3A_611[%parallel_loop3A_655] in [0] : vector<16xf32>, vector<16xi32> -> vector<16xf32>
        %parallel_loop3A_657 = vector.shape_cast %mul3A_7 : vector<16xi32> to vector<16x1xi32>
        %parallel_loop3A_658 = vector.shape_cast %parallel_loop3A_657 : vector<16x1xi32> to vector<16xi32>
        %parallel_loop3A_659 = tpu.dynamic_gather %parallel_loop3A_653[%parallel_loop3A_658] in [0] : vector<16xf32>, vector<16xi32> -> vector<16xf32>
        %parallel_loop3A_660 = arith.select %lt3A_2, %parallel_loop3A_656, %parallel_loop3A_659 : vector<16xi1>, vector<16xf32>
        %parallel_loop3A_661 = vector.shape_cast %add3A_10 : vector<16xi32> to vector<16x1xi32>
        %parallel_loop3A_662 = vector.shape_cast %parallel_loop3A_661 : vector<16x1xi32> to vector<16xi32>
        %parallel_loop3A_663 = tpu.dynamic_gather %parallel_loop3A_611[%parallel_loop3A_662] in [0] : vector<16xf32>, vector<16xi32> -> vector<16xf32>
        %parallel_loop3A_664 = vector.shape_cast %add3A_10 : vector<16xi32> to vector<16x1xi32>
        %parallel_loop3A_665 = vector.shape_cast %parallel_loop3A_664 : vector<16x1xi32> to vector<16xi32>
        %parallel_loop3A_666 = tpu.dynamic_gather %parallel_loop3A_653[%parallel_loop3A_665] in [0] : vector<16xf32>, vector<16xi32> -> vector<16xf32>
        %parallel_loop3A_667 = arith.select %lt3A_2, %parallel_loop3A_663, %parallel_loop3A_666 : vector<16xi1>, vector<16xf32>
        %parallel_loop3A_668 = arith.addf %parallel_loop3A_660, %parallel_loop3A_667 : vector<16xf32>
        %parallel_loop3A_669 = vector.shape_cast %mul3A_7 : vector<16xi32> to vector<16x1xi32>
        %parallel_loop3A_670 = vector.shape_cast %parallel_loop3A_669 : vector<16x1xi32> to vector<16xi32>
        %parallel_loop3A_671 = tpu.dynamic_gather %parallel_loop3A_599[%parallel_loop3A_670] in [0] : vector<16xf32>, vector<16xi32> -> vector<16xf32>
        %parallel_loop3A_672 = vector.shape_cast %mul3A_7 : vector<16xi32> to vector<16x1xi32>
        %parallel_loop3A_673 = vector.shape_cast %parallel_loop3A_672 : vector<16x1xi32> to vector<16xi32>
        %parallel_loop3A_674 = tpu.dynamic_gather %parallel_loop3A_668[%parallel_loop3A_673] in [0] : vector<16xf32>, vector<16xi32> -> vector<16xf32>
        %parallel_loop3A_675 = arith.select %lt3A_2, %parallel_loop3A_671, %parallel_loop3A_674 : vector<16xi1>, vector<16xf32>
        %parallel_loop3A_676 = vector.shape_cast %add3A_10 : vector<16xi32> to vector<16x1xi32>
        %parallel_loop3A_677 = vector.shape_cast %parallel_loop3A_676 : vector<16x1xi32> to vector<16xi32>
        %parallel_loop3A_678 = tpu.dynamic_gather %parallel_loop3A_599[%parallel_loop3A_677] in [0] : vector<16xf32>, vector<16xi32> -> vector<16xf32>
        %parallel_loop3A_679 = vector.shape_cast %add3A_10 : vector<16xi32> to vector<16x1xi32>
        %parallel_loop3A_680 = vector.shape_cast %parallel_loop3A_679 : vector<16x1xi32> to vector<16xi32>
        %parallel_loop3A_681 = tpu.dynamic_gather %parallel_loop3A_668[%parallel_loop3A_680] in [0] : vector<16xf32>, vector<16xi32> -> vector<16xf32>
        %parallel_loop3A_682 = arith.select %lt3A_2, %parallel_loop3A_678, %parallel_loop3A_681 : vector<16xi1>, vector<16xf32>
        %parallel_loop3A_683 = arith.addf %parallel_loop3A_675, %parallel_loop3A_682 : vector<16xf32>
        %parallel_loop3A_684 = arith.constant 12 : i32
        %parallel_loop3A_685 = arith.addi %parallel_loop3A_239, %parallel_loop3A_684 : i32
        %parallel_loop3A_686 = arith.index_cast %parallel_loop3A_685 : i32 to index
        %parallel_loop3A_687 = arith.constant 0 : index
        %parallel_loop3A_688 = tpu.vector_load %arg22[%parallel_loop3A_686, %parallel_loop3A_687] {strides = array<i32>} : memref<64x16xf32, #tpu.memory_space<vmem>>, vector<1x16xf32>,
        %parallel_loop3A_689 = vector.shape_cast %parallel_loop3A_688 : vector<1x16xf32> to vector<16xf32>
        %parallel_loop3A_690 = arith.constant 12 : i32
        %parallel_loop3A_691 = arith.addi %parallel_loop3A_239, %parallel_loop3A_690 : i32
        %parallel_loop3A_692 = arith.index_cast %parallel_loop3A_691 : i32 to index
        %parallel_loop3A_693 = arith.constant 0 : index
        %parallel_loop3A_694 = tpu.vector_load %arg23[%parallel_loop3A_692, %parallel_loop3A_693] {strides = array<i32>} : memref<64x16xf32, #tpu.memory_space<vmem>>, vector<1x16xf32>,
        %parallel_loop3A_695 = vector.shape_cast %parallel_loop3A_694 : vector<1x16xf32> to vector<16xf32>
        %parallel_loop3A_696 = arith.constant 13 : i32
        %parallel_loop3A_697 = arith.addi %parallel_loop3A_239, %parallel_loop3A_696 : i32
        %parallel_loop3A_698 = arith.index_cast %parallel_loop3A_697 : i32 to index
        %parallel_loop3A_699 = arith.constant 0 : index
        %parallel_loop3A_700 = tpu.vector_load %arg22[%parallel_loop3A_698, %parallel_loop3A_699] {strides = array<i32>} : memref<64x16xf32, #tpu.memory_space<vmem>>, vector<1x16xf32>,
        %parallel_loop3A_701 = vector.shape_cast %parallel_loop3A_700 : vector<1x16xf32> to vector<16xf32>
        %parallel_loop3A_702 = vector.shape_cast %mul3A_7 : vector<16xi32> to vector<16x1xi32>
        %parallel_loop3A_703 = vector.shape_cast %parallel_loop3A_702 : vector<16x1xi32> to vector<16xi32>
        %parallel_loop3A_704 = tpu.dynamic_gather %parallel_loop3A_689[%parallel_loop3A_703] in [0] : vector<16xf32>, vector<16xi32> -> vector<16xf32>
        %parallel_loop3A_705 = vector.shape_cast %mul3A_7 : vector<16xi32> to vector<16x1xi32>
        %parallel_loop3A_706 = vector.shape_cast %parallel_loop3A_705 : vector<16x1xi32> to vector<16xi32>
        %parallel_loop3A_707 = tpu.dynamic_gather %parallel_loop3A_701[%parallel_loop3A_706] in [0] : vector<16xf32>, vector<16xi32> -> vector<16xf32>
        %parallel_loop3A_708 = arith.select %lt3A_2, %parallel_loop3A_704, %parallel_loop3A_707 : vector<16xi1>, vector<16xf32>
        %parallel_loop3A_709 = vector.shape_cast %add3A_10 : vector<16xi32> to vector<16x1xi32>
        %parallel_loop3A_710 = vector.shape_cast %parallel_loop3A_709 : vector<16x1xi32> to vector<16xi32>
        %parallel_loop3A_711 = tpu.dynamic_gather %parallel_loop3A_689[%parallel_loop3A_710] in [0] : vector<16xf32>, vector<16xi32> -> vector<16xf32>
        %parallel_loop3A_712 = vector.shape_cast %add3A_10 : vector<16xi32> to vector<16x1xi32>
        %parallel_loop3A_713 = vector.shape_cast %parallel_loop3A_712 : vector<16x1xi32> to vector<16xi32>
        %parallel_loop3A_714 = tpu.dynamic_gather %parallel_loop3A_701[%parallel_loop3A_713] in [0] : vector<16xf32>, vector<16xi32> -> vector<16xf32>
        %parallel_loop3A_715 = arith.select %lt3A_2, %parallel_loop3A_711, %parallel_loop3A_714 : vector<16xi1>, vector<16xf32>
        %parallel_loop3A_716 = arith.addf %parallel_loop3A_708, %parallel_loop3A_715 : vector<16xf32>
        %parallel_loop3A_717 = arith.constant 13 : i32
        %parallel_loop3A_718 = arith.addi %parallel_loop3A_239, %parallel_loop3A_717 : i32
        %parallel_loop3A_719 = arith.index_cast %parallel_loop3A_718 : i32 to index
        %parallel_loop3A_720 = arith.constant 0 : index
        %parallel_loop3A_721 = tpu.vector_load %arg23[%parallel_loop3A_719, %parallel_loop3A_720] {strides = array<i32>} : memref<64x16xf32, #tpu.memory_space<vmem>>, vector<1x16xf32>,
        %parallel_loop3A_722 = vector.shape_cast %parallel_loop3A_721 : vector<1x16xf32> to vector<16xf32>
        %parallel_loop3A_723 = vector.shape_cast %mul3A_7 : vector<16xi32> to vector<16x1xi32>
        %parallel_loop3A_724 = vector.shape_cast %parallel_loop3A_723 : vector<16x1xi32> to vector<16xi32>
        %parallel_loop3A_725 = tpu.dynamic_gather %parallel_loop3A_695[%parallel_loop3A_724] in [0] : vector<16xf32>, vector<16xi32> -> vector<16xf32>
        %parallel_loop3A_726 = vector.shape_cast %mul3A_7 : vector<16xi32> to vector<16x1xi32>
        %parallel_loop3A_727 = vector.shape_cast %parallel_loop3A_726 : vector<16x1xi32> to vector<16xi32>
        %parallel_loop3A_728 = tpu.dynamic_gather %parallel_loop3A_722[%parallel_loop3A_727] in [0] : vector<16xf32>, vector<16xi32> -> vector<16xf32>
        %parallel_loop3A_729 = arith.select %lt3A_2, %parallel_loop3A_725, %parallel_loop3A_728 : vector<16xi1>, vector<16xf32>
        %parallel_loop3A_730 = vector.shape_cast %add3A_10 : vector<16xi32> to vector<16x1xi32>
        %parallel_loop3A_731 = vector.shape_cast %parallel_loop3A_730 : vector<16x1xi32> to vector<16xi32>
        %parallel_loop3A_732 = tpu.dynamic_gather %parallel_loop3A_695[%parallel_loop3A_731] in [0] : vector<16xf32>, vector<16xi32> -> vector<16xf32>
        %parallel_loop3A_733 = vector.shape_cast %add3A_10 : vector<16xi32> to vector<16x1xi32>
        %parallel_loop3A_734 = vector.shape_cast %parallel_loop3A_733 : vector<16x1xi32> to vector<16xi32>
        %parallel_loop3A_735 = tpu.dynamic_gather %parallel_loop3A_722[%parallel_loop3A_734] in [0] : vector<16xf32>, vector<16xi32> -> vector<16xf32>
        %parallel_loop3A_736 = arith.select %lt3A_2, %parallel_loop3A_732, %parallel_loop3A_735 : vector<16xi1>, vector<16xf32>
        %parallel_loop3A_737 = arith.addf %parallel_loop3A_729, %parallel_loop3A_736 : vector<16xf32>
        %parallel_loop3A_738 = arith.constant 14 : i32
        %parallel_loop3A_739 = arith.addi %parallel_loop3A_239, %parallel_loop3A_738 : i32
        %parallel_loop3A_740 = arith.index_cast %parallel_loop3A_739 : i32 to index
        %parallel_loop3A_741 = arith.constant 0 : index
        %parallel_loop3A_742 = tpu.vector_load %arg22[%parallel_loop3A_740, %parallel_loop3A_741] {strides = array<i32>} : memref<64x16xf32, #tpu.memory_space<vmem>>, vector<1x16xf32>,
        %parallel_loop3A_743 = vector.shape_cast %parallel_loop3A_742 : vector<1x16xf32> to vector<16xf32>
        %parallel_loop3A_744 = arith.constant 14 : i32
        %parallel_loop3A_745 = arith.addi %parallel_loop3A_239, %parallel_loop3A_744 : i32
        %parallel_loop3A_746 = arith.index_cast %parallel_loop3A_745 : i32 to index
        %parallel_loop3A_747 = arith.constant 0 : index
        %parallel_loop3A_748 = tpu.vector_load %arg23[%parallel_loop3A_746, %parallel_loop3A_747] {strides = array<i32>} : memref<64x16xf32, #tpu.memory_space<vmem>>, vector<1x16xf32>,
        %parallel_loop3A_749 = vector.shape_cast %parallel_loop3A_748 : vector<1x16xf32> to vector<16xf32>
        %parallel_loop3A_750 = arith.constant 15 : i32
        %parallel_loop3A_751 = arith.addi %parallel_loop3A_239, %parallel_loop3A_750 : i32
        %parallel_loop3A_752 = arith.index_cast %parallel_loop3A_751 : i32 to index
        %parallel_loop3A_753 = arith.constant 0 : index
        %parallel_loop3A_754 = tpu.vector_load %arg22[%parallel_loop3A_752, %parallel_loop3A_753] {strides = array<i32>} : memref<64x16xf32, #tpu.memory_space<vmem>>, vector<1x16xf32>,
        %parallel_loop3A_755 = vector.shape_cast %parallel_loop3A_754 : vector<1x16xf32> to vector<16xf32>
        %parallel_loop3A_756 = vector.shape_cast %mul3A_7 : vector<16xi32> to vector<16x1xi32>
        %parallel_loop3A_757 = vector.shape_cast %parallel_loop3A_756 : vector<16x1xi32> to vector<16xi32>
        %parallel_loop3A_758 = tpu.dynamic_gather %parallel_loop3A_743[%parallel_loop3A_757] in [0] : vector<16xf32>, vector<16xi32> -> vector<16xf32>
        %parallel_loop3A_759 = vector.shape_cast %mul3A_7 : vector<16xi32> to vector<16x1xi32>
        %parallel_loop3A_760 = vector.shape_cast %parallel_loop3A_759 : vector<16x1xi32> to vector<16xi32>
        %parallel_loop3A_761 = tpu.dynamic_gather %parallel_loop3A_755[%parallel_loop3A_760] in [0] : vector<16xf32>, vector<16xi32> -> vector<16xf32>
        %parallel_loop3A_762 = arith.select %lt3A_2, %parallel_loop3A_758, %parallel_loop3A_761 : vector<16xi1>, vector<16xf32>
        %parallel_loop3A_763 = vector.shape_cast %add3A_10 : vector<16xi32> to vector<16x1xi32>
        %parallel_loop3A_764 = vector.shape_cast %parallel_loop3A_763 : vector<16x1xi32> to vector<16xi32>
        %parallel_loop3A_765 = tpu.dynamic_gather %parallel_loop3A_743[%parallel_loop3A_764] in [0] : vector<16xf32>, vector<16xi32> -> vector<16xf32>
        %parallel_loop3A_766 = vector.shape_cast %add3A_10 : vector<16xi32> to vector<16x1xi32>
        %parallel_loop3A_767 = vector.shape_cast %parallel_loop3A_766 : vector<16x1xi32> to vector<16xi32>
        %parallel_loop3A_768 = tpu.dynamic_gather %parallel_loop3A_755[%parallel_loop3A_767] in [0] : vector<16xf32>, vector<16xi32> -> vector<16xf32>
        %parallel_loop3A_769 = arith.select %lt3A_2, %parallel_loop3A_765, %parallel_loop3A_768 : vector<16xi1>, vector<16xf32>
        %parallel_loop3A_770 = arith.addf %parallel_loop3A_762, %parallel_loop3A_769 : vector<16xf32>
        %parallel_loop3A_771 = vector.shape_cast %mul3A_7 : vector<16xi32> to vector<16x1xi32>
        %parallel_loop3A_772 = vector.shape_cast %parallel_loop3A_771 : vector<16x1xi32> to vector<16xi32>
        %parallel_loop3A_773 = tpu.dynamic_gather %parallel_loop3A_716[%parallel_loop3A_772] in [0] : vector<16xf32>, vector<16xi32> -> vector<16xf32>
        %parallel_loop3A_774 = vector.shape_cast %mul3A_7 : vector<16xi32> to vector<16x1xi32>
        %parallel_loop3A_775 = vector.shape_cast %parallel_loop3A_774 : vector<16x1xi32> to vector<16xi32>
        %parallel_loop3A_776 = tpu.dynamic_gather %parallel_loop3A_770[%parallel_loop3A_775] in [0] : vector<16xf32>, vector<16xi32> -> vector<16xf32>
        %parallel_loop3A_777 = arith.select %lt3A_2, %parallel_loop3A_773, %parallel_loop3A_776 : vector<16xi1>, vector<16xf32>
        %parallel_loop3A_778 = vector.shape_cast %add3A_10 : vector<16xi32> to vector<16x1xi32>
        %parallel_loop3A_779 = vector.shape_cast %parallel_loop3A_778 : vector<16x1xi32> to vector<16xi32>
        %parallel_loop3A_780 = tpu.dynamic_gather %parallel_loop3A_716[%parallel_loop3A_779] in [0] : vector<16xf32>, vector<16xi32> -> vector<16xf32>
        %parallel_loop3A_781 = vector.shape_cast %add3A_10 : vector<16xi32> to vector<16x1xi32>
        %parallel_loop3A_782 = vector.shape_cast %parallel_loop3A_781 : vector<16x1xi32> to vector<16xi32>
        %parallel_loop3A_783 = tpu.dynamic_gather %parallel_loop3A_770[%parallel_loop3A_782] in [0] : vector<16xf32>, vector<16xi32> -> vector<16xf32>
        %parallel_loop3A_784 = arith.select %lt3A_2, %parallel_loop3A_780, %parallel_loop3A_783 : vector<16xi1>, vector<16xf32>
        %parallel_loop3A_785 = arith.addf %parallel_loop3A_777, %parallel_loop3A_784 : vector<16xf32>
        %parallel_loop3A_786 = vector.shape_cast %mul3A_7 : vector<16xi32> to vector<16x1xi32>
        %parallel_loop3A_787 = vector.shape_cast %parallel_loop3A_786 : vector<16x1xi32> to vector<16xi32>
        %parallel_loop3A_788 = tpu.dynamic_gather %parallel_loop3A_647[%parallel_loop3A_787] in [0] : vector<16xf32>, vector<16xi32> -> vector<16xf32>
        %parallel_loop3A_789 = vector.shape_cast %mul3A_7 : vector<16xi32> to vector<16x1xi32>
        %parallel_loop3A_790 = vector.shape_cast %parallel_loop3A_789 : vector<16x1xi32> to vector<16xi32>
        %parallel_loop3A_791 = tpu.dynamic_gather %parallel_loop3A_785[%parallel_loop3A_790] in [0] : vector<16xf32>, vector<16xi32> -> vector<16xf32>
        %parallel_loop3A_792 = arith.select %lt3A_2, %parallel_loop3A_788, %parallel_loop3A_791 : vector<16xi1>, vector<16xf32>
        %parallel_loop3A_793 = vector.shape_cast %add3A_10 : vector<16xi32> to vector<16x1xi32>
        %parallel_loop3A_794 = vector.shape_cast %parallel_loop3A_793 : vector<16x1xi32> to vector<16xi32>
        %parallel_loop3A_795 = tpu.dynamic_gather %parallel_loop3A_647[%parallel_loop3A_794] in [0] : vector<16xf32>, vector<16xi32> -> vector<16xf32>
        %parallel_loop3A_796 = vector.shape_cast %add3A_10 : vector<16xi32> to vector<16x1xi32>
        %parallel_loop3A_797 = vector.shape_cast %parallel_loop3A_796 : vector<16x1xi32> to vector<16xi32>
        %parallel_loop3A_798 = tpu.dynamic_gather %parallel_loop3A_785[%parallel_loop3A_797] in [0] : vector<16xf32>, vector<16xi32> -> vector<16xf32>
        %parallel_loop3A_799 = arith.select %lt3A_2, %parallel_loop3A_795, %parallel_loop3A_798 : vector<16xi1>, vector<16xf32>
        %parallel_loop3A_800 = arith.addf %parallel_loop3A_792, %parallel_loop3A_799 : vector<16xf32>
        %parallel_loop3A_801 = vector.shape_cast %mul3A_7 : vector<16xi32> to vector<16x1xi32>
        %parallel_loop3A_802 = vector.shape_cast %parallel_loop3A_801 : vector<16x1xi32> to vector<16xi32>
        %parallel_loop3A_803 = tpu.dynamic_gather %parallel_loop3A_494[%parallel_loop3A_802] in [0] : vector<16xf32>, vector<16xi32> -> vector<16xf32>
        %parallel_loop3A_804 = vector.shape_cast %mul3A_7 : vector<16xi32> to vector<16x1xi32>
        %parallel_loop3A_805 = vector.shape_cast %parallel_loop3A_804 : vector<16x1xi32> to vector<16xi32>
        %parallel_loop3A_806 = tpu.dynamic_gather %parallel_loop3A_800[%parallel_loop3A_805] in [0] : vector<16xf32>, vector<16xi32> -> vector<16xf32>
        %parallel_loop3A_807 = arith.select %lt3A_2, %parallel_loop3A_803, %parallel_loop3A_806 : vector<16xi1>, vector<16xf32>
        %parallel_loop3A_808 = vector.shape_cast %add3A_10 : vector<16xi32> to vector<16x1xi32>
        %parallel_loop3A_809 = vector.shape_cast %parallel_loop3A_808 : vector<16x1xi32> to vector<16xi32>
        %parallel_loop3A_810 = tpu.dynamic_gather %parallel_loop3A_494[%parallel_loop3A_809] in [0] : vector<16xf32>, vector<16xi32> -> vector<16xf32>
        %parallel_loop3A_811 = vector.shape_cast %add3A_10 : vector<16xi32> to vector<16x1xi32>
        %parallel_loop3A_812 = vector.shape_cast %parallel_loop3A_811 : vector<16x1xi32> to vector<16xi32>
        %parallel_loop3A_813 = tpu.dynamic_gather %parallel_loop3A_800[%parallel_loop3A_812] in [0] : vector<16xf32>, vector<16xi32> -> vector<16xf32>
        %parallel_loop3A_814 = arith.select %lt3A_2, %parallel_loop3A_810, %parallel_loop3A_813 : vector<16xi1>, vector<16xf32>
        %parallel_loop3A_815 = arith.addf %parallel_loop3A_807, %parallel_loop3A_814 : vector<16xf32>
        %parallel_loop3A_816 = arith.constant 15 : i32
        %parallel_loop3A_817 = arith.addi %parallel_loop3A_239, %parallel_loop3A_816 : i32
        %parallel_loop3A_818 = arith.index_cast %parallel_loop3A_817 : i32 to index
        %parallel_loop3A_819 = arith.constant 0 : index
        %parallel_loop3A_820 = tpu.vector_load %arg23[%parallel_loop3A_818, %parallel_loop3A_819] {strides = array<i32>} : memref<64x16xf32, #tpu.memory_space<vmem>>, vector<1x16xf32>,
        %parallel_loop3A_821 = vector.shape_cast %parallel_loop3A_820 : vector<1x16xf32> to vector<16xf32>
        %parallel_loop3A_822 = vector.shape_cast %mul3A_7 : vector<16xi32> to vector<16x1xi32>
        %parallel_loop3A_823 = vector.shape_cast %parallel_loop3A_822 : vector<16x1xi32> to vector<16xi32>
        %parallel_loop3A_824 = tpu.dynamic_gather %parallel_loop3A_749[%parallel_loop3A_823] in [0] : vector<16xf32>, vector<16xi32> -> vector<16xf32>
        %parallel_loop3A_825 = vector.shape_cast %mul3A_7 : vector<16xi32> to vector<16x1xi32>
        %parallel_loop3A_826 = vector.shape_cast %parallel_loop3A_825 : vector<16x1xi32> to vector<16xi32>
        %parallel_loop3A_827 = tpu.dynamic_gather %parallel_loop3A_821[%parallel_loop3A_826] in [0] : vector<16xf32>, vector<16xi32> -> vector<16xf32>
        %parallel_loop3A_828 = arith.select %lt3A_2, %parallel_loop3A_824, %parallel_loop3A_827 : vector<16xi1>, vector<16xf32>
        %parallel_loop3A_829 = vector.shape_cast %add3A_10 : vector<16xi32> to vector<16x1xi32>
        %parallel_loop3A_830 = vector.shape_cast %parallel_loop3A_829 : vector<16x1xi32> to vector<16xi32>
        %parallel_loop3A_831 = tpu.dynamic_gather %parallel_loop3A_749[%parallel_loop3A_830] in [0] : vector<16xf32>, vector<16xi32> -> vector<16xf32>
        %parallel_loop3A_832 = vector.shape_cast %add3A_10 : vector<16xi32> to vector<16x1xi32>
        %parallel_loop3A_833 = vector.shape_cast %parallel_loop3A_832 : vector<16x1xi32> to vector<16xi32>
        %parallel_loop3A_834 = tpu.dynamic_gather %parallel_loop3A_821[%parallel_loop3A_833] in [0] : vector<16xf32>, vector<16xi32> -> vector<16xf32>
        %parallel_loop3A_835 = arith.select %lt3A_2, %parallel_loop3A_831, %parallel_loop3A_834 : vector<16xi1>, vector<16xf32>
        %parallel_loop3A_836 = arith.addf %parallel_loop3A_828, %parallel_loop3A_835 : vector<16xf32>
        %parallel_loop3A_837 = vector.shape_cast %mul3A_7 : vector<16xi32> to vector<16x1xi32>
        %parallel_loop3A_838 = vector.shape_cast %parallel_loop3A_837 : vector<16x1xi32> to vector<16xi32>
        %parallel_loop3A_839 = tpu.dynamic_gather %parallel_loop3A_737[%parallel_loop3A_838] in [0] : vector<16xf32>, vector<16xi32> -> vector<16xf32>
        %parallel_loop3A_840 = vector.shape_cast %mul3A_7 : vector<16xi32> to vector<16x1xi32>
        %parallel_loop3A_841 = vector.shape_cast %parallel_loop3A_840 : vector<16x1xi32> to vector<16xi32>
        %parallel_loop3A_842 = tpu.dynamic_gather %parallel_loop3A_836[%parallel_loop3A_841] in [0] : vector<16xf32>, vector<16xi32> -> vector<16xf32>
        %parallel_loop3A_843 = arith.select %lt3A_2, %parallel_loop3A_839, %parallel_loop3A_842 : vector<16xi1>, vector<16xf32>
        %parallel_loop3A_844 = vector.shape_cast %add3A_10 : vector<16xi32> to vector<16x1xi32>
        %parallel_loop3A_845 = vector.shape_cast %parallel_loop3A_844 : vector<16x1xi32> to vector<16xi32>
        %parallel_loop3A_846 = tpu.dynamic_gather %parallel_loop3A_737[%parallel_loop3A_845] in [0] : vector<16xf32>, vector<16xi32> -> vector<16xf32>
        %parallel_loop3A_847 = vector.shape_cast %add3A_10 : vector<16xi32> to vector<16x1xi32>
        %parallel_loop3A_848 = vector.shape_cast %parallel_loop3A_847 : vector<16x1xi32> to vector<16xi32>
        %parallel_loop3A_849 = tpu.dynamic_gather %parallel_loop3A_836[%parallel_loop3A_848] in [0] : vector<16xf32>, vector<16xi32> -> vector<16xf32>
        %parallel_loop3A_850 = arith.select %lt3A_2, %parallel_loop3A_846, %parallel_loop3A_849 : vector<16xi1>, vector<16xf32>
        %parallel_loop3A_851 = arith.addf %parallel_loop3A_843, %parallel_loop3A_850 : vector<16xf32>
        %parallel_loop3A_852 = vector.shape_cast %mul3A_7 : vector<16xi32> to vector<16x1xi32>
        %parallel_loop3A_853 = vector.shape_cast %parallel_loop3A_852 : vector<16x1xi32> to vector<16xi32>
        %parallel_loop3A_854 = tpu.dynamic_gather %parallel_loop3A_683[%parallel_loop3A_853] in [0] : vector<16xf32>, vector<16xi32> -> vector<16xf32>
        %parallel_loop3A_855 = vector.shape_cast %mul3A_7 : vector<16xi32> to vector<16x1xi32>
        %parallel_loop3A_856 = vector.shape_cast %parallel_loop3A_855 : vector<16x1xi32> to vector<16xi32>
        %parallel_loop3A_857 = tpu.dynamic_gather %parallel_loop3A_851[%parallel_loop3A_856] in [0] : vector<16xf32>, vector<16xi32> -> vector<16xf32>
        %parallel_loop3A_858 = arith.select %lt3A_2, %parallel_loop3A_854, %parallel_loop3A_857 : vector<16xi1>, vector<16xf32>
        %parallel_loop3A_859 = vector.shape_cast %add3A_10 : vector<16xi32> to vector<16x1xi32>
        %parallel_loop3A_860 = vector.shape_cast %parallel_loop3A_859 : vector<16x1xi32> to vector<16xi32>
        %parallel_loop3A_861 = tpu.dynamic_gather %parallel_loop3A_683[%parallel_loop3A_860] in [0] : vector<16xf32>, vector<16xi32> -> vector<16xf32>
        %parallel_loop3A_862 = vector.shape_cast %add3A_10 : vector<16xi32> to vector<16x1xi32>
        %parallel_loop3A_863 = vector.shape_cast %parallel_loop3A_862 : vector<16x1xi32> to vector<16xi32>
        %parallel_loop3A_864 = tpu.dynamic_gather %parallel_loop3A_851[%parallel_loop3A_863] in [0] : vector<16xf32>, vector<16xi32> -> vector<16xf32>
        %parallel_loop3A_865 = arith.select %lt3A_2, %parallel_loop3A_861, %parallel_loop3A_864 : vector<16xi1>, vector<16xf32>
        %parallel_loop3A_866 = arith.addf %parallel_loop3A_858, %parallel_loop3A_865 : vector<16xf32>
        %parallel_loop3A_867 = vector.shape_cast %mul3A_7 : vector<16xi32> to vector<16x1xi32>
        %parallel_loop3A_868 = vector.shape_cast %parallel_loop3A_867 : vector<16x1xi32> to vector<16xi32>
        %parallel_loop3A_869 = tpu.dynamic_gather %parallel_loop3A_545[%parallel_loop3A_868] in [0] : vector<16xf32>, vector<16xi32> -> vector<16xf32>
        %parallel_loop3A_870 = vector.shape_cast %mul3A_7 : vector<16xi32> to vector<16x1xi32>
        %parallel_loop3A_871 = vector.shape_cast %parallel_loop3A_870 : vector<16x1xi32> to vector<16xi32>
        %parallel_loop3A_872 = tpu.dynamic_gather %parallel_loop3A_866[%parallel_loop3A_871] in [0] : vector<16xf32>, vector<16xi32> -> vector<16xf32>
        %parallel_loop3A_873 = arith.select %lt3A_2, %parallel_loop3A_869, %parallel_loop3A_872 : vector<16xi1>, vector<16xf32>
        %parallel_loop3A_874 = vector.shape_cast %add3A_10 : vector<16xi32> to vector<16x1xi32>
        %parallel_loop3A_875 = vector.shape_cast %parallel_loop3A_874 : vector<16x1xi32> to vector<16xi32>
        %parallel_loop3A_876 = tpu.dynamic_gather %parallel_loop3A_545[%parallel_loop3A_875] in [0] : vector<16xf32>, vector<16xi32> -> vector<16xf32>
        %parallel_loop3A_877 = vector.shape_cast %add3A_10 : vector<16xi32> to vector<16x1xi32>
        %parallel_loop3A_878 = vector.shape_cast %parallel_loop3A_877 : vector<16x1xi32> to vector<16xi32>
        %parallel_loop3A_879 = tpu.dynamic_gather %parallel_loop3A_866[%parallel_loop3A_878] in [0] : vector<16xf32>, vector<16xi32> -> vector<16xf32>
        %parallel_loop3A_880 = arith.select %lt3A_2, %parallel_loop3A_876, %parallel_loop3A_879 : vector<16xi1>, vector<16xf32>
        %parallel_loop3A_881 = arith.addf %parallel_loop3A_873, %parallel_loop3A_880 : vector<16xf32>
        %parallel_loop3A_882 = arith.addi %mul3A_194, %parallel_loop3A_239 : i32
        %parallel_loop3A_883 = arith.index_cast %parallel_loop3A_882 : i32 to index
        %parallel_loop3A_884 = tpu.vector_load %arg24[%parallel_loop3A_883] {strides = array<i32>} : memref<512xf32, #tpu.memory_space<vmem>>, vector<16xf32>,
        %parallel_loop3A_885 = vector.shape_cast %parallel_loop3A_884 : vector<16xf32> to vector<16xf32>
        %parallel_loop3A_886 = vector.shape_cast %parallel_loop3A_815 : vector<16xf32> to vector<16xf32>
        tpu.vector_store %arg24[%parallel_loop3A_883], %parallel_loop3A_886 {strides = array<i32>} : memref<512xf32, #tpu.memory_space<vmem>>, vector<16xf32>,
        %parallel_loop3A_887 = arith.addi %mul3A_194, %parallel_loop3A_239 : i32
        %parallel_loop3A_888 = arith.index_cast %parallel_loop3A_887 : i32 to index
        %parallel_loop3A_889 = tpu.vector_load %arg25[%parallel_loop3A_888] {strides = array<i32>} : memref<512xf32, #tpu.memory_space<vmem>>, vector<16xf32>,
        %parallel_loop3A_890 = vector.shape_cast %parallel_loop3A_889 : vector<16xf32> to vector<16xf32>
        %parallel_loop3A_891 = vector.shape_cast %parallel_loop3A_881 : vector<16xf32> to vector<16xf32>
        tpu.vector_store %arg25[%parallel_loop3A_888], %parallel_loop3A_891 {strides = array<i32>} : memref<512xf32, #tpu.memory_space<vmem>>, vector<16xf32>,
      } {sc.loop_unroll_factor = 1 : i64, sc.parallel_access}
      %add3A_200 = arith.constant 2 : i32
      %add3A_201 = arith.addi %mul3A_148, %add3A_200 : i32
      %lt3A_202 = arith.constant 8 : i32
      %lt3A_203 = arith.cmpi slt, %add3A_201, %lt3A_202 : i32
      %convert_element_type3A = arith.extui %lt3A_203 : i1 to i32
      %cond3A = arith.constant 0 : i32
      %cond3A_204 = arith.cmpi ne, %convert_element_type3A, %cond3A : i32
      scf.if %cond3A_204 {
        %add3A_237 = arith.constant 2 : i32
        %add3A_238 = arith.addi %mul3A_148, %add3A_237 : i32
        %mul3A_239 = arith.constant 64 : i32
        %mul3A_240 = arith.muli %add3A_238, %mul3A_239 : i32
        %dma_start3A_241 = tpu.memref_slice %arg10[%mul3A_240] : memref<512xi32, #tpu.memory_space<vmem>> -> memref<64xi32, #tpu.memory_space<vmem>>
        %dma_start3A_242 = arith.constant 0 : i32
        %dma_start3A_243 = arith.constant 0 : i32
        %dma_start3A_244 = tpu.memref_slice %arg6[%dma_start3A_242, %dma_start3A_243] : memref<100000x128xf32, #tpu.memory_space<hbm>> -> memref<100000x128xf32, #tpu.memory_space<hbm>>
        tpu.enqueue_indirect_dma source(%dma_start3A_244 : memref<100000x128xf32, #tpu.memory_space<hbm>>) target(%arg14 : memref<64x128xf32, #tpu.memory_space<vmem>>) offsets(%dma_start3A_241 : memref<64xi32, #tpu.memory_space<vmem>>) semaphore(%arg26 : memref<!tpu.dma_semaphore, #tpu.memory_space<semaphore_mem>>)
        %dma_start3A_245 = tpu.memref_slice %arg11[%mul3A_240] : memref<512xi32, #tpu.memory_space<vmem>> -> memref<64xi32, #tpu.memory_space<vmem>>
        %dma_start3A_246 = arith.constant 0 : i32
        %dma_start3A_247 = arith.constant 0 : i32
        %dma_start3A_248 = tpu.memref_slice %arg7[%dma_start3A_246, %dma_start3A_247] : memref<1000x128xf32, #tpu.memory_space<hbm>> -> memref<1000x128xf32, #tpu.memory_space<hbm>>
        tpu.enqueue_indirect_dma source(%dma_start3A_248 : memref<1000x128xf32, #tpu.memory_space<hbm>>) target(%arg15 : memref<64x128xf32, #tpu.memory_space<vmem>>) offsets(%dma_start3A_245 : memref<64xi32, #tpu.memory_space<vmem>>) semaphore(%arg26 : memref<!tpu.dma_semaphore, #tpu.memory_space<semaphore_mem>>)
        %dma_start3A_249 = tpu.memref_slice %arg12[%mul3A_240] : memref<512xi32, #tpu.memory_space<vmem>> -> memref<64xi32, #tpu.memory_space<vmem>>
        %dma_start3A_250 = arith.constant 0 : i32
        %dma_start3A_251 = arith.constant 0 : i32
        %dma_start3A_252 = tpu.memref_slice %arg6[%dma_start3A_250, %dma_start3A_251] : memref<100000x128xf32, #tpu.memory_space<hbm>> -> memref<100000x128xf32, #tpu.memory_space<hbm>>
        tpu.enqueue_indirect_dma source(%dma_start3A_252 : memref<100000x128xf32, #tpu.memory_space<hbm>>) target(%arg16 : memref<64x128xf32, #tpu.memory_space<vmem>>) offsets(%dma_start3A_249 : memref<64xi32, #tpu.memory_space<vmem>>) semaphore(%arg26 : memref<!tpu.dma_semaphore, #tpu.memory_space<semaphore_mem>>)
        %dma_start3A_253 = tpu.memref_slice %arg13[%mul3A_240] : memref<512xi32, #tpu.memory_space<vmem>> -> memref<64xi32, #tpu.memory_space<vmem>>
        %dma_start3A_254 = arith.constant 0 : i32
        %dma_start3A_255 = arith.constant 0 : i32
        %dma_start3A_256 = tpu.memref_slice %arg6[%dma_start3A_254, %dma_start3A_255] : memref<100000x128xf32, #tpu.memory_space<hbm>> -> memref<100000x128xf32, #tpu.memory_space<hbm>>
        tpu.enqueue_indirect_dma source(%dma_start3A_256 : memref<100000x128xf32, #tpu.memory_space<hbm>>) target(%arg17 : memref<64x128xf32, #tpu.memory_space<vmem>>) offsets(%dma_start3A_253 : memref<64xi32, #tpu.memory_space<vmem>>) semaphore(%arg26 : memref<!tpu.dma_semaphore, #tpu.memory_space<semaphore_mem>>)
      } else {
      }
      %dma_wait3A_205 = arith.constant 0 : i32
      %dma_wait3A_206 = arith.constant 0 : i32
      %dma_wait3A_207 = tpu.memref_slice %arg6[%dma_wait3A_205, %dma_wait3A_206] : memref<100000x128xf32, #tpu.memory_space<hbm>> -> memref<64x128xf32, #tpu.memory_space<hbm>>
      %dma_wait3A_208 = arith.constant 0 : i32
      %dma_wait3A_209 = arith.constant 0 : i32
      %dma_wait3A_210 = tpu.memref_slice %arg6[%dma_wait3A_208, %dma_wait3A_209] : memref<100000x128xf32, #tpu.memory_space<hbm>> -> memref<64x128xf32, #tpu.memory_space<hbm>>
      tpu.wait_dma2 semaphore(%arg27 : memref<!tpu.dma_semaphore, #tpu.memory_space<semaphore_mem>>) src(%dma_wait3A_210 : memref<64x128xf32, #tpu.memory_space<hbm>>) dst(%arg18 : memref<64x128xf32, #tpu.memory_space<vmem>>)
      %dma_wait3A_211 = arith.constant 0 : i32
      %dma_wait3A_212 = arith.constant 0 : i32
      %dma_wait3A_213 = tpu.memref_slice %arg7[%dma_wait3A_211, %dma_wait3A_212] : memref<1000x128xf32, #tpu.memory_space<hbm>> -> memref<64x128xf32, #tpu.memory_space<hbm>>
      %dma_wait3A_214 = arith.constant 0 : i32
      %dma_wait3A_215 = arith.constant 0 : i32
      %dma_wait3A_216 = tpu.memref_slice %arg7[%dma_wait3A_214, %dma_wait3A_215] : memref<1000x128xf32, #tpu.memory_space<hbm>> -> memref<64x128xf32, #tpu.memory_space<hbm>>
      tpu.wait_dma2 semaphore(%arg27 : memref<!tpu.dma_semaphore, #tpu.memory_space<semaphore_mem>>) src(%dma_wait3A_216 : memref<64x128xf32, #tpu.memory_space<hbm>>) dst(%arg19 : memref<64x128xf32, #tpu.memory_space<vmem>>)
      %dma_wait3A_217 = arith.constant 0 : i32
      %dma_wait3A_218 = arith.constant 0 : i32
      %dma_wait3A_219 = tpu.memref_slice %arg6[%dma_wait3A_217, %dma_wait3A_218] : memref<100000x128xf32, #tpu.memory_space<hbm>> -> memref<64x128xf32, #tpu.memory_space<hbm>>
      %dma_wait3A_220 = arith.constant 0 : i32
      %dma_wait3A_221 = arith.constant 0 : i32
      %dma_wait3A_222 = tpu.memref_slice %arg6[%dma_wait3A_220, %dma_wait3A_221] : memref<100000x128xf32, #tpu.memory_space<hbm>> -> memref<64x128xf32, #tpu.memory_space<hbm>>
      tpu.wait_dma2 semaphore(%arg27 : memref<!tpu.dma_semaphore, #tpu.memory_space<semaphore_mem>>) src(%dma_wait3A_222 : memref<64x128xf32, #tpu.memory_space<hbm>>) dst(%arg20 : memref<64x128xf32, #tpu.memory_space<vmem>>)
      %dma_wait3A_223 = arith.constant 0 : i32
      %dma_wait3A_224 = arith.constant 0 : i32
      %dma_wait3A_225 = tpu.memref_slice %arg6[%dma_wait3A_223, %dma_wait3A_224] : memref<100000x128xf32, #tpu.memory_space<hbm>> -> memref<64x128xf32, #tpu.memory_space<hbm>>
      %dma_wait3A_226 = arith.constant 0 : i32
      %dma_wait3A_227 = arith.constant 0 : i32
      %dma_wait3A_228 = tpu.memref_slice %arg6[%dma_wait3A_226, %dma_wait3A_227] : memref<100000x128xf32, #tpu.memory_space<hbm>> -> memref<64x128xf32, #tpu.memory_space<hbm>>
      tpu.wait_dma2 semaphore(%arg27 : memref<!tpu.dma_semaphore, #tpu.memory_space<semaphore_mem>>) src(%dma_wait3A_228 : memref<64x128xf32, #tpu.memory_space<hbm>>) dst(%arg21 : memref<64x128xf32, #tpu.memory_space<vmem>>)
      %mul3A_229 = arith.constant 64 : i32
      %mul3A_230 = arith.muli %add3A_150, %mul3A_229 : i32
      %parallel_loop3A_231 = arith.constant 0 : i32
      %parallel_loop3A_232 = arith.constant 64 : i32
      %parallel_loop3A_233 = arith.constant 1 : i32
      scf.for %parallel_loop3A_237 = %parallel_loop3A_231 to %parallel_loop3A_232 step %parallel_loop3A_233  : i32 {
        %parallel_loop3A_238 = arith.index_cast %parallel_loop3A_237 : i32 to index
        %parallel_loop3A_239 = arith.constant 0 : index
        %parallel_loop3A_240 = tpu.vector_load %arg19[%parallel_loop3A_238, %parallel_loop3A_239] {strides = array<i32>} : memref<64x128xf32, #tpu.memory_space<vmem>>, vector<1x16xf32>,
        %parallel_loop3A_241 = vector.shape_cast %parallel_loop3A_240 : vector<1x16xf32> to vector<16xf32>
        %parallel_loop3A_242 = arith.index_cast %parallel_loop3A_237 : i32 to index
        %parallel_loop3A_243 = arith.constant 0 : index
        %parallel_loop3A_244 = tpu.vector_load %arg20[%parallel_loop3A_242, %parallel_loop3A_243] {strides = array<i32>} : memref<64x128xf32, #tpu.memory_space<vmem>>, vector<1x16xf32>,
        %parallel_loop3A_245 = vector.shape_cast %parallel_loop3A_244 : vector<1x16xf32> to vector<16xf32>
        %parallel_loop3A_246 = arith.subf %parallel_loop3A_241, %parallel_loop3A_245 : vector<16xf32>
        %parallel_loop3A_247 = arith.index_cast %parallel_loop3A_237 : i32 to index
        %parallel_loop3A_248 = arith.constant 0 : index
        %parallel_loop3A_249 = tpu.vector_load %arg18[%parallel_loop3A_247, %parallel_loop3A_248] {strides = array<i32>} : memref<64x128xf32, #tpu.memory_space<vmem>>, vector<1x16xf32>,
        %parallel_loop3A_250 = vector.shape_cast %parallel_loop3A_249 : vector<1x16xf32> to vector<16xf32>
        %parallel_loop3A_251 = arith.addf %parallel_loop3A_250, %parallel_loop3A_246 : vector<16xf32>
        %parallel_loop3A_252 = math.absf %parallel_loop3A_251 : vector<16xf32>
        %parallel_loop3A_253 = arith.index_cast %parallel_loop3A_237 : i32 to index
        %parallel_loop3A_254 = arith.constant 0 : index
        %parallel_loop3A_255 = tpu.vector_load %arg21[%parallel_loop3A_253, %parallel_loop3A_254] {strides = array<i32>} : memref<64x128xf32, #tpu.memory_space<vmem>>, vector<1x16xf32>,
        %parallel_loop3A_256 = vector.shape_cast %parallel_loop3A_255 : vector<1x16xf32> to vector<16xf32>
        %parallel_loop3A_257 = arith.addf %parallel_loop3A_256, %parallel_loop3A_246 : vector<16xf32>
        %parallel_loop3A_258 = math.absf %parallel_loop3A_257 : vector<16xf32>
        %parallel_loop3A_259 = arith.index_cast %parallel_loop3A_237 : i32 to index
        %parallel_loop3A_260 = arith.constant 16 : index
        %parallel_loop3A_261 = tpu.vector_load %arg19[%parallel_loop3A_259, %parallel_loop3A_260] {strides = array<i32>} : memref<64x128xf32, #tpu.memory_space<vmem>>, vector<1x16xf32>,
        %parallel_loop3A_262 = vector.shape_cast %parallel_loop3A_261 : vector<1x16xf32> to vector<16xf32>
        %parallel_loop3A_263 = arith.index_cast %parallel_loop3A_237 : i32 to index
        %parallel_loop3A_264 = arith.constant 16 : index
        %parallel_loop3A_265 = tpu.vector_load %arg20[%parallel_loop3A_263, %parallel_loop3A_264] {strides = array<i32>} : memref<64x128xf32, #tpu.memory_space<vmem>>, vector<1x16xf32>,
        %parallel_loop3A_266 = vector.shape_cast %parallel_loop3A_265 : vector<1x16xf32> to vector<16xf32>
        %parallel_loop3A_267 = arith.subf %parallel_loop3A_262, %parallel_loop3A_266 : vector<16xf32>
        %parallel_loop3A_268 = arith.index_cast %parallel_loop3A_237 : i32 to index
        %parallel_loop3A_269 = arith.constant 16 : index
        %parallel_loop3A_270 = tpu.vector_load %arg18[%parallel_loop3A_268, %parallel_loop3A_269] {strides = array<i32>} : memref<64x128xf32, #tpu.memory_space<vmem>>, vector<1x16xf32>,
        %parallel_loop3A_271 = vector.shape_cast %parallel_loop3A_270 : vector<1x16xf32> to vector<16xf32>
        %parallel_loop3A_272 = arith.addf %parallel_loop3A_271, %parallel_loop3A_267 : vector<16xf32>
        %parallel_loop3A_273 = math.absf %parallel_loop3A_272 : vector<16xf32>
        %parallel_loop3A_274 = arith.index_cast %parallel_loop3A_237 : i32 to index
        %parallel_loop3A_275 = arith.constant 16 : index
        %parallel_loop3A_276 = tpu.vector_load %arg21[%parallel_loop3A_274, %parallel_loop3A_275] {strides = array<i32>} : memref<64x128xf32, #tpu.memory_space<vmem>>, vector<1x16xf32>,
        %parallel_loop3A_277 = vector.shape_cast %parallel_loop3A_276 : vector<1x16xf32> to vector<16xf32>
        %parallel_loop3A_278 = arith.addf %parallel_loop3A_277, %parallel_loop3A_267 : vector<16xf32>
        %parallel_loop3A_279 = math.absf %parallel_loop3A_278 : vector<16xf32>
        %parallel_loop3A_280 = arith.index_cast %parallel_loop3A_237 : i32 to index
        %parallel_loop3A_281 = arith.constant 32 : index
        %parallel_loop3A_282 = tpu.vector_load %arg19[%parallel_loop3A_280, %parallel_loop3A_281] {strides = array<i32>} : memref<64x128xf32, #tpu.memory_space<vmem>>, vector<1x16xf32>,
        %parallel_loop3A_283 = vector.shape_cast %parallel_loop3A_282 : vector<1x16xf32> to vector<16xf32>
        %parallel_loop3A_284 = arith.index_cast %parallel_loop3A_237 : i32 to index
        %parallel_loop3A_285 = arith.constant 32 : index
        %parallel_loop3A_286 = tpu.vector_load %arg20[%parallel_loop3A_284, %parallel_loop3A_285] {strides = array<i32>} : memref<64x128xf32, #tpu.memory_space<vmem>>, vector<1x16xf32>,
        %parallel_loop3A_287 = vector.shape_cast %parallel_loop3A_286 : vector<1x16xf32> to vector<16xf32>
        %parallel_loop3A_288 = arith.subf %parallel_loop3A_283, %parallel_loop3A_287 : vector<16xf32>
        %parallel_loop3A_289 = arith.index_cast %parallel_loop3A_237 : i32 to index
        %parallel_loop3A_290 = arith.constant 32 : index
        %parallel_loop3A_291 = tpu.vector_load %arg18[%parallel_loop3A_289, %parallel_loop3A_290] {strides = array<i32>} : memref<64x128xf32, #tpu.memory_space<vmem>>, vector<1x16xf32>,
        %parallel_loop3A_292 = vector.shape_cast %parallel_loop3A_291 : vector<1x16xf32> to vector<16xf32>
        %parallel_loop3A_293 = arith.addf %parallel_loop3A_292, %parallel_loop3A_288 : vector<16xf32>
        %parallel_loop3A_294 = math.absf %parallel_loop3A_293 : vector<16xf32>
        %parallel_loop3A_295 = arith.index_cast %parallel_loop3A_237 : i32 to index
        %parallel_loop3A_296 = arith.constant 32 : index
        %parallel_loop3A_297 = tpu.vector_load %arg21[%parallel_loop3A_295, %parallel_loop3A_296] {strides = array<i32>} : memref<64x128xf32, #tpu.memory_space<vmem>>, vector<1x16xf32>,
        %parallel_loop3A_298 = vector.shape_cast %parallel_loop3A_297 : vector<1x16xf32> to vector<16xf32>
        %parallel_loop3A_299 = arith.addf %parallel_loop3A_298, %parallel_loop3A_288 : vector<16xf32>
        %parallel_loop3A_300 = math.absf %parallel_loop3A_299 : vector<16xf32>
        %parallel_loop3A_301 = arith.index_cast %parallel_loop3A_237 : i32 to index
        %parallel_loop3A_302 = arith.constant 48 : index
        %parallel_loop3A_303 = tpu.vector_load %arg19[%parallel_loop3A_301, %parallel_loop3A_302] {strides = array<i32>} : memref<64x128xf32, #tpu.memory_space<vmem>>, vector<1x16xf32>,
        %parallel_loop3A_304 = vector.shape_cast %parallel_loop3A_303 : vector<1x16xf32> to vector<16xf32>
        %parallel_loop3A_305 = arith.index_cast %parallel_loop3A_237 : i32 to index
        %parallel_loop3A_306 = arith.constant 48 : index
        %parallel_loop3A_307 = tpu.vector_load %arg20[%parallel_loop3A_305, %parallel_loop3A_306] {strides = array<i32>} : memref<64x128xf32, #tpu.memory_space<vmem>>, vector<1x16xf32>,
        %parallel_loop3A_308 = vector.shape_cast %parallel_loop3A_307 : vector<1x16xf32> to vector<16xf32>
        %parallel_loop3A_309 = arith.subf %parallel_loop3A_304, %parallel_loop3A_308 : vector<16xf32>
        %parallel_loop3A_310 = arith.index_cast %parallel_loop3A_237 : i32 to index
        %parallel_loop3A_311 = arith.constant 48 : index
        %parallel_loop3A_312 = tpu.vector_load %arg18[%parallel_loop3A_310, %parallel_loop3A_311] {strides = array<i32>} : memref<64x128xf32, #tpu.memory_space<vmem>>, vector<1x16xf32>,
        %parallel_loop3A_313 = vector.shape_cast %parallel_loop3A_312 : vector<1x16xf32> to vector<16xf32>
        %parallel_loop3A_314 = arith.addf %parallel_loop3A_313, %parallel_loop3A_309 : vector<16xf32>
        %parallel_loop3A_315 = math.absf %parallel_loop3A_314 : vector<16xf32>
        %parallel_loop3A_316 = arith.index_cast %parallel_loop3A_237 : i32 to index
        %parallel_loop3A_317 = arith.constant 48 : index
        %parallel_loop3A_318 = tpu.vector_load %arg21[%parallel_loop3A_316, %parallel_loop3A_317] {strides = array<i32>} : memref<64x128xf32, #tpu.memory_space<vmem>>, vector<1x16xf32>,
        %parallel_loop3A_319 = vector.shape_cast %parallel_loop3A_318 : vector<1x16xf32> to vector<16xf32>
        %parallel_loop3A_320 = arith.addf %parallel_loop3A_319, %parallel_loop3A_309 : vector<16xf32>
        %parallel_loop3A_321 = math.absf %parallel_loop3A_320 : vector<16xf32>
        %parallel_loop3A_322 = arith.index_cast %parallel_loop3A_237 : i32 to index
        %parallel_loop3A_323 = arith.constant 64 : index
        %parallel_loop3A_324 = tpu.vector_load %arg19[%parallel_loop3A_322, %parallel_loop3A_323] {strides = array<i32>} : memref<64x128xf32, #tpu.memory_space<vmem>>, vector<1x16xf32>,
        %parallel_loop3A_325 = vector.shape_cast %parallel_loop3A_324 : vector<1x16xf32> to vector<16xf32>
        %parallel_loop3A_326 = arith.index_cast %parallel_loop3A_237 : i32 to index
        %parallel_loop3A_327 = arith.constant 64 : index
        %parallel_loop3A_328 = tpu.vector_load %arg20[%parallel_loop3A_326, %parallel_loop3A_327] {strides = array<i32>} : memref<64x128xf32, #tpu.memory_space<vmem>>, vector<1x16xf32>,
        %parallel_loop3A_329 = vector.shape_cast %parallel_loop3A_328 : vector<1x16xf32> to vector<16xf32>
        %parallel_loop3A_330 = arith.subf %parallel_loop3A_325, %parallel_loop3A_329 : vector<16xf32>
        %parallel_loop3A_331 = arith.index_cast %parallel_loop3A_237 : i32 to index
        %parallel_loop3A_332 = arith.constant 64 : index
        %parallel_loop3A_333 = tpu.vector_load %arg18[%parallel_loop3A_331, %parallel_loop3A_332] {strides = array<i32>} : memref<64x128xf32, #tpu.memory_space<vmem>>, vector<1x16xf32>,
        %parallel_loop3A_334 = vector.shape_cast %parallel_loop3A_333 : vector<1x16xf32> to vector<16xf32>
        %parallel_loop3A_335 = arith.addf %parallel_loop3A_334, %parallel_loop3A_330 : vector<16xf32>
        %parallel_loop3A_336 = math.absf %parallel_loop3A_335 : vector<16xf32>
        %parallel_loop3A_337 = arith.index_cast %parallel_loop3A_237 : i32 to index
        %parallel_loop3A_338 = arith.constant 64 : index
        %parallel_loop3A_339 = tpu.vector_load %arg21[%parallel_loop3A_337, %parallel_loop3A_338] {strides = array<i32>} : memref<64x128xf32, #tpu.memory_space<vmem>>, vector<1x16xf32>,
        %parallel_loop3A_340 = vector.shape_cast %parallel_loop3A_339 : vector<1x16xf32> to vector<16xf32>
        %parallel_loop3A_341 = arith.addf %parallel_loop3A_340, %parallel_loop3A_330 : vector<16xf32>
        %parallel_loop3A_342 = math.absf %parallel_loop3A_341 : vector<16xf32>
        %parallel_loop3A_343 = arith.index_cast %parallel_loop3A_237 : i32 to index
        %parallel_loop3A_344 = arith.constant 80 : index
        %parallel_loop3A_345 = tpu.vector_load %arg19[%parallel_loop3A_343, %parallel_loop3A_344] {strides = array<i32>} : memref<64x128xf32, #tpu.memory_space<vmem>>, vector<1x16xf32>,
        %parallel_loop3A_346 = vector.shape_cast %parallel_loop3A_345 : vector<1x16xf32> to vector<16xf32>
        %parallel_loop3A_347 = arith.index_cast %parallel_loop3A_237 : i32 to index
        %parallel_loop3A_348 = arith.constant 80 : index
        %parallel_loop3A_349 = tpu.vector_load %arg20[%parallel_loop3A_347, %parallel_loop3A_348] {strides = array<i32>} : memref<64x128xf32, #tpu.memory_space<vmem>>, vector<1x16xf32>,
        %parallel_loop3A_350 = vector.shape_cast %parallel_loop3A_349 : vector<1x16xf32> to vector<16xf32>
        %parallel_loop3A_351 = arith.subf %parallel_loop3A_346, %parallel_loop3A_350 : vector<16xf32>
        %parallel_loop3A_352 = arith.index_cast %parallel_loop3A_237 : i32 to index
        %parallel_loop3A_353 = arith.constant 80 : index
        %parallel_loop3A_354 = tpu.vector_load %arg18[%parallel_loop3A_352, %parallel_loop3A_353] {strides = array<i32>} : memref<64x128xf32, #tpu.memory_space<vmem>>, vector<1x16xf32>,
        %parallel_loop3A_355 = vector.shape_cast %parallel_loop3A_354 : vector<1x16xf32> to vector<16xf32>
        %parallel_loop3A_356 = arith.addf %parallel_loop3A_355, %parallel_loop3A_351 : vector<16xf32>
        %parallel_loop3A_357 = math.absf %parallel_loop3A_356 : vector<16xf32>
        %parallel_loop3A_358 = arith.index_cast %parallel_loop3A_237 : i32 to index
        %parallel_loop3A_359 = arith.constant 80 : index
        %parallel_loop3A_360 = tpu.vector_load %arg21[%parallel_loop3A_358, %parallel_loop3A_359] {strides = array<i32>} : memref<64x128xf32, #tpu.memory_space<vmem>>, vector<1x16xf32>,
        %parallel_loop3A_361 = vector.shape_cast %parallel_loop3A_360 : vector<1x16xf32> to vector<16xf32>
        %parallel_loop3A_362 = arith.addf %parallel_loop3A_361, %parallel_loop3A_351 : vector<16xf32>
        %parallel_loop3A_363 = math.absf %parallel_loop3A_362 : vector<16xf32>
        %parallel_loop3A_364 = arith.index_cast %parallel_loop3A_237 : i32 to index
        %parallel_loop3A_365 = arith.constant 96 : index
        %parallel_loop3A_366 = tpu.vector_load %arg19[%parallel_loop3A_364, %parallel_loop3A_365] {strides = array<i32>} : memref<64x128xf32, #tpu.memory_space<vmem>>, vector<1x16xf32>,
        %parallel_loop3A_367 = vector.shape_cast %parallel_loop3A_366 : vector<1x16xf32> to vector<16xf32>
        %parallel_loop3A_368 = arith.index_cast %parallel_loop3A_237 : i32 to index
        %parallel_loop3A_369 = arith.constant 96 : index
        %parallel_loop3A_370 = tpu.vector_load %arg20[%parallel_loop3A_368, %parallel_loop3A_369] {strides = array<i32>} : memref<64x128xf32, #tpu.memory_space<vmem>>, vector<1x16xf32>,
        %parallel_loop3A_371 = vector.shape_cast %parallel_loop3A_370 : vector<1x16xf32> to vector<16xf32>
        %parallel_loop3A_372 = arith.subf %parallel_loop3A_367, %parallel_loop3A_371 : vector<16xf32>
        %parallel_loop3A_373 = arith.index_cast %parallel_loop3A_237 : i32 to index
        %parallel_loop3A_374 = arith.constant 96 : index
        %parallel_loop3A_375 = tpu.vector_load %arg18[%parallel_loop3A_373, %parallel_loop3A_374] {strides = array<i32>} : memref<64x128xf32, #tpu.memory_space<vmem>>, vector<1x16xf32>,
        %parallel_loop3A_376 = vector.shape_cast %parallel_loop3A_375 : vector<1x16xf32> to vector<16xf32>
        %parallel_loop3A_377 = arith.addf %parallel_loop3A_376, %parallel_loop3A_372 : vector<16xf32>
        %parallel_loop3A_378 = math.absf %parallel_loop3A_377 : vector<16xf32>
        %parallel_loop3A_379 = arith.index_cast %parallel_loop3A_237 : i32 to index
        %parallel_loop3A_380 = arith.constant 96 : index
        %parallel_loop3A_381 = tpu.vector_load %arg21[%parallel_loop3A_379, %parallel_loop3A_380] {strides = array<i32>} : memref<64x128xf32, #tpu.memory_space<vmem>>, vector<1x16xf32>,
        %parallel_loop3A_382 = vector.shape_cast %parallel_loop3A_381 : vector<1x16xf32> to vector<16xf32>
        %parallel_loop3A_383 = arith.addf %parallel_loop3A_382, %parallel_loop3A_372 : vector<16xf32>
        %parallel_loop3A_384 = math.absf %parallel_loop3A_383 : vector<16xf32>
        %parallel_loop3A_385 = arith.index_cast %parallel_loop3A_237 : i32 to index
        %parallel_loop3A_386 = arith.constant 112 : index
        %parallel_loop3A_387 = tpu.vector_load %arg19[%parallel_loop3A_385, %parallel_loop3A_386] {strides = array<i32>} : memref<64x128xf32, #tpu.memory_space<vmem>>, vector<1x16xf32>,
        %parallel_loop3A_388 = vector.shape_cast %parallel_loop3A_387 : vector<1x16xf32> to vector<16xf32>
        %parallel_loop3A_389 = arith.index_cast %parallel_loop3A_237 : i32 to index
        %parallel_loop3A_390 = arith.constant 112 : index
        %parallel_loop3A_391 = tpu.vector_load %arg20[%parallel_loop3A_389, %parallel_loop3A_390] {strides = array<i32>} : memref<64x128xf32, #tpu.memory_space<vmem>>, vector<1x16xf32>,
        %parallel_loop3A_392 = vector.shape_cast %parallel_loop3A_391 : vector<1x16xf32> to vector<16xf32>
        %parallel_loop3A_393 = arith.subf %parallel_loop3A_388, %parallel_loop3A_392 : vector<16xf32>
        %parallel_loop3A_394 = arith.index_cast %parallel_loop3A_237 : i32 to index
        %parallel_loop3A_395 = arith.constant 112 : index
        %parallel_loop3A_396 = tpu.vector_load %arg18[%parallel_loop3A_394, %parallel_loop3A_395] {strides = array<i32>} : memref<64x128xf32, #tpu.memory_space<vmem>>, vector<1x16xf32>,
        %parallel_loop3A_397 = vector.shape_cast %parallel_loop3A_396 : vector<1x16xf32> to vector<16xf32>
        %parallel_loop3A_398 = arith.addf %parallel_loop3A_397, %parallel_loop3A_393 : vector<16xf32>
        %parallel_loop3A_399 = math.absf %parallel_loop3A_398 : vector<16xf32>
        %parallel_loop3A_400 = arith.index_cast %parallel_loop3A_237 : i32 to index
        %parallel_loop3A_401 = arith.constant 112 : index
        %parallel_loop3A_402 = tpu.vector_load %arg21[%parallel_loop3A_400, %parallel_loop3A_401] {strides = array<i32>} : memref<64x128xf32, #tpu.memory_space<vmem>>, vector<1x16xf32>,
        %parallel_loop3A_403 = vector.shape_cast %parallel_loop3A_402 : vector<1x16xf32> to vector<16xf32>
        %parallel_loop3A_404 = arith.addf %parallel_loop3A_403, %parallel_loop3A_393 : vector<16xf32>
        %parallel_loop3A_405 = math.absf %parallel_loop3A_404 : vector<16xf32>
        %parallel_loop3A_406 = arith.addf %parallel_loop3A_252, %parallel_loop3A_273 : vector<16xf32>
        %parallel_loop3A_407 = arith.addf %parallel_loop3A_294, %parallel_loop3A_315 : vector<16xf32>
        %parallel_loop3A_408 = arith.addf %parallel_loop3A_336, %parallel_loop3A_357 : vector<16xf32>
        %parallel_loop3A_409 = arith.addf %parallel_loop3A_378, %parallel_loop3A_399 : vector<16xf32>
        %parallel_loop3A_410 = arith.addf %parallel_loop3A_406, %parallel_loop3A_407 : vector<16xf32>
        %parallel_loop3A_411 = arith.addf %parallel_loop3A_408, %parallel_loop3A_409 : vector<16xf32>
        %parallel_loop3A_412 = arith.addf %parallel_loop3A_410, %parallel_loop3A_411 : vector<16xf32>
        %parallel_loop3A_413 = arith.index_cast %parallel_loop3A_237 : i32 to index
        %parallel_loop3A_414 = arith.constant 0 : index
        %parallel_loop3A_415 = tpu.vector_load %arg22[%parallel_loop3A_413, %parallel_loop3A_414] {strides = array<i32>} : memref<64x16xf32, #tpu.memory_space<vmem>>, vector<1x16xf32>,
        %parallel_loop3A_416 = vector.shape_cast %parallel_loop3A_415 : vector<1x16xf32> to vector<16xf32>
        %parallel_loop3A_417 = vector.shape_cast %parallel_loop3A_412 : vector<16xf32> to vector<1x16xf32>
        tpu.vector_store %arg22[%parallel_loop3A_413, %parallel_loop3A_414], %parallel_loop3A_417 {strides = array<i32>} : memref<64x16xf32, #tpu.memory_space<vmem>>, vector<1x16xf32>,
        %parallel_loop3A_418 = arith.addf %parallel_loop3A_258, %parallel_loop3A_279 : vector<16xf32>
        %parallel_loop3A_419 = arith.addf %parallel_loop3A_300, %parallel_loop3A_321 : vector<16xf32>
        %parallel_loop3A_420 = arith.addf %parallel_loop3A_342, %parallel_loop3A_363 : vector<16xf32>
        %parallel_loop3A_421 = arith.addf %parallel_loop3A_384, %parallel_loop3A_405 : vector<16xf32>
        %parallel_loop3A_422 = arith.addf %parallel_loop3A_418, %parallel_loop3A_419 : vector<16xf32>
        %parallel_loop3A_423 = arith.addf %parallel_loop3A_420, %parallel_loop3A_421 : vector<16xf32>
        %parallel_loop3A_424 = arith.addf %parallel_loop3A_422, %parallel_loop3A_423 : vector<16xf32>
        %parallel_loop3A_425 = arith.index_cast %parallel_loop3A_237 : i32 to index
        %parallel_loop3A_426 = arith.constant 0 : index
        %parallel_loop3A_427 = tpu.vector_load %arg23[%parallel_loop3A_425, %parallel_loop3A_426] {strides = array<i32>} : memref<64x16xf32, #tpu.memory_space<vmem>>, vector<1x16xf32>,
        %parallel_loop3A_428 = vector.shape_cast %parallel_loop3A_427 : vector<1x16xf32> to vector<16xf32>
        %parallel_loop3A_429 = vector.shape_cast %parallel_loop3A_424 : vector<16xf32> to vector<1x16xf32>
        tpu.vector_store %arg23[%parallel_loop3A_425, %parallel_loop3A_426], %parallel_loop3A_429 {strides = array<i32>} : memref<64x16xf32, #tpu.memory_space<vmem>>, vector<1x16xf32>,
      } {sc.loop_unroll_factor = 1 : i64, sc.parallel_access}
      %parallel_loop3A_234 = arith.constant 0 : i32
      %parallel_loop3A_235 = arith.constant 4 : i32
      %parallel_loop3A_236 = arith.constant 1 : i32
      scf.for %parallel_loop3A_237 = %parallel_loop3A_234 to %parallel_loop3A_235 step %parallel_loop3A_236  : i32 {
        %parallel_loop3A_238 = arith.constant 16 : i32
        %parallel_loop3A_239 = arith.muli %parallel_loop3A_237, %parallel_loop3A_238 : i32
        %parallel_loop3A_240 = arith.constant 0 : i32
        %parallel_loop3A_241 = arith.addi %parallel_loop3A_239, %parallel_loop3A_240 : i32
        %parallel_loop3A_242 = arith.index_cast %parallel_loop3A_241 : i32 to index
        %parallel_loop3A_243 = arith.constant 0 : index
        %parallel_loop3A_244 = tpu.vector_load %arg22[%parallel_loop3A_242, %parallel_loop3A_243] {strides = array<i32>} : memref<64x16xf32, #tpu.memory_space<vmem>>, vector<1x16xf32>,
        %parallel_loop3A_245 = vector.shape_cast %parallel_loop3A_244 : vector<1x16xf32> to vector<16xf32>
        %parallel_loop3A_246 = arith.constant 0 : i32
        %parallel_loop3A_247 = arith.addi %parallel_loop3A_239, %parallel_loop3A_246 : i32
        %parallel_loop3A_248 = arith.index_cast %parallel_loop3A_247 : i32 to index
        %parallel_loop3A_249 = arith.constant 0 : index
        %parallel_loop3A_250 = tpu.vector_load %arg23[%parallel_loop3A_248, %parallel_loop3A_249] {strides = array<i32>} : memref<64x16xf32, #tpu.memory_space<vmem>>, vector<1x16xf32>,
        %parallel_loop3A_251 = vector.shape_cast %parallel_loop3A_250 : vector<1x16xf32> to vector<16xf32>
        %parallel_loop3A_252 = arith.constant 1 : i32
        %parallel_loop3A_253 = arith.addi %parallel_loop3A_239, %parallel_loop3A_252 : i32
        %parallel_loop3A_254 = arith.index_cast %parallel_loop3A_253 : i32 to index
        %parallel_loop3A_255 = arith.constant 0 : index
        %parallel_loop3A_256 = tpu.vector_load %arg22[%parallel_loop3A_254, %parallel_loop3A_255] {strides = array<i32>} : memref<64x16xf32, #tpu.memory_space<vmem>>, vector<1x16xf32>,
        %parallel_loop3A_257 = vector.shape_cast %parallel_loop3A_256 : vector<1x16xf32> to vector<16xf32>
        %parallel_loop3A_258 = vector.shape_cast %mul3A_7 : vector<16xi32> to vector<16x1xi32>
        %parallel_loop3A_259 = vector.shape_cast %parallel_loop3A_258 : vector<16x1xi32> to vector<16xi32>
        %parallel_loop3A_260 = tpu.dynamic_gather %parallel_loop3A_245[%parallel_loop3A_259] in [0] : vector<16xf32>, vector<16xi32> -> vector<16xf32>
        %parallel_loop3A_261 = vector.shape_cast %mul3A_7 : vector<16xi32> to vector<16x1xi32>
        %parallel_loop3A_262 = vector.shape_cast %parallel_loop3A_261 : vector<16x1xi32> to vector<16xi32>
        %parallel_loop3A_263 = tpu.dynamic_gather %parallel_loop3A_257[%parallel_loop3A_262] in [0] : vector<16xf32>, vector<16xi32> -> vector<16xf32>
        %parallel_loop3A_264 = arith.select %lt3A_2, %parallel_loop3A_260, %parallel_loop3A_263 : vector<16xi1>, vector<16xf32>
        %parallel_loop3A_265 = vector.shape_cast %add3A_10 : vector<16xi32> to vector<16x1xi32>
        %parallel_loop3A_266 = vector.shape_cast %parallel_loop3A_265 : vector<16x1xi32> to vector<16xi32>
        %parallel_loop3A_267 = tpu.dynamic_gather %parallel_loop3A_245[%parallel_loop3A_266] in [0] : vector<16xf32>, vector<16xi32> -> vector<16xf32>
        %parallel_loop3A_268 = vector.shape_cast %add3A_10 : vector<16xi32> to vector<16x1xi32>
        %parallel_loop3A_269 = vector.shape_cast %parallel_loop3A_268 : vector<16x1xi32> to vector<16xi32>
        %parallel_loop3A_270 = tpu.dynamic_gather %parallel_loop3A_257[%parallel_loop3A_269] in [0] : vector<16xf32>, vector<16xi32> -> vector<16xf32>
        %parallel_loop3A_271 = arith.select %lt3A_2, %parallel_loop3A_267, %parallel_loop3A_270 : vector<16xi1>, vector<16xf32>
        %parallel_loop3A_272 = arith.addf %parallel_loop3A_264, %parallel_loop3A_271 : vector<16xf32>
        %parallel_loop3A_273 = arith.constant 1 : i32
        %parallel_loop3A_274 = arith.addi %parallel_loop3A_239, %parallel_loop3A_273 : i32
        %parallel_loop3A_275 = arith.index_cast %parallel_loop3A_274 : i32 to index
        %parallel_loop3A_276 = arith.constant 0 : index
        %parallel_loop3A_277 = tpu.vector_load %arg23[%parallel_loop3A_275, %parallel_loop3A_276] {strides = array<i32>} : memref<64x16xf32, #tpu.memory_space<vmem>>, vector<1x16xf32>,
        %parallel_loop3A_278 = vector.shape_cast %parallel_loop3A_277 : vector<1x16xf32> to vector<16xf32>
        %parallel_loop3A_279 = vector.shape_cast %mul3A_7 : vector<16xi32> to vector<16x1xi32>
        %parallel_loop3A_280 = vector.shape_cast %parallel_loop3A_279 : vector<16x1xi32> to vector<16xi32>
        %parallel_loop3A_281 = tpu.dynamic_gather %parallel_loop3A_251[%parallel_loop3A_280] in [0] : vector<16xf32>, vector<16xi32> -> vector<16xf32>
        %parallel_loop3A_282 = vector.shape_cast %mul3A_7 : vector<16xi32> to vector<16x1xi32>
        %parallel_loop3A_283 = vector.shape_cast %parallel_loop3A_282 : vector<16x1xi32> to vector<16xi32>
        %parallel_loop3A_284 = tpu.dynamic_gather %parallel_loop3A_278[%parallel_loop3A_283] in [0] : vector<16xf32>, vector<16xi32> -> vector<16xf32>
        %parallel_loop3A_285 = arith.select %lt3A_2, %parallel_loop3A_281, %parallel_loop3A_284 : vector<16xi1>, vector<16xf32>
        %parallel_loop3A_286 = vector.shape_cast %add3A_10 : vector<16xi32> to vector<16x1xi32>
        %parallel_loop3A_287 = vector.shape_cast %parallel_loop3A_286 : vector<16x1xi32> to vector<16xi32>
        %parallel_loop3A_288 = tpu.dynamic_gather %parallel_loop3A_251[%parallel_loop3A_287] in [0] : vector<16xf32>, vector<16xi32> -> vector<16xf32>
        %parallel_loop3A_289 = vector.shape_cast %add3A_10 : vector<16xi32> to vector<16x1xi32>
        %parallel_loop3A_290 = vector.shape_cast %parallel_loop3A_289 : vector<16x1xi32> to vector<16xi32>
        %parallel_loop3A_291 = tpu.dynamic_gather %parallel_loop3A_278[%parallel_loop3A_290] in [0] : vector<16xf32>, vector<16xi32> -> vector<16xf32>
        %parallel_loop3A_292 = arith.select %lt3A_2, %parallel_loop3A_288, %parallel_loop3A_291 : vector<16xi1>, vector<16xf32>
        %parallel_loop3A_293 = arith.addf %parallel_loop3A_285, %parallel_loop3A_292 : vector<16xf32>
        %parallel_loop3A_294 = arith.constant 2 : i32
        %parallel_loop3A_295 = arith.addi %parallel_loop3A_239, %parallel_loop3A_294 : i32
        %parallel_loop3A_296 = arith.index_cast %parallel_loop3A_295 : i32 to index
        %parallel_loop3A_297 = arith.constant 0 : index
        %parallel_loop3A_298 = tpu.vector_load %arg22[%parallel_loop3A_296, %parallel_loop3A_297] {strides = array<i32>} : memref<64x16xf32, #tpu.memory_space<vmem>>, vector<1x16xf32>,
        %parallel_loop3A_299 = vector.shape_cast %parallel_loop3A_298 : vector<1x16xf32> to vector<16xf32>
        %parallel_loop3A_300 = arith.constant 2 : i32
        %parallel_loop3A_301 = arith.addi %parallel_loop3A_239, %parallel_loop3A_300 : i32
        %parallel_loop3A_302 = arith.index_cast %parallel_loop3A_301 : i32 to index
        %parallel_loop3A_303 = arith.constant 0 : index
        %parallel_loop3A_304 = tpu.vector_load %arg23[%parallel_loop3A_302, %parallel_loop3A_303] {strides = array<i32>} : memref<64x16xf32, #tpu.memory_space<vmem>>, vector<1x16xf32>,
        %parallel_loop3A_305 = vector.shape_cast %parallel_loop3A_304 : vector<1x16xf32> to vector<16xf32>
        %parallel_loop3A_306 = arith.constant 3 : i32
        %parallel_loop3A_307 = arith.addi %parallel_loop3A_239, %parallel_loop3A_306 : i32
        %parallel_loop3A_308 = arith.index_cast %parallel_loop3A_307 : i32 to index
        %parallel_loop3A_309 = arith.constant 0 : index
        %parallel_loop3A_310 = tpu.vector_load %arg22[%parallel_loop3A_308, %parallel_loop3A_309] {strides = array<i32>} : memref<64x16xf32, #tpu.memory_space<vmem>>, vector<1x16xf32>,
        %parallel_loop3A_311 = vector.shape_cast %parallel_loop3A_310 : vector<1x16xf32> to vector<16xf32>
        %parallel_loop3A_312 = vector.shape_cast %mul3A_7 : vector<16xi32> to vector<16x1xi32>
        %parallel_loop3A_313 = vector.shape_cast %parallel_loop3A_312 : vector<16x1xi32> to vector<16xi32>
        %parallel_loop3A_314 = tpu.dynamic_gather %parallel_loop3A_299[%parallel_loop3A_313] in [0] : vector<16xf32>, vector<16xi32> -> vector<16xf32>
        %parallel_loop3A_315 = vector.shape_cast %mul3A_7 : vector<16xi32> to vector<16x1xi32>
        %parallel_loop3A_316 = vector.shape_cast %parallel_loop3A_315 : vector<16x1xi32> to vector<16xi32>
        %parallel_loop3A_317 = tpu.dynamic_gather %parallel_loop3A_311[%parallel_loop3A_316] in [0] : vector<16xf32>, vector<16xi32> -> vector<16xf32>
        %parallel_loop3A_318 = arith.select %lt3A_2, %parallel_loop3A_314, %parallel_loop3A_317 : vector<16xi1>, vector<16xf32>
        %parallel_loop3A_319 = vector.shape_cast %add3A_10 : vector<16xi32> to vector<16x1xi32>
        %parallel_loop3A_320 = vector.shape_cast %parallel_loop3A_319 : vector<16x1xi32> to vector<16xi32>
        %parallel_loop3A_321 = tpu.dynamic_gather %parallel_loop3A_299[%parallel_loop3A_320] in [0] : vector<16xf32>, vector<16xi32> -> vector<16xf32>
        %parallel_loop3A_322 = vector.shape_cast %add3A_10 : vector<16xi32> to vector<16x1xi32>
        %parallel_loop3A_323 = vector.shape_cast %parallel_loop3A_322 : vector<16x1xi32> to vector<16xi32>
        %parallel_loop3A_324 = tpu.dynamic_gather %parallel_loop3A_311[%parallel_loop3A_323] in [0] : vector<16xf32>, vector<16xi32> -> vector<16xf32>
        %parallel_loop3A_325 = arith.select %lt3A_2, %parallel_loop3A_321, %parallel_loop3A_324 : vector<16xi1>, vector<16xf32>
        %parallel_loop3A_326 = arith.addf %parallel_loop3A_318, %parallel_loop3A_325 : vector<16xf32>
        %parallel_loop3A_327 = vector.shape_cast %mul3A_7 : vector<16xi32> to vector<16x1xi32>
        %parallel_loop3A_328 = vector.shape_cast %parallel_loop3A_327 : vector<16x1xi32> to vector<16xi32>
        %parallel_loop3A_329 = tpu.dynamic_gather %parallel_loop3A_272[%parallel_loop3A_328] in [0] : vector<16xf32>, vector<16xi32> -> vector<16xf32>
        %parallel_loop3A_330 = vector.shape_cast %mul3A_7 : vector<16xi32> to vector<16x1xi32>
        %parallel_loop3A_331 = vector.shape_cast %parallel_loop3A_330 : vector<16x1xi32> to vector<16xi32>
        %parallel_loop3A_332 = tpu.dynamic_gather %parallel_loop3A_326[%parallel_loop3A_331] in [0] : vector<16xf32>, vector<16xi32> -> vector<16xf32>
        %parallel_loop3A_333 = arith.select %lt3A_2, %parallel_loop3A_329, %parallel_loop3A_332 : vector<16xi1>, vector<16xf32>
        %parallel_loop3A_334 = vector.shape_cast %add3A_10 : vector<16xi32> to vector<16x1xi32>
        %parallel_loop3A_335 = vector.shape_cast %parallel_loop3A_334 : vector<16x1xi32> to vector<16xi32>
        %parallel_loop3A_336 = tpu.dynamic_gather %parallel_loop3A_272[%parallel_loop3A_335] in [0] : vector<16xf32>, vector<16xi32> -> vector<16xf32>
        %parallel_loop3A_337 = vector.shape_cast %add3A_10 : vector<16xi32> to vector<16x1xi32>
        %parallel_loop3A_338 = vector.shape_cast %parallel_loop3A_337 : vector<16x1xi32> to vector<16xi32>
        %parallel_loop3A_339 = tpu.dynamic_gather %parallel_loop3A_326[%parallel_loop3A_338] in [0] : vector<16xf32>, vector<16xi32> -> vector<16xf32>
        %parallel_loop3A_340 = arith.select %lt3A_2, %parallel_loop3A_336, %parallel_loop3A_339 : vector<16xi1>, vector<16xf32>
        %parallel_loop3A_341 = arith.addf %parallel_loop3A_333, %parallel_loop3A_340 : vector<16xf32>
        %parallel_loop3A_342 = arith.constant 3 : i32
        %parallel_loop3A_343 = arith.addi %parallel_loop3A_239, %parallel_loop3A_342 : i32
        %parallel_loop3A_344 = arith.index_cast %parallel_loop3A_343 : i32 to index
        %parallel_loop3A_345 = arith.constant 0 : index
        %parallel_loop3A_346 = tpu.vector_load %arg23[%parallel_loop3A_344, %parallel_loop3A_345] {strides = array<i32>} : memref<64x16xf32, #tpu.memory_space<vmem>>, vector<1x16xf32>,
        %parallel_loop3A_347 = vector.shape_cast %parallel_loop3A_346 : vector<1x16xf32> to vector<16xf32>
        %parallel_loop3A_348 = vector.shape_cast %mul3A_7 : vector<16xi32> to vector<16x1xi32>
        %parallel_loop3A_349 = vector.shape_cast %parallel_loop3A_348 : vector<16x1xi32> to vector<16xi32>
        %parallel_loop3A_350 = tpu.dynamic_gather %parallel_loop3A_305[%parallel_loop3A_349] in [0] : vector<16xf32>, vector<16xi32> -> vector<16xf32>
        %parallel_loop3A_351 = vector.shape_cast %mul3A_7 : vector<16xi32> to vector<16x1xi32>
        %parallel_loop3A_352 = vector.shape_cast %parallel_loop3A_351 : vector<16x1xi32> to vector<16xi32>
        %parallel_loop3A_353 = tpu.dynamic_gather %parallel_loop3A_347[%parallel_loop3A_352] in [0] : vector<16xf32>, vector<16xi32> -> vector<16xf32>
        %parallel_loop3A_354 = arith.select %lt3A_2, %parallel_loop3A_350, %parallel_loop3A_353 : vector<16xi1>, vector<16xf32>
        %parallel_loop3A_355 = vector.shape_cast %add3A_10 : vector<16xi32> to vector<16x1xi32>
        %parallel_loop3A_356 = vector.shape_cast %parallel_loop3A_355 : vector<16x1xi32> to vector<16xi32>
        %parallel_loop3A_357 = tpu.dynamic_gather %parallel_loop3A_305[%parallel_loop3A_356] in [0] : vector<16xf32>, vector<16xi32> -> vector<16xf32>
        %parallel_loop3A_358 = vector.shape_cast %add3A_10 : vector<16xi32> to vector<16x1xi32>
        %parallel_loop3A_359 = vector.shape_cast %parallel_loop3A_358 : vector<16x1xi32> to vector<16xi32>
        %parallel_loop3A_360 = tpu.dynamic_gather %parallel_loop3A_347[%parallel_loop3A_359] in [0] : vector<16xf32>, vector<16xi32> -> vector<16xf32>
        %parallel_loop3A_361 = arith.select %lt3A_2, %parallel_loop3A_357, %parallel_loop3A_360 : vector<16xi1>, vector<16xf32>
        %parallel_loop3A_362 = arith.addf %parallel_loop3A_354, %parallel_loop3A_361 : vector<16xf32>
        %parallel_loop3A_363 = vector.shape_cast %mul3A_7 : vector<16xi32> to vector<16x1xi32>
        %parallel_loop3A_364 = vector.shape_cast %parallel_loop3A_363 : vector<16x1xi32> to vector<16xi32>
        %parallel_loop3A_365 = tpu.dynamic_gather %parallel_loop3A_293[%parallel_loop3A_364] in [0] : vector<16xf32>, vector<16xi32> -> vector<16xf32>
        %parallel_loop3A_366 = vector.shape_cast %mul3A_7 : vector<16xi32> to vector<16x1xi32>
        %parallel_loop3A_367 = vector.shape_cast %parallel_loop3A_366 : vector<16x1xi32> to vector<16xi32>
        %parallel_loop3A_368 = tpu.dynamic_gather %parallel_loop3A_362[%parallel_loop3A_367] in [0] : vector<16xf32>, vector<16xi32> -> vector<16xf32>
        %parallel_loop3A_369 = arith.select %lt3A_2, %parallel_loop3A_365, %parallel_loop3A_368 : vector<16xi1>, vector<16xf32>
        %parallel_loop3A_370 = vector.shape_cast %add3A_10 : vector<16xi32> to vector<16x1xi32>
        %parallel_loop3A_371 = vector.shape_cast %parallel_loop3A_370 : vector<16x1xi32> to vector<16xi32>
        %parallel_loop3A_372 = tpu.dynamic_gather %parallel_loop3A_293[%parallel_loop3A_371] in [0] : vector<16xf32>, vector<16xi32> -> vector<16xf32>
        %parallel_loop3A_373 = vector.shape_cast %add3A_10 : vector<16xi32> to vector<16x1xi32>
        %parallel_loop3A_374 = vector.shape_cast %parallel_loop3A_373 : vector<16x1xi32> to vector<16xi32>
        %parallel_loop3A_375 = tpu.dynamic_gather %parallel_loop3A_362[%parallel_loop3A_374] in [0] : vector<16xf32>, vector<16xi32> -> vector<16xf32>
        %parallel_loop3A_376 = arith.select %lt3A_2, %parallel_loop3A_372, %parallel_loop3A_375 : vector<16xi1>, vector<16xf32>
        %parallel_loop3A_377 = arith.addf %parallel_loop3A_369, %parallel_loop3A_376 : vector<16xf32>
        %parallel_loop3A_378 = arith.constant 4 : i32
        %parallel_loop3A_379 = arith.addi %parallel_loop3A_239, %parallel_loop3A_378 : i32
        %parallel_loop3A_380 = arith.index_cast %parallel_loop3A_379 : i32 to index
        %parallel_loop3A_381 = arith.constant 0 : index
        %parallel_loop3A_382 = tpu.vector_load %arg22[%parallel_loop3A_380, %parallel_loop3A_381] {strides = array<i32>} : memref<64x16xf32, #tpu.memory_space<vmem>>, vector<1x16xf32>,
        %parallel_loop3A_383 = vector.shape_cast %parallel_loop3A_382 : vector<1x16xf32> to vector<16xf32>
        %parallel_loop3A_384 = arith.constant 4 : i32
        %parallel_loop3A_385 = arith.addi %parallel_loop3A_239, %parallel_loop3A_384 : i32
        %parallel_loop3A_386 = arith.index_cast %parallel_loop3A_385 : i32 to index
        %parallel_loop3A_387 = arith.constant 0 : index
        %parallel_loop3A_388 = tpu.vector_load %arg23[%parallel_loop3A_386, %parallel_loop3A_387] {strides = array<i32>} : memref<64x16xf32, #tpu.memory_space<vmem>>, vector<1x16xf32>,
        %parallel_loop3A_389 = vector.shape_cast %parallel_loop3A_388 : vector<1x16xf32> to vector<16xf32>
        %parallel_loop3A_390 = arith.constant 5 : i32
        %parallel_loop3A_391 = arith.addi %parallel_loop3A_239, %parallel_loop3A_390 : i32
        %parallel_loop3A_392 = arith.index_cast %parallel_loop3A_391 : i32 to index
        %parallel_loop3A_393 = arith.constant 0 : index
        %parallel_loop3A_394 = tpu.vector_load %arg22[%parallel_loop3A_392, %parallel_loop3A_393] {strides = array<i32>} : memref<64x16xf32, #tpu.memory_space<vmem>>, vector<1x16xf32>,
        %parallel_loop3A_395 = vector.shape_cast %parallel_loop3A_394 : vector<1x16xf32> to vector<16xf32>
        %parallel_loop3A_396 = vector.shape_cast %mul3A_7 : vector<16xi32> to vector<16x1xi32>
        %parallel_loop3A_397 = vector.shape_cast %parallel_loop3A_396 : vector<16x1xi32> to vector<16xi32>
        %parallel_loop3A_398 = tpu.dynamic_gather %parallel_loop3A_383[%parallel_loop3A_397] in [0] : vector<16xf32>, vector<16xi32> -> vector<16xf32>
        %parallel_loop3A_399 = vector.shape_cast %mul3A_7 : vector<16xi32> to vector<16x1xi32>
        %parallel_loop3A_400 = vector.shape_cast %parallel_loop3A_399 : vector<16x1xi32> to vector<16xi32>
        %parallel_loop3A_401 = tpu.dynamic_gather %parallel_loop3A_395[%parallel_loop3A_400] in [0] : vector<16xf32>, vector<16xi32> -> vector<16xf32>
        %parallel_loop3A_402 = arith.select %lt3A_2, %parallel_loop3A_398, %parallel_loop3A_401 : vector<16xi1>, vector<16xf32>
        %parallel_loop3A_403 = vector.shape_cast %add3A_10 : vector<16xi32> to vector<16x1xi32>
        %parallel_loop3A_404 = vector.shape_cast %parallel_loop3A_403 : vector<16x1xi32> to vector<16xi32>
        %parallel_loop3A_405 = tpu.dynamic_gather %parallel_loop3A_383[%parallel_loop3A_404] in [0] : vector<16xf32>, vector<16xi32> -> vector<16xf32>
        %parallel_loop3A_406 = vector.shape_cast %add3A_10 : vector<16xi32> to vector<16x1xi32>
        %parallel_loop3A_407 = vector.shape_cast %parallel_loop3A_406 : vector<16x1xi32> to vector<16xi32>
        %parallel_loop3A_408 = tpu.dynamic_gather %parallel_loop3A_395[%parallel_loop3A_407] in [0] : vector<16xf32>, vector<16xi32> -> vector<16xf32>
        %parallel_loop3A_409 = arith.select %lt3A_2, %parallel_loop3A_405, %parallel_loop3A_408 : vector<16xi1>, vector<16xf32>
        %parallel_loop3A_410 = arith.addf %parallel_loop3A_402, %parallel_loop3A_409 : vector<16xf32>
        %parallel_loop3A_411 = arith.constant 5 : i32
        %parallel_loop3A_412 = arith.addi %parallel_loop3A_239, %parallel_loop3A_411 : i32
        %parallel_loop3A_413 = arith.index_cast %parallel_loop3A_412 : i32 to index
        %parallel_loop3A_414 = arith.constant 0 : index
        %parallel_loop3A_415 = tpu.vector_load %arg23[%parallel_loop3A_413, %parallel_loop3A_414] {strides = array<i32>} : memref<64x16xf32, #tpu.memory_space<vmem>>, vector<1x16xf32>,
        %parallel_loop3A_416 = vector.shape_cast %parallel_loop3A_415 : vector<1x16xf32> to vector<16xf32>
        %parallel_loop3A_417 = vector.shape_cast %mul3A_7 : vector<16xi32> to vector<16x1xi32>
        %parallel_loop3A_418 = vector.shape_cast %parallel_loop3A_417 : vector<16x1xi32> to vector<16xi32>
        %parallel_loop3A_419 = tpu.dynamic_gather %parallel_loop3A_389[%parallel_loop3A_418] in [0] : vector<16xf32>, vector<16xi32> -> vector<16xf32>
        %parallel_loop3A_420 = vector.shape_cast %mul3A_7 : vector<16xi32> to vector<16x1xi32>
        %parallel_loop3A_421 = vector.shape_cast %parallel_loop3A_420 : vector<16x1xi32> to vector<16xi32>
        %parallel_loop3A_422 = tpu.dynamic_gather %parallel_loop3A_416[%parallel_loop3A_421] in [0] : vector<16xf32>, vector<16xi32> -> vector<16xf32>
        %parallel_loop3A_423 = arith.select %lt3A_2, %parallel_loop3A_419, %parallel_loop3A_422 : vector<16xi1>, vector<16xf32>
        %parallel_loop3A_424 = vector.shape_cast %add3A_10 : vector<16xi32> to vector<16x1xi32>
        %parallel_loop3A_425 = vector.shape_cast %parallel_loop3A_424 : vector<16x1xi32> to vector<16xi32>
        %parallel_loop3A_426 = tpu.dynamic_gather %parallel_loop3A_389[%parallel_loop3A_425] in [0] : vector<16xf32>, vector<16xi32> -> vector<16xf32>
        %parallel_loop3A_427 = vector.shape_cast %add3A_10 : vector<16xi32> to vector<16x1xi32>
        %parallel_loop3A_428 = vector.shape_cast %parallel_loop3A_427 : vector<16x1xi32> to vector<16xi32>
        %parallel_loop3A_429 = tpu.dynamic_gather %parallel_loop3A_416[%parallel_loop3A_428] in [0] : vector<16xf32>, vector<16xi32> -> vector<16xf32>
        %parallel_loop3A_430 = arith.select %lt3A_2, %parallel_loop3A_426, %parallel_loop3A_429 : vector<16xi1>, vector<16xf32>
        %parallel_loop3A_431 = arith.addf %parallel_loop3A_423, %parallel_loop3A_430 : vector<16xf32>
        %parallel_loop3A_432 = arith.constant 6 : i32
        %parallel_loop3A_433 = arith.addi %parallel_loop3A_239, %parallel_loop3A_432 : i32
        %parallel_loop3A_434 = arith.index_cast %parallel_loop3A_433 : i32 to index
        %parallel_loop3A_435 = arith.constant 0 : index
        %parallel_loop3A_436 = tpu.vector_load %arg22[%parallel_loop3A_434, %parallel_loop3A_435] {strides = array<i32>} : memref<64x16xf32, #tpu.memory_space<vmem>>, vector<1x16xf32>,
        %parallel_loop3A_437 = vector.shape_cast %parallel_loop3A_436 : vector<1x16xf32> to vector<16xf32>
        %parallel_loop3A_438 = arith.constant 6 : i32
        %parallel_loop3A_439 = arith.addi %parallel_loop3A_239, %parallel_loop3A_438 : i32
        %parallel_loop3A_440 = arith.index_cast %parallel_loop3A_439 : i32 to index
        %parallel_loop3A_441 = arith.constant 0 : index
        %parallel_loop3A_442 = tpu.vector_load %arg23[%parallel_loop3A_440, %parallel_loop3A_441] {strides = array<i32>} : memref<64x16xf32, #tpu.memory_space<vmem>>, vector<1x16xf32>,
        %parallel_loop3A_443 = vector.shape_cast %parallel_loop3A_442 : vector<1x16xf32> to vector<16xf32>
        %parallel_loop3A_444 = arith.constant 7 : i32
        %parallel_loop3A_445 = arith.addi %parallel_loop3A_239, %parallel_loop3A_444 : i32
        %parallel_loop3A_446 = arith.index_cast %parallel_loop3A_445 : i32 to index
        %parallel_loop3A_447 = arith.constant 0 : index
        %parallel_loop3A_448 = tpu.vector_load %arg22[%parallel_loop3A_446, %parallel_loop3A_447] {strides = array<i32>} : memref<64x16xf32, #tpu.memory_space<vmem>>, vector<1x16xf32>,
        %parallel_loop3A_449 = vector.shape_cast %parallel_loop3A_448 : vector<1x16xf32> to vector<16xf32>
        %parallel_loop3A_450 = vector.shape_cast %mul3A_7 : vector<16xi32> to vector<16x1xi32>
        %parallel_loop3A_451 = vector.shape_cast %parallel_loop3A_450 : vector<16x1xi32> to vector<16xi32>
        %parallel_loop3A_452 = tpu.dynamic_gather %parallel_loop3A_437[%parallel_loop3A_451] in [0] : vector<16xf32>, vector<16xi32> -> vector<16xf32>
        %parallel_loop3A_453 = vector.shape_cast %mul3A_7 : vector<16xi32> to vector<16x1xi32>
        %parallel_loop3A_454 = vector.shape_cast %parallel_loop3A_453 : vector<16x1xi32> to vector<16xi32>
        %parallel_loop3A_455 = tpu.dynamic_gather %parallel_loop3A_449[%parallel_loop3A_454] in [0] : vector<16xf32>, vector<16xi32> -> vector<16xf32>
        %parallel_loop3A_456 = arith.select %lt3A_2, %parallel_loop3A_452, %parallel_loop3A_455 : vector<16xi1>, vector<16xf32>
        %parallel_loop3A_457 = vector.shape_cast %add3A_10 : vector<16xi32> to vector<16x1xi32>
        %parallel_loop3A_458 = vector.shape_cast %parallel_loop3A_457 : vector<16x1xi32> to vector<16xi32>
        %parallel_loop3A_459 = tpu.dynamic_gather %parallel_loop3A_437[%parallel_loop3A_458] in [0] : vector<16xf32>, vector<16xi32> -> vector<16xf32>
        %parallel_loop3A_460 = vector.shape_cast %add3A_10 : vector<16xi32> to vector<16x1xi32>
        %parallel_loop3A_461 = vector.shape_cast %parallel_loop3A_460 : vector<16x1xi32> to vector<16xi32>
        %parallel_loop3A_462 = tpu.dynamic_gather %parallel_loop3A_449[%parallel_loop3A_461] in [0] : vector<16xf32>, vector<16xi32> -> vector<16xf32>
        %parallel_loop3A_463 = arith.select %lt3A_2, %parallel_loop3A_459, %parallel_loop3A_462 : vector<16xi1>, vector<16xf32>
        %parallel_loop3A_464 = arith.addf %parallel_loop3A_456, %parallel_loop3A_463 : vector<16xf32>
        %parallel_loop3A_465 = vector.shape_cast %mul3A_7 : vector<16xi32> to vector<16x1xi32>
        %parallel_loop3A_466 = vector.shape_cast %parallel_loop3A_465 : vector<16x1xi32> to vector<16xi32>
        %parallel_loop3A_467 = tpu.dynamic_gather %parallel_loop3A_410[%parallel_loop3A_466] in [0] : vector<16xf32>, vector<16xi32> -> vector<16xf32>
        %parallel_loop3A_468 = vector.shape_cast %mul3A_7 : vector<16xi32> to vector<16x1xi32>
        %parallel_loop3A_469 = vector.shape_cast %parallel_loop3A_468 : vector<16x1xi32> to vector<16xi32>
        %parallel_loop3A_470 = tpu.dynamic_gather %parallel_loop3A_464[%parallel_loop3A_469] in [0] : vector<16xf32>, vector<16xi32> -> vector<16xf32>
        %parallel_loop3A_471 = arith.select %lt3A_2, %parallel_loop3A_467, %parallel_loop3A_470 : vector<16xi1>, vector<16xf32>
        %parallel_loop3A_472 = vector.shape_cast %add3A_10 : vector<16xi32> to vector<16x1xi32>
        %parallel_loop3A_473 = vector.shape_cast %parallel_loop3A_472 : vector<16x1xi32> to vector<16xi32>
        %parallel_loop3A_474 = tpu.dynamic_gather %parallel_loop3A_410[%parallel_loop3A_473] in [0] : vector<16xf32>, vector<16xi32> -> vector<16xf32>
        %parallel_loop3A_475 = vector.shape_cast %add3A_10 : vector<16xi32> to vector<16x1xi32>
        %parallel_loop3A_476 = vector.shape_cast %parallel_loop3A_475 : vector<16x1xi32> to vector<16xi32>
        %parallel_loop3A_477 = tpu.dynamic_gather %parallel_loop3A_464[%parallel_loop3A_476] in [0] : vector<16xf32>, vector<16xi32> -> vector<16xf32>
        %parallel_loop3A_478 = arith.select %lt3A_2, %parallel_loop3A_474, %parallel_loop3A_477 : vector<16xi1>, vector<16xf32>
        %parallel_loop3A_479 = arith.addf %parallel_loop3A_471, %parallel_loop3A_478 : vector<16xf32>
        %parallel_loop3A_480 = vector.shape_cast %mul3A_7 : vector<16xi32> to vector<16x1xi32>
        %parallel_loop3A_481 = vector.shape_cast %parallel_loop3A_480 : vector<16x1xi32> to vector<16xi32>
        %parallel_loop3A_482 = tpu.dynamic_gather %parallel_loop3A_341[%parallel_loop3A_481] in [0] : vector<16xf32>, vector<16xi32> -> vector<16xf32>
        %parallel_loop3A_483 = vector.shape_cast %mul3A_7 : vector<16xi32> to vector<16x1xi32>
        %parallel_loop3A_484 = vector.shape_cast %parallel_loop3A_483 : vector<16x1xi32> to vector<16xi32>
        %parallel_loop3A_485 = tpu.dynamic_gather %parallel_loop3A_479[%parallel_loop3A_484] in [0] : vector<16xf32>, vector<16xi32> -> vector<16xf32>
        %parallel_loop3A_486 = arith.select %lt3A_2, %parallel_loop3A_482, %parallel_loop3A_485 : vector<16xi1>, vector<16xf32>
        %parallel_loop3A_487 = vector.shape_cast %add3A_10 : vector<16xi32> to vector<16x1xi32>
        %parallel_loop3A_488 = vector.shape_cast %parallel_loop3A_487 : vector<16x1xi32> to vector<16xi32>
        %parallel_loop3A_489 = tpu.dynamic_gather %parallel_loop3A_341[%parallel_loop3A_488] in [0] : vector<16xf32>, vector<16xi32> -> vector<16xf32>
        %parallel_loop3A_490 = vector.shape_cast %add3A_10 : vector<16xi32> to vector<16x1xi32>
        %parallel_loop3A_491 = vector.shape_cast %parallel_loop3A_490 : vector<16x1xi32> to vector<16xi32>
        %parallel_loop3A_492 = tpu.dynamic_gather %parallel_loop3A_479[%parallel_loop3A_491] in [0] : vector<16xf32>, vector<16xi32> -> vector<16xf32>
        %parallel_loop3A_493 = arith.select %lt3A_2, %parallel_loop3A_489, %parallel_loop3A_492 : vector<16xi1>, vector<16xf32>
        %parallel_loop3A_494 = arith.addf %parallel_loop3A_486, %parallel_loop3A_493 : vector<16xf32>
        %parallel_loop3A_495 = arith.constant 7 : i32
        %parallel_loop3A_496 = arith.addi %parallel_loop3A_239, %parallel_loop3A_495 : i32
        %parallel_loop3A_497 = arith.index_cast %parallel_loop3A_496 : i32 to index
        %parallel_loop3A_498 = arith.constant 0 : index
        %parallel_loop3A_499 = tpu.vector_load %arg23[%parallel_loop3A_497, %parallel_loop3A_498] {strides = array<i32>} : memref<64x16xf32, #tpu.memory_space<vmem>>, vector<1x16xf32>,
        %parallel_loop3A_500 = vector.shape_cast %parallel_loop3A_499 : vector<1x16xf32> to vector<16xf32>
        %parallel_loop3A_501 = vector.shape_cast %mul3A_7 : vector<16xi32> to vector<16x1xi32>
        %parallel_loop3A_502 = vector.shape_cast %parallel_loop3A_501 : vector<16x1xi32> to vector<16xi32>
        %parallel_loop3A_503 = tpu.dynamic_gather %parallel_loop3A_443[%parallel_loop3A_502] in [0] : vector<16xf32>, vector<16xi32> -> vector<16xf32>
        %parallel_loop3A_504 = vector.shape_cast %mul3A_7 : vector<16xi32> to vector<16x1xi32>
        %parallel_loop3A_505 = vector.shape_cast %parallel_loop3A_504 : vector<16x1xi32> to vector<16xi32>
        %parallel_loop3A_506 = tpu.dynamic_gather %parallel_loop3A_500[%parallel_loop3A_505] in [0] : vector<16xf32>, vector<16xi32> -> vector<16xf32>
        %parallel_loop3A_507 = arith.select %lt3A_2, %parallel_loop3A_503, %parallel_loop3A_506 : vector<16xi1>, vector<16xf32>
        %parallel_loop3A_508 = vector.shape_cast %add3A_10 : vector<16xi32> to vector<16x1xi32>
        %parallel_loop3A_509 = vector.shape_cast %parallel_loop3A_508 : vector<16x1xi32> to vector<16xi32>
        %parallel_loop3A_510 = tpu.dynamic_gather %parallel_loop3A_443[%parallel_loop3A_509] in [0] : vector<16xf32>, vector<16xi32> -> vector<16xf32>
        %parallel_loop3A_511 = vector.shape_cast %add3A_10 : vector<16xi32> to vector<16x1xi32>
        %parallel_loop3A_512 = vector.shape_cast %parallel_loop3A_511 : vector<16x1xi32> to vector<16xi32>
        %parallel_loop3A_513 = tpu.dynamic_gather %parallel_loop3A_500[%parallel_loop3A_512] in [0] : vector<16xf32>, vector<16xi32> -> vector<16xf32>
        %parallel_loop3A_514 = arith.select %lt3A_2, %parallel_loop3A_510, %parallel_loop3A_513 : vector<16xi1>, vector<16xf32>
        %parallel_loop3A_515 = arith.addf %parallel_loop3A_507, %parallel_loop3A_514 : vector<16xf32>
        %parallel_loop3A_516 = vector.shape_cast %mul3A_7 : vector<16xi32> to vector<16x1xi32>
        %parallel_loop3A_517 = vector.shape_cast %parallel_loop3A_516 : vector<16x1xi32> to vector<16xi32>
        %parallel_loop3A_518 = tpu.dynamic_gather %parallel_loop3A_431[%parallel_loop3A_517] in [0] : vector<16xf32>, vector<16xi32> -> vector<16xf32>
        %parallel_loop3A_519 = vector.shape_cast %mul3A_7 : vector<16xi32> to vector<16x1xi32>
        %parallel_loop3A_520 = vector.shape_cast %parallel_loop3A_519 : vector<16x1xi32> to vector<16xi32>
        %parallel_loop3A_521 = tpu.dynamic_gather %parallel_loop3A_515[%parallel_loop3A_520] in [0] : vector<16xf32>, vector<16xi32> -> vector<16xf32>
        %parallel_loop3A_522 = arith.select %lt3A_2, %parallel_loop3A_518, %parallel_loop3A_521 : vector<16xi1>, vector<16xf32>
        %parallel_loop3A_523 = vector.shape_cast %add3A_10 : vector<16xi32> to vector<16x1xi32>
        %parallel_loop3A_524 = vector.shape_cast %parallel_loop3A_523 : vector<16x1xi32> to vector<16xi32>
        %parallel_loop3A_525 = tpu.dynamic_gather %parallel_loop3A_431[%parallel_loop3A_524] in [0] : vector<16xf32>, vector<16xi32> -> vector<16xf32>
        %parallel_loop3A_526 = vector.shape_cast %add3A_10 : vector<16xi32> to vector<16x1xi32>
        %parallel_loop3A_527 = vector.shape_cast %parallel_loop3A_526 : vector<16x1xi32> to vector<16xi32>
        %parallel_loop3A_528 = tpu.dynamic_gather %parallel_loop3A_515[%parallel_loop3A_527] in [0] : vector<16xf32>, vector<16xi32> -> vector<16xf32>
        %parallel_loop3A_529 = arith.select %lt3A_2, %parallel_loop3A_525, %parallel_loop3A_528 : vector<16xi1>, vector<16xf32>
        %parallel_loop3A_530 = arith.addf %parallel_loop3A_522, %parallel_loop3A_529 : vector<16xf32>
        %parallel_loop3A_531 = vector.shape_cast %mul3A_7 : vector<16xi32> to vector<16x1xi32>
        %parallel_loop3A_532 = vector.shape_cast %parallel_loop3A_531 : vector<16x1xi32> to vector<16xi32>
        %parallel_loop3A_533 = tpu.dynamic_gather %parallel_loop3A_377[%parallel_loop3A_532] in [0] : vector<16xf32>, vector<16xi32> -> vector<16xf32>
        %parallel_loop3A_534 = vector.shape_cast %mul3A_7 : vector<16xi32> to vector<16x1xi32>
        %parallel_loop3A_535 = vector.shape_cast %parallel_loop3A_534 : vector<16x1xi32> to vector<16xi32>
        %parallel_loop3A_536 = tpu.dynamic_gather %parallel_loop3A_530[%parallel_loop3A_535] in [0] : vector<16xf32>, vector<16xi32> -> vector<16xf32>
        %parallel_loop3A_537 = arith.select %lt3A_2, %parallel_loop3A_533, %parallel_loop3A_536 : vector<16xi1>, vector<16xf32>
        %parallel_loop3A_538 = vector.shape_cast %add3A_10 : vector<16xi32> to vector<16x1xi32>
        %parallel_loop3A_539 = vector.shape_cast %parallel_loop3A_538 : vector<16x1xi32> to vector<16xi32>
        %parallel_loop3A_540 = tpu.dynamic_gather %parallel_loop3A_377[%parallel_loop3A_539] in [0] : vector<16xf32>, vector<16xi32> -> vector<16xf32>
        %parallel_loop3A_541 = vector.shape_cast %add3A_10 : vector<16xi32> to vector<16x1xi32>
        %parallel_loop3A_542 = vector.shape_cast %parallel_loop3A_541 : vector<16x1xi32> to vector<16xi32>
        %parallel_loop3A_543 = tpu.dynamic_gather %parallel_loop3A_530[%parallel_loop3A_542] in [0] : vector<16xf32>, vector<16xi32> -> vector<16xf32>
        %parallel_loop3A_544 = arith.select %lt3A_2, %parallel_loop3A_540, %parallel_loop3A_543 : vector<16xi1>, vector<16xf32>
        %parallel_loop3A_545 = arith.addf %parallel_loop3A_537, %parallel_loop3A_544 : vector<16xf32>
        %parallel_loop3A_546 = arith.constant 8 : i32
        %parallel_loop3A_547 = arith.addi %parallel_loop3A_239, %parallel_loop3A_546 : i32
        %parallel_loop3A_548 = arith.index_cast %parallel_loop3A_547 : i32 to index
        %parallel_loop3A_549 = arith.constant 0 : index
        %parallel_loop3A_550 = tpu.vector_load %arg22[%parallel_loop3A_548, %parallel_loop3A_549] {strides = array<i32>} : memref<64x16xf32, #tpu.memory_space<vmem>>, vector<1x16xf32>,
        %parallel_loop3A_551 = vector.shape_cast %parallel_loop3A_550 : vector<1x16xf32> to vector<16xf32>
        %parallel_loop3A_552 = arith.constant 8 : i32
        %parallel_loop3A_553 = arith.addi %parallel_loop3A_239, %parallel_loop3A_552 : i32
        %parallel_loop3A_554 = arith.index_cast %parallel_loop3A_553 : i32 to index
        %parallel_loop3A_555 = arith.constant 0 : index
        %parallel_loop3A_556 = tpu.vector_load %arg23[%parallel_loop3A_554, %parallel_loop3A_555] {strides = array<i32>} : memref<64x16xf32, #tpu.memory_space<vmem>>, vector<1x16xf32>,
        %parallel_loop3A_557 = vector.shape_cast %parallel_loop3A_556 : vector<1x16xf32> to vector<16xf32>
        %parallel_loop3A_558 = arith.constant 9 : i32
        %parallel_loop3A_559 = arith.addi %parallel_loop3A_239, %parallel_loop3A_558 : i32
        %parallel_loop3A_560 = arith.index_cast %parallel_loop3A_559 : i32 to index
        %parallel_loop3A_561 = arith.constant 0 : index
        %parallel_loop3A_562 = tpu.vector_load %arg22[%parallel_loop3A_560, %parallel_loop3A_561] {strides = array<i32>} : memref<64x16xf32, #tpu.memory_space<vmem>>, vector<1x16xf32>,
        %parallel_loop3A_563 = vector.shape_cast %parallel_loop3A_562 : vector<1x16xf32> to vector<16xf32>
        %parallel_loop3A_564 = vector.shape_cast %mul3A_7 : vector<16xi32> to vector<16x1xi32>
        %parallel_loop3A_565 = vector.shape_cast %parallel_loop3A_564 : vector<16x1xi32> to vector<16xi32>
        %parallel_loop3A_566 = tpu.dynamic_gather %parallel_loop3A_551[%parallel_loop3A_565] in [0] : vector<16xf32>, vector<16xi32> -> vector<16xf32>
        %parallel_loop3A_567 = vector.shape_cast %mul3A_7 : vector<16xi32> to vector<16x1xi32>
        %parallel_loop3A_568 = vector.shape_cast %parallel_loop3A_567 : vector<16x1xi32> to vector<16xi32>
        %parallel_loop3A_569 = tpu.dynamic_gather %parallel_loop3A_563[%parallel_loop3A_568] in [0] : vector<16xf32>, vector<16xi32> -> vector<16xf32>
        %parallel_loop3A_570 = arith.select %lt3A_2, %parallel_loop3A_566, %parallel_loop3A_569 : vector<16xi1>, vector<16xf32>
        %parallel_loop3A_571 = vector.shape_cast %add3A_10 : vector<16xi32> to vector<16x1xi32>
        %parallel_loop3A_572 = vector.shape_cast %parallel_loop3A_571 : vector<16x1xi32> to vector<16xi32>
        %parallel_loop3A_573 = tpu.dynamic_gather %parallel_loop3A_551[%parallel_loop3A_572] in [0] : vector<16xf32>, vector<16xi32> -> vector<16xf32>
        %parallel_loop3A_574 = vector.shape_cast %add3A_10 : vector<16xi32> to vector<16x1xi32>
        %parallel_loop3A_575 = vector.shape_cast %parallel_loop3A_574 : vector<16x1xi32> to vector<16xi32>
        %parallel_loop3A_576 = tpu.dynamic_gather %parallel_loop3A_563[%parallel_loop3A_575] in [0] : vector<16xf32>, vector<16xi32> -> vector<16xf32>
        %parallel_loop3A_577 = arith.select %lt3A_2, %parallel_loop3A_573, %parallel_loop3A_576 : vector<16xi1>, vector<16xf32>
        %parallel_loop3A_578 = arith.addf %parallel_loop3A_570, %parallel_loop3A_577 : vector<16xf32>
        %parallel_loop3A_579 = arith.constant 9 : i32
        %parallel_loop3A_580 = arith.addi %parallel_loop3A_239, %parallel_loop3A_579 : i32
        %parallel_loop3A_581 = arith.index_cast %parallel_loop3A_580 : i32 to index
        %parallel_loop3A_582 = arith.constant 0 : index
        %parallel_loop3A_583 = tpu.vector_load %arg23[%parallel_loop3A_581, %parallel_loop3A_582] {strides = array<i32>} : memref<64x16xf32, #tpu.memory_space<vmem>>, vector<1x16xf32>,
        %parallel_loop3A_584 = vector.shape_cast %parallel_loop3A_583 : vector<1x16xf32> to vector<16xf32>
        %parallel_loop3A_585 = vector.shape_cast %mul3A_7 : vector<16xi32> to vector<16x1xi32>
        %parallel_loop3A_586 = vector.shape_cast %parallel_loop3A_585 : vector<16x1xi32> to vector<16xi32>
        %parallel_loop3A_587 = tpu.dynamic_gather %parallel_loop3A_557[%parallel_loop3A_586] in [0] : vector<16xf32>, vector<16xi32> -> vector<16xf32>
        %parallel_loop3A_588 = vector.shape_cast %mul3A_7 : vector<16xi32> to vector<16x1xi32>
        %parallel_loop3A_589 = vector.shape_cast %parallel_loop3A_588 : vector<16x1xi32> to vector<16xi32>
        %parallel_loop3A_590 = tpu.dynamic_gather %parallel_loop3A_584[%parallel_loop3A_589] in [0] : vector<16xf32>, vector<16xi32> -> vector<16xf32>
        %parallel_loop3A_591 = arith.select %lt3A_2, %parallel_loop3A_587, %parallel_loop3A_590 : vector<16xi1>, vector<16xf32>
        %parallel_loop3A_592 = vector.shape_cast %add3A_10 : vector<16xi32> to vector<16x1xi32>
        %parallel_loop3A_593 = vector.shape_cast %parallel_loop3A_592 : vector<16x1xi32> to vector<16xi32>
        %parallel_loop3A_594 = tpu.dynamic_gather %parallel_loop3A_557[%parallel_loop3A_593] in [0] : vector<16xf32>, vector<16xi32> -> vector<16xf32>
        %parallel_loop3A_595 = vector.shape_cast %add3A_10 : vector<16xi32> to vector<16x1xi32>
        %parallel_loop3A_596 = vector.shape_cast %parallel_loop3A_595 : vector<16x1xi32> to vector<16xi32>
        %parallel_loop3A_597 = tpu.dynamic_gather %parallel_loop3A_584[%parallel_loop3A_596] in [0] : vector<16xf32>, vector<16xi32> -> vector<16xf32>
        %parallel_loop3A_598 = arith.select %lt3A_2, %parallel_loop3A_594, %parallel_loop3A_597 : vector<16xi1>, vector<16xf32>
        %parallel_loop3A_599 = arith.addf %parallel_loop3A_591, %parallel_loop3A_598 : vector<16xf32>
        %parallel_loop3A_600 = arith.constant 10 : i32
        %parallel_loop3A_601 = arith.addi %parallel_loop3A_239, %parallel_loop3A_600 : i32
        %parallel_loop3A_602 = arith.index_cast %parallel_loop3A_601 : i32 to index
        %parallel_loop3A_603 = arith.constant 0 : index
        %parallel_loop3A_604 = tpu.vector_load %arg22[%parallel_loop3A_602, %parallel_loop3A_603] {strides = array<i32>} : memref<64x16xf32, #tpu.memory_space<vmem>>, vector<1x16xf32>,
        %parallel_loop3A_605 = vector.shape_cast %parallel_loop3A_604 : vector<1x16xf32> to vector<16xf32>
        %parallel_loop3A_606 = arith.constant 10 : i32
        %parallel_loop3A_607 = arith.addi %parallel_loop3A_239, %parallel_loop3A_606 : i32
        %parallel_loop3A_608 = arith.index_cast %parallel_loop3A_607 : i32 to index
        %parallel_loop3A_609 = arith.constant 0 : index
        %parallel_loop3A_610 = tpu.vector_load %arg23[%parallel_loop3A_608, %parallel_loop3A_609] {strides = array<i32>} : memref<64x16xf32, #tpu.memory_space<vmem>>, vector<1x16xf32>,
        %parallel_loop3A_611 = vector.shape_cast %parallel_loop3A_610 : vector<1x16xf32> to vector<16xf32>
        %parallel_loop3A_612 = arith.constant 11 : i32
        %parallel_loop3A_613 = arith.addi %parallel_loop3A_239, %parallel_loop3A_612 : i32
        %parallel_loop3A_614 = arith.index_cast %parallel_loop3A_613 : i32 to index
        %parallel_loop3A_615 = arith.constant 0 : index
        %parallel_loop3A_616 = tpu.vector_load %arg22[%parallel_loop3A_614, %parallel_loop3A_615] {strides = array<i32>} : memref<64x16xf32, #tpu.memory_space<vmem>>, vector<1x16xf32>,
        %parallel_loop3A_617 = vector.shape_cast %parallel_loop3A_616 : vector<1x16xf32> to vector<16xf32>
        %parallel_loop3A_618 = vector.shape_cast %mul3A_7 : vector<16xi32> to vector<16x1xi32>
        %parallel_loop3A_619 = vector.shape_cast %parallel_loop3A_618 : vector<16x1xi32> to vector<16xi32>
        %parallel_loop3A_620 = tpu.dynamic_gather %parallel_loop3A_605[%parallel_loop3A_619] in [0] : vector<16xf32>, vector<16xi32> -> vector<16xf32>
        %parallel_loop3A_621 = vector.shape_cast %mul3A_7 : vector<16xi32> to vector<16x1xi32>
        %parallel_loop3A_622 = vector.shape_cast %parallel_loop3A_621 : vector<16x1xi32> to vector<16xi32>
        %parallel_loop3A_623 = tpu.dynamic_gather %parallel_loop3A_617[%parallel_loop3A_622] in [0] : vector<16xf32>, vector<16xi32> -> vector<16xf32>
        %parallel_loop3A_624 = arith.select %lt3A_2, %parallel_loop3A_620, %parallel_loop3A_623 : vector<16xi1>, vector<16xf32>
        %parallel_loop3A_625 = vector.shape_cast %add3A_10 : vector<16xi32> to vector<16x1xi32>
        %parallel_loop3A_626 = vector.shape_cast %parallel_loop3A_625 : vector<16x1xi32> to vector<16xi32>
        %parallel_loop3A_627 = tpu.dynamic_gather %parallel_loop3A_605[%parallel_loop3A_626] in [0] : vector<16xf32>, vector<16xi32> -> vector<16xf32>
        %parallel_loop3A_628 = vector.shape_cast %add3A_10 : vector<16xi32> to vector<16x1xi32>
        %parallel_loop3A_629 = vector.shape_cast %parallel_loop3A_628 : vector<16x1xi32> to vector<16xi32>
        %parallel_loop3A_630 = tpu.dynamic_gather %parallel_loop3A_617[%parallel_loop3A_629] in [0] : vector<16xf32>, vector<16xi32> -> vector<16xf32>
        %parallel_loop3A_631 = arith.select %lt3A_2, %parallel_loop3A_627, %parallel_loop3A_630 : vector<16xi1>, vector<16xf32>
        %parallel_loop3A_632 = arith.addf %parallel_loop3A_624, %parallel_loop3A_631 : vector<16xf32>
        %parallel_loop3A_633 = vector.shape_cast %mul3A_7 : vector<16xi32> to vector<16x1xi32>
        %parallel_loop3A_634 = vector.shape_cast %parallel_loop3A_633 : vector<16x1xi32> to vector<16xi32>
        %parallel_loop3A_635 = tpu.dynamic_gather %parallel_loop3A_578[%parallel_loop3A_634] in [0] : vector<16xf32>, vector<16xi32> -> vector<16xf32>
        %parallel_loop3A_636 = vector.shape_cast %mul3A_7 : vector<16xi32> to vector<16x1xi32>
        %parallel_loop3A_637 = vector.shape_cast %parallel_loop3A_636 : vector<16x1xi32> to vector<16xi32>
        %parallel_loop3A_638 = tpu.dynamic_gather %parallel_loop3A_632[%parallel_loop3A_637] in [0] : vector<16xf32>, vector<16xi32> -> vector<16xf32>
        %parallel_loop3A_639 = arith.select %lt3A_2, %parallel_loop3A_635, %parallel_loop3A_638 : vector<16xi1>, vector<16xf32>
        %parallel_loop3A_640 = vector.shape_cast %add3A_10 : vector<16xi32> to vector<16x1xi32>
        %parallel_loop3A_641 = vector.shape_cast %parallel_loop3A_640 : vector<16x1xi32> to vector<16xi32>
        %parallel_loop3A_642 = tpu.dynamic_gather %parallel_loop3A_578[%parallel_loop3A_641] in [0] : vector<16xf32>, vector<16xi32> -> vector<16xf32>
        %parallel_loop3A_643 = vector.shape_cast %add3A_10 : vector<16xi32> to vector<16x1xi32>
        %parallel_loop3A_644 = vector.shape_cast %parallel_loop3A_643 : vector<16x1xi32> to vector<16xi32>
        %parallel_loop3A_645 = tpu.dynamic_gather %parallel_loop3A_632[%parallel_loop3A_644] in [0] : vector<16xf32>, vector<16xi32> -> vector<16xf32>
        %parallel_loop3A_646 = arith.select %lt3A_2, %parallel_loop3A_642, %parallel_loop3A_645 : vector<16xi1>, vector<16xf32>
        %parallel_loop3A_647 = arith.addf %parallel_loop3A_639, %parallel_loop3A_646 : vector<16xf32>
        %parallel_loop3A_648 = arith.constant 11 : i32
        %parallel_loop3A_649 = arith.addi %parallel_loop3A_239, %parallel_loop3A_648 : i32
        %parallel_loop3A_650 = arith.index_cast %parallel_loop3A_649 : i32 to index
        %parallel_loop3A_651 = arith.constant 0 : index
        %parallel_loop3A_652 = tpu.vector_load %arg23[%parallel_loop3A_650, %parallel_loop3A_651] {strides = array<i32>} : memref<64x16xf32, #tpu.memory_space<vmem>>, vector<1x16xf32>,
        %parallel_loop3A_653 = vector.shape_cast %parallel_loop3A_652 : vector<1x16xf32> to vector<16xf32>
        %parallel_loop3A_654 = vector.shape_cast %mul3A_7 : vector<16xi32> to vector<16x1xi32>
        %parallel_loop3A_655 = vector.shape_cast %parallel_loop3A_654 : vector<16x1xi32> to vector<16xi32>
        %parallel_loop3A_656 = tpu.dynamic_gather %parallel_loop3A_611[%parallel_loop3A_655] in [0] : vector<16xf32>, vector<16xi32> -> vector<16xf32>
        %parallel_loop3A_657 = vector.shape_cast %mul3A_7 : vector<16xi32> to vector<16x1xi32>
        %parallel_loop3A_658 = vector.shape_cast %parallel_loop3A_657 : vector<16x1xi32> to vector<16xi32>
        %parallel_loop3A_659 = tpu.dynamic_gather %parallel_loop3A_653[%parallel_loop3A_658] in [0] : vector<16xf32>, vector<16xi32> -> vector<16xf32>
        %parallel_loop3A_660 = arith.select %lt3A_2, %parallel_loop3A_656, %parallel_loop3A_659 : vector<16xi1>, vector<16xf32>
        %parallel_loop3A_661 = vector.shape_cast %add3A_10 : vector<16xi32> to vector<16x1xi32>
        %parallel_loop3A_662 = vector.shape_cast %parallel_loop3A_661 : vector<16x1xi32> to vector<16xi32>
        %parallel_loop3A_663 = tpu.dynamic_gather %parallel_loop3A_611[%parallel_loop3A_662] in [0] : vector<16xf32>, vector<16xi32> -> vector<16xf32>
        %parallel_loop3A_664 = vector.shape_cast %add3A_10 : vector<16xi32> to vector<16x1xi32>
        %parallel_loop3A_665 = vector.shape_cast %parallel_loop3A_664 : vector<16x1xi32> to vector<16xi32>
        %parallel_loop3A_666 = tpu.dynamic_gather %parallel_loop3A_653[%parallel_loop3A_665] in [0] : vector<16xf32>, vector<16xi32> -> vector<16xf32>
        %parallel_loop3A_667 = arith.select %lt3A_2, %parallel_loop3A_663, %parallel_loop3A_666 : vector<16xi1>, vector<16xf32>
        %parallel_loop3A_668 = arith.addf %parallel_loop3A_660, %parallel_loop3A_667 : vector<16xf32>
        %parallel_loop3A_669 = vector.shape_cast %mul3A_7 : vector<16xi32> to vector<16x1xi32>
        %parallel_loop3A_670 = vector.shape_cast %parallel_loop3A_669 : vector<16x1xi32> to vector<16xi32>
        %parallel_loop3A_671 = tpu.dynamic_gather %parallel_loop3A_599[%parallel_loop3A_670] in [0] : vector<16xf32>, vector<16xi32> -> vector<16xf32>
        %parallel_loop3A_672 = vector.shape_cast %mul3A_7 : vector<16xi32> to vector<16x1xi32>
        %parallel_loop3A_673 = vector.shape_cast %parallel_loop3A_672 : vector<16x1xi32> to vector<16xi32>
        %parallel_loop3A_674 = tpu.dynamic_gather %parallel_loop3A_668[%parallel_loop3A_673] in [0] : vector<16xf32>, vector<16xi32> -> vector<16xf32>
        %parallel_loop3A_675 = arith.select %lt3A_2, %parallel_loop3A_671, %parallel_loop3A_674 : vector<16xi1>, vector<16xf32>
        %parallel_loop3A_676 = vector.shape_cast %add3A_10 : vector<16xi32> to vector<16x1xi32>
        %parallel_loop3A_677 = vector.shape_cast %parallel_loop3A_676 : vector<16x1xi32> to vector<16xi32>
        %parallel_loop3A_678 = tpu.dynamic_gather %parallel_loop3A_599[%parallel_loop3A_677] in [0] : vector<16xf32>, vector<16xi32> -> vector<16xf32>
        %parallel_loop3A_679 = vector.shape_cast %add3A_10 : vector<16xi32> to vector<16x1xi32>
        %parallel_loop3A_680 = vector.shape_cast %parallel_loop3A_679 : vector<16x1xi32> to vector<16xi32>
        %parallel_loop3A_681 = tpu.dynamic_gather %parallel_loop3A_668[%parallel_loop3A_680] in [0] : vector<16xf32>, vector<16xi32> -> vector<16xf32>
        %parallel_loop3A_682 = arith.select %lt3A_2, %parallel_loop3A_678, %parallel_loop3A_681 : vector<16xi1>, vector<16xf32>
        %parallel_loop3A_683 = arith.addf %parallel_loop3A_675, %parallel_loop3A_682 : vector<16xf32>
        %parallel_loop3A_684 = arith.constant 12 : i32
        %parallel_loop3A_685 = arith.addi %parallel_loop3A_239, %parallel_loop3A_684 : i32
        %parallel_loop3A_686 = arith.index_cast %parallel_loop3A_685 : i32 to index
        %parallel_loop3A_687 = arith.constant 0 : index
        %parallel_loop3A_688 = tpu.vector_load %arg22[%parallel_loop3A_686, %parallel_loop3A_687] {strides = array<i32>} : memref<64x16xf32, #tpu.memory_space<vmem>>, vector<1x16xf32>,
        %parallel_loop3A_689 = vector.shape_cast %parallel_loop3A_688 : vector<1x16xf32> to vector<16xf32>
        %parallel_loop3A_690 = arith.constant 12 : i32
        %parallel_loop3A_691 = arith.addi %parallel_loop3A_239, %parallel_loop3A_690 : i32
        %parallel_loop3A_692 = arith.index_cast %parallel_loop3A_691 : i32 to index
        %parallel_loop3A_693 = arith.constant 0 : index
        %parallel_loop3A_694 = tpu.vector_load %arg23[%parallel_loop3A_692, %parallel_loop3A_693] {strides = array<i32>} : memref<64x16xf32, #tpu.memory_space<vmem>>, vector<1x16xf32>,
        %parallel_loop3A_695 = vector.shape_cast %parallel_loop3A_694 : vector<1x16xf32> to vector<16xf32>
        %parallel_loop3A_696 = arith.constant 13 : i32
        %parallel_loop3A_697 = arith.addi %parallel_loop3A_239, %parallel_loop3A_696 : i32
        %parallel_loop3A_698 = arith.index_cast %parallel_loop3A_697 : i32 to index
        %parallel_loop3A_699 = arith.constant 0 : index
        %parallel_loop3A_700 = tpu.vector_load %arg22[%parallel_loop3A_698, %parallel_loop3A_699] {strides = array<i32>} : memref<64x16xf32, #tpu.memory_space<vmem>>, vector<1x16xf32>,
        %parallel_loop3A_701 = vector.shape_cast %parallel_loop3A_700 : vector<1x16xf32> to vector<16xf32>
        %parallel_loop3A_702 = vector.shape_cast %mul3A_7 : vector<16xi32> to vector<16x1xi32>
        %parallel_loop3A_703 = vector.shape_cast %parallel_loop3A_702 : vector<16x1xi32> to vector<16xi32>
        %parallel_loop3A_704 = tpu.dynamic_gather %parallel_loop3A_689[%parallel_loop3A_703] in [0] : vector<16xf32>, vector<16xi32> -> vector<16xf32>
        %parallel_loop3A_705 = vector.shape_cast %mul3A_7 : vector<16xi32> to vector<16x1xi32>
        %parallel_loop3A_706 = vector.shape_cast %parallel_loop3A_705 : vector<16x1xi32> to vector<16xi32>
        %parallel_loop3A_707 = tpu.dynamic_gather %parallel_loop3A_701[%parallel_loop3A_706] in [0] : vector<16xf32>, vector<16xi32> -> vector<16xf32>
        %parallel_loop3A_708 = arith.select %lt3A_2, %parallel_loop3A_704, %parallel_loop3A_707 : vector<16xi1>, vector<16xf32>
        %parallel_loop3A_709 = vector.shape_cast %add3A_10 : vector<16xi32> to vector<16x1xi32>
        %parallel_loop3A_710 = vector.shape_cast %parallel_loop3A_709 : vector<16x1xi32> to vector<16xi32>
        %parallel_loop3A_711 = tpu.dynamic_gather %parallel_loop3A_689[%parallel_loop3A_710] in [0] : vector<16xf32>, vector<16xi32> -> vector<16xf32>
        %parallel_loop3A_712 = vector.shape_cast %add3A_10 : vector<16xi32> to vector<16x1xi32>
        %parallel_loop3A_713 = vector.shape_cast %parallel_loop3A_712 : vector<16x1xi32> to vector<16xi32>
        %parallel_loop3A_714 = tpu.dynamic_gather %parallel_loop3A_701[%parallel_loop3A_713] in [0] : vector<16xf32>, vector<16xi32> -> vector<16xf32>
        %parallel_loop3A_715 = arith.select %lt3A_2, %parallel_loop3A_711, %parallel_loop3A_714 : vector<16xi1>, vector<16xf32>
        %parallel_loop3A_716 = arith.addf %parallel_loop3A_708, %parallel_loop3A_715 : vector<16xf32>
        %parallel_loop3A_717 = arith.constant 13 : i32
        %parallel_loop3A_718 = arith.addi %parallel_loop3A_239, %parallel_loop3A_717 : i32
        %parallel_loop3A_719 = arith.index_cast %parallel_loop3A_718 : i32 to index
        %parallel_loop3A_720 = arith.constant 0 : index
        %parallel_loop3A_721 = tpu.vector_load %arg23[%parallel_loop3A_719, %parallel_loop3A_720] {strides = array<i32>} : memref<64x16xf32, #tpu.memory_space<vmem>>, vector<1x16xf32>,
        %parallel_loop3A_722 = vector.shape_cast %parallel_loop3A_721 : vector<1x16xf32> to vector<16xf32>
        %parallel_loop3A_723 = vector.shape_cast %mul3A_7 : vector<16xi32> to vector<16x1xi32>
        %parallel_loop3A_724 = vector.shape_cast %parallel_loop3A_723 : vector<16x1xi32> to vector<16xi32>
        %parallel_loop3A_725 = tpu.dynamic_gather %parallel_loop3A_695[%parallel_loop3A_724] in [0] : vector<16xf32>, vector<16xi32> -> vector<16xf32>
        %parallel_loop3A_726 = vector.shape_cast %mul3A_7 : vector<16xi32> to vector<16x1xi32>
        %parallel_loop3A_727 = vector.shape_cast %parallel_loop3A_726 : vector<16x1xi32> to vector<16xi32>
        %parallel_loop3A_728 = tpu.dynamic_gather %parallel_loop3A_722[%parallel_loop3A_727] in [0] : vector<16xf32>, vector<16xi32> -> vector<16xf32>
        %parallel_loop3A_729 = arith.select %lt3A_2, %parallel_loop3A_725, %parallel_loop3A_728 : vector<16xi1>, vector<16xf32>
        %parallel_loop3A_730 = vector.shape_cast %add3A_10 : vector<16xi32> to vector<16x1xi32>
        %parallel_loop3A_731 = vector.shape_cast %parallel_loop3A_730 : vector<16x1xi32> to vector<16xi32>
        %parallel_loop3A_732 = tpu.dynamic_gather %parallel_loop3A_695[%parallel_loop3A_731] in [0] : vector<16xf32>, vector<16xi32> -> vector<16xf32>
        %parallel_loop3A_733 = vector.shape_cast %add3A_10 : vector<16xi32> to vector<16x1xi32>
        %parallel_loop3A_734 = vector.shape_cast %parallel_loop3A_733 : vector<16x1xi32> to vector<16xi32>
        %parallel_loop3A_735 = tpu.dynamic_gather %parallel_loop3A_722[%parallel_loop3A_734] in [0] : vector<16xf32>, vector<16xi32> -> vector<16xf32>
        %parallel_loop3A_736 = arith.select %lt3A_2, %parallel_loop3A_732, %parallel_loop3A_735 : vector<16xi1>, vector<16xf32>
        %parallel_loop3A_737 = arith.addf %parallel_loop3A_729, %parallel_loop3A_736 : vector<16xf32>
        %parallel_loop3A_738 = arith.constant 14 : i32
        %parallel_loop3A_739 = arith.addi %parallel_loop3A_239, %parallel_loop3A_738 : i32
        %parallel_loop3A_740 = arith.index_cast %parallel_loop3A_739 : i32 to index
        %parallel_loop3A_741 = arith.constant 0 : index
        %parallel_loop3A_742 = tpu.vector_load %arg22[%parallel_loop3A_740, %parallel_loop3A_741] {strides = array<i32>} : memref<64x16xf32, #tpu.memory_space<vmem>>, vector<1x16xf32>,
        %parallel_loop3A_743 = vector.shape_cast %parallel_loop3A_742 : vector<1x16xf32> to vector<16xf32>
        %parallel_loop3A_744 = arith.constant 14 : i32
        %parallel_loop3A_745 = arith.addi %parallel_loop3A_239, %parallel_loop3A_744 : i32
        %parallel_loop3A_746 = arith.index_cast %parallel_loop3A_745 : i32 to index
        %parallel_loop3A_747 = arith.constant 0 : index
        %parallel_loop3A_748 = tpu.vector_load %arg23[%parallel_loop3A_746, %parallel_loop3A_747] {strides = array<i32>} : memref<64x16xf32, #tpu.memory_space<vmem>>, vector<1x16xf32>,
        %parallel_loop3A_749 = vector.shape_cast %parallel_loop3A_748 : vector<1x16xf32> to vector<16xf32>
        %parallel_loop3A_750 = arith.constant 15 : i32
        %parallel_loop3A_751 = arith.addi %parallel_loop3A_239, %parallel_loop3A_750 : i32
        %parallel_loop3A_752 = arith.index_cast %parallel_loop3A_751 : i32 to index
        %parallel_loop3A_753 = arith.constant 0 : index
        %parallel_loop3A_754 = tpu.vector_load %arg22[%parallel_loop3A_752, %parallel_loop3A_753] {strides = array<i32>} : memref<64x16xf32, #tpu.memory_space<vmem>>, vector<1x16xf32>,
        %parallel_loop3A_755 = vector.shape_cast %parallel_loop3A_754 : vector<1x16xf32> to vector<16xf32>
        %parallel_loop3A_756 = vector.shape_cast %mul3A_7 : vector<16xi32> to vector<16x1xi32>
        %parallel_loop3A_757 = vector.shape_cast %parallel_loop3A_756 : vector<16x1xi32> to vector<16xi32>
        %parallel_loop3A_758 = tpu.dynamic_gather %parallel_loop3A_743[%parallel_loop3A_757] in [0] : vector<16xf32>, vector<16xi32> -> vector<16xf32>
        %parallel_loop3A_759 = vector.shape_cast %mul3A_7 : vector<16xi32> to vector<16x1xi32>
        %parallel_loop3A_760 = vector.shape_cast %parallel_loop3A_759 : vector<16x1xi32> to vector<16xi32>
        %parallel_loop3A_761 = tpu.dynamic_gather %parallel_loop3A_755[%parallel_loop3A_760] in [0] : vector<16xf32>, vector<16xi32> -> vector<16xf32>
        %parallel_loop3A_762 = arith.select %lt3A_2, %parallel_loop3A_758, %parallel_loop3A_761 : vector<16xi1>, vector<16xf32>
        %parallel_loop3A_763 = vector.shape_cast %add3A_10 : vector<16xi32> to vector<16x1xi32>
        %parallel_loop3A_764 = vector.shape_cast %parallel_loop3A_763 : vector<16x1xi32> to vector<16xi32>
        %parallel_loop3A_765 = tpu.dynamic_gather %parallel_loop3A_743[%parallel_loop3A_764] in [0] : vector<16xf32>, vector<16xi32> -> vector<16xf32>
        %parallel_loop3A_766 = vector.shape_cast %add3A_10 : vector<16xi32> to vector<16x1xi32>
        %parallel_loop3A_767 = vector.shape_cast %parallel_loop3A_766 : vector<16x1xi32> to vector<16xi32>
        %parallel_loop3A_768 = tpu.dynamic_gather %parallel_loop3A_755[%parallel_loop3A_767] in [0] : vector<16xf32>, vector<16xi32> -> vector<16xf32>
        %parallel_loop3A_769 = arith.select %lt3A_2, %parallel_loop3A_765, %parallel_loop3A_768 : vector<16xi1>, vector<16xf32>
        %parallel_loop3A_770 = arith.addf %parallel_loop3A_762, %parallel_loop3A_769 : vector<16xf32>
        %parallel_loop3A_771 = vector.shape_cast %mul3A_7 : vector<16xi32> to vector<16x1xi32>
        %parallel_loop3A_772 = vector.shape_cast %parallel_loop3A_771 : vector<16x1xi32> to vector<16xi32>
        %parallel_loop3A_773 = tpu.dynamic_gather %parallel_loop3A_716[%parallel_loop3A_772] in [0] : vector<16xf32>, vector<16xi32> -> vector<16xf32>
        %parallel_loop3A_774 = vector.shape_cast %mul3A_7 : vector<16xi32> to vector<16x1xi32>
        %parallel_loop3A_775 = vector.shape_cast %parallel_loop3A_774 : vector<16x1xi32> to vector<16xi32>
        %parallel_loop3A_776 = tpu.dynamic_gather %parallel_loop3A_770[%parallel_loop3A_775] in [0] : vector<16xf32>, vector<16xi32> -> vector<16xf32>
        %parallel_loop3A_777 = arith.select %lt3A_2, %parallel_loop3A_773, %parallel_loop3A_776 : vector<16xi1>, vector<16xf32>
        %parallel_loop3A_778 = vector.shape_cast %add3A_10 : vector<16xi32> to vector<16x1xi32>
        %parallel_loop3A_779 = vector.shape_cast %parallel_loop3A_778 : vector<16x1xi32> to vector<16xi32>
        %parallel_loop3A_780 = tpu.dynamic_gather %parallel_loop3A_716[%parallel_loop3A_779] in [0] : vector<16xf32>, vector<16xi32> -> vector<16xf32>
        %parallel_loop3A_781 = vector.shape_cast %add3A_10 : vector<16xi32> to vector<16x1xi32>
        %parallel_loop3A_782 = vector.shape_cast %parallel_loop3A_781 : vector<16x1xi32> to vector<16xi32>
        %parallel_loop3A_783 = tpu.dynamic_gather %parallel_loop3A_770[%parallel_loop3A_782] in [0] : vector<16xf32>, vector<16xi32> -> vector<16xf32>
        %parallel_loop3A_784 = arith.select %lt3A_2, %parallel_loop3A_780, %parallel_loop3A_783 : vector<16xi1>, vector<16xf32>
        %parallel_loop3A_785 = arith.addf %parallel_loop3A_777, %parallel_loop3A_784 : vector<16xf32>
        %parallel_loop3A_786 = vector.shape_cast %mul3A_7 : vector<16xi32> to vector<16x1xi32>
        %parallel_loop3A_787 = vector.shape_cast %parallel_loop3A_786 : vector<16x1xi32> to vector<16xi32>
        %parallel_loop3A_788 = tpu.dynamic_gather %parallel_loop3A_647[%parallel_loop3A_787] in [0] : vector<16xf32>, vector<16xi32> -> vector<16xf32>
        %parallel_loop3A_789 = vector.shape_cast %mul3A_7 : vector<16xi32> to vector<16x1xi32>
        %parallel_loop3A_790 = vector.shape_cast %parallel_loop3A_789 : vector<16x1xi32> to vector<16xi32>
        %parallel_loop3A_791 = tpu.dynamic_gather %parallel_loop3A_785[%parallel_loop3A_790] in [0] : vector<16xf32>, vector<16xi32> -> vector<16xf32>
        %parallel_loop3A_792 = arith.select %lt3A_2, %parallel_loop3A_788, %parallel_loop3A_791 : vector<16xi1>, vector<16xf32>
        %parallel_loop3A_793 = vector.shape_cast %add3A_10 : vector<16xi32> to vector<16x1xi32>
        %parallel_loop3A_794 = vector.shape_cast %parallel_loop3A_793 : vector<16x1xi32> to vector<16xi32>
        %parallel_loop3A_795 = tpu.dynamic_gather %parallel_loop3A_647[%parallel_loop3A_794] in [0] : vector<16xf32>, vector<16xi32> -> vector<16xf32>
        %parallel_loop3A_796 = vector.shape_cast %add3A_10 : vector<16xi32> to vector<16x1xi32>
        %parallel_loop3A_797 = vector.shape_cast %parallel_loop3A_796 : vector<16x1xi32> to vector<16xi32>
        %parallel_loop3A_798 = tpu.dynamic_gather %parallel_loop3A_785[%parallel_loop3A_797] in [0] : vector<16xf32>, vector<16xi32> -> vector<16xf32>
        %parallel_loop3A_799 = arith.select %lt3A_2, %parallel_loop3A_795, %parallel_loop3A_798 : vector<16xi1>, vector<16xf32>
        %parallel_loop3A_800 = arith.addf %parallel_loop3A_792, %parallel_loop3A_799 : vector<16xf32>
        %parallel_loop3A_801 = vector.shape_cast %mul3A_7 : vector<16xi32> to vector<16x1xi32>
        %parallel_loop3A_802 = vector.shape_cast %parallel_loop3A_801 : vector<16x1xi32> to vector<16xi32>
        %parallel_loop3A_803 = tpu.dynamic_gather %parallel_loop3A_494[%parallel_loop3A_802] in [0] : vector<16xf32>, vector<16xi32> -> vector<16xf32>
        %parallel_loop3A_804 = vector.shape_cast %mul3A_7 : vector<16xi32> to vector<16x1xi32>
        %parallel_loop3A_805 = vector.shape_cast %parallel_loop3A_804 : vector<16x1xi32> to vector<16xi32>
        %parallel_loop3A_806 = tpu.dynamic_gather %parallel_loop3A_800[%parallel_loop3A_805] in [0] : vector<16xf32>, vector<16xi32> -> vector<16xf32>
        %parallel_loop3A_807 = arith.select %lt3A_2, %parallel_loop3A_803, %parallel_loop3A_806 : vector<16xi1>, vector<16xf32>
        %parallel_loop3A_808 = vector.shape_cast %add3A_10 : vector<16xi32> to vector<16x1xi32>
        %parallel_loop3A_809 = vector.shape_cast %parallel_loop3A_808 : vector<16x1xi32> to vector<16xi32>
        %parallel_loop3A_810 = tpu.dynamic_gather %parallel_loop3A_494[%parallel_loop3A_809] in [0] : vector<16xf32>, vector<16xi32> -> vector<16xf32>
        %parallel_loop3A_811 = vector.shape_cast %add3A_10 : vector<16xi32> to vector<16x1xi32>
        %parallel_loop3A_812 = vector.shape_cast %parallel_loop3A_811 : vector<16x1xi32> to vector<16xi32>
        %parallel_loop3A_813 = tpu.dynamic_gather %parallel_loop3A_800[%parallel_loop3A_812] in [0] : vector<16xf32>, vector<16xi32> -> vector<16xf32>
        %parallel_loop3A_814 = arith.select %lt3A_2, %parallel_loop3A_810, %parallel_loop3A_813 : vector<16xi1>, vector<16xf32>
        %parallel_loop3A_815 = arith.addf %parallel_loop3A_807, %parallel_loop3A_814 : vector<16xf32>
        %parallel_loop3A_816 = arith.constant 15 : i32
        %parallel_loop3A_817 = arith.addi %parallel_loop3A_239, %parallel_loop3A_816 : i32
        %parallel_loop3A_818 = arith.index_cast %parallel_loop3A_817 : i32 to index
        %parallel_loop3A_819 = arith.constant 0 : index
        %parallel_loop3A_820 = tpu.vector_load %arg23[%parallel_loop3A_818, %parallel_loop3A_819] {strides = array<i32>} : memref<64x16xf32, #tpu.memory_space<vmem>>, vector<1x16xf32>,
        %parallel_loop3A_821 = vector.shape_cast %parallel_loop3A_820 : vector<1x16xf32> to vector<16xf32>
        %parallel_loop3A_822 = vector.shape_cast %mul3A_7 : vector<16xi32> to vector<16x1xi32>
        %parallel_loop3A_823 = vector.shape_cast %parallel_loop3A_822 : vector<16x1xi32> to vector<16xi32>
        %parallel_loop3A_824 = tpu.dynamic_gather %parallel_loop3A_749[%parallel_loop3A_823] in [0] : vector<16xf32>, vector<16xi32> -> vector<16xf32>
        %parallel_loop3A_825 = vector.shape_cast %mul3A_7 : vector<16xi32> to vector<16x1xi32>
        %parallel_loop3A_826 = vector.shape_cast %parallel_loop3A_825 : vector<16x1xi32> to vector<16xi32>
        %parallel_loop3A_827 = tpu.dynamic_gather %parallel_loop3A_821[%parallel_loop3A_826] in [0] : vector<16xf32>, vector<16xi32> -> vector<16xf32>
        %parallel_loop3A_828 = arith.select %lt3A_2, %parallel_loop3A_824, %parallel_loop3A_827 : vector<16xi1>, vector<16xf32>
        %parallel_loop3A_829 = vector.shape_cast %add3A_10 : vector<16xi32> to vector<16x1xi32>
        %parallel_loop3A_830 = vector.shape_cast %parallel_loop3A_829 : vector<16x1xi32> to vector<16xi32>
        %parallel_loop3A_831 = tpu.dynamic_gather %parallel_loop3A_749[%parallel_loop3A_830] in [0] : vector<16xf32>, vector<16xi32> -> vector<16xf32>
        %parallel_loop3A_832 = vector.shape_cast %add3A_10 : vector<16xi32> to vector<16x1xi32>
        %parallel_loop3A_833 = vector.shape_cast %parallel_loop3A_832 : vector<16x1xi32> to vector<16xi32>
        %parallel_loop3A_834 = tpu.dynamic_gather %parallel_loop3A_821[%parallel_loop3A_833] in [0] : vector<16xf32>, vector<16xi32> -> vector<16xf32>
        %parallel_loop3A_835 = arith.select %lt3A_2, %parallel_loop3A_831, %parallel_loop3A_834 : vector<16xi1>, vector<16xf32>
        %parallel_loop3A_836 = arith.addf %parallel_loop3A_828, %parallel_loop3A_835 : vector<16xf32>
        %parallel_loop3A_837 = vector.shape_cast %mul3A_7 : vector<16xi32> to vector<16x1xi32>
        %parallel_loop3A_838 = vector.shape_cast %parallel_loop3A_837 : vector<16x1xi32> to vector<16xi32>
        %parallel_loop3A_839 = tpu.dynamic_gather %parallel_loop3A_737[%parallel_loop3A_838] in [0] : vector<16xf32>, vector<16xi32> -> vector<16xf32>
        %parallel_loop3A_840 = vector.shape_cast %mul3A_7 : vector<16xi32> to vector<16x1xi32>
        %parallel_loop3A_841 = vector.shape_cast %parallel_loop3A_840 : vector<16x1xi32> to vector<16xi32>
        %parallel_loop3A_842 = tpu.dynamic_gather %parallel_loop3A_836[%parallel_loop3A_841] in [0] : vector<16xf32>, vector<16xi32> -> vector<16xf32>
        %parallel_loop3A_843 = arith.select %lt3A_2, %parallel_loop3A_839, %parallel_loop3A_842 : vector<16xi1>, vector<16xf32>
        %parallel_loop3A_844 = vector.shape_cast %add3A_10 : vector<16xi32> to vector<16x1xi32>
        %parallel_loop3A_845 = vector.shape_cast %parallel_loop3A_844 : vector<16x1xi32> to vector<16xi32>
        %parallel_loop3A_846 = tpu.dynamic_gather %parallel_loop3A_737[%parallel_loop3A_845] in [0] : vector<16xf32>, vector<16xi32> -> vector<16xf32>
        %parallel_loop3A_847 = vector.shape_cast %add3A_10 : vector<16xi32> to vector<16x1xi32>
        %parallel_loop3A_848 = vector.shape_cast %parallel_loop3A_847 : vector<16x1xi32> to vector<16xi32>
        %parallel_loop3A_849 = tpu.dynamic_gather %parallel_loop3A_836[%parallel_loop3A_848] in [0] : vector<16xf32>, vector<16xi32> -> vector<16xf32>
        %parallel_loop3A_850 = arith.select %lt3A_2, %parallel_loop3A_846, %parallel_loop3A_849 : vector<16xi1>, vector<16xf32>
        %parallel_loop3A_851 = arith.addf %parallel_loop3A_843, %parallel_loop3A_850 : vector<16xf32>
        %parallel_loop3A_852 = vector.shape_cast %mul3A_7 : vector<16xi32> to vector<16x1xi32>
        %parallel_loop3A_853 = vector.shape_cast %parallel_loop3A_852 : vector<16x1xi32> to vector<16xi32>
        %parallel_loop3A_854 = tpu.dynamic_gather %parallel_loop3A_683[%parallel_loop3A_853] in [0] : vector<16xf32>, vector<16xi32> -> vector<16xf32>
        %parallel_loop3A_855 = vector.shape_cast %mul3A_7 : vector<16xi32> to vector<16x1xi32>
        %parallel_loop3A_856 = vector.shape_cast %parallel_loop3A_855 : vector<16x1xi32> to vector<16xi32>
        %parallel_loop3A_857 = tpu.dynamic_gather %parallel_loop3A_851[%parallel_loop3A_856] in [0] : vector<16xf32>, vector<16xi32> -> vector<16xf32>
        %parallel_loop3A_858 = arith.select %lt3A_2, %parallel_loop3A_854, %parallel_loop3A_857 : vector<16xi1>, vector<16xf32>
        %parallel_loop3A_859 = vector.shape_cast %add3A_10 : vector<16xi32> to vector<16x1xi32>
        %parallel_loop3A_860 = vector.shape_cast %parallel_loop3A_859 : vector<16x1xi32> to vector<16xi32>
        %parallel_loop3A_861 = tpu.dynamic_gather %parallel_loop3A_683[%parallel_loop3A_860] in [0] : vector<16xf32>, vector<16xi32> -> vector<16xf32>
        %parallel_loop3A_862 = vector.shape_cast %add3A_10 : vector<16xi32> to vector<16x1xi32>
        %parallel_loop3A_863 = vector.shape_cast %parallel_loop3A_862 : vector<16x1xi32> to vector<16xi32>
        %parallel_loop3A_864 = tpu.dynamic_gather %parallel_loop3A_851[%parallel_loop3A_863] in [0] : vector<16xf32>, vector<16xi32> -> vector<16xf32>
        %parallel_loop3A_865 = arith.select %lt3A_2, %parallel_loop3A_861, %parallel_loop3A_864 : vector<16xi1>, vector<16xf32>
        %parallel_loop3A_866 = arith.addf %parallel_loop3A_858, %parallel_loop3A_865 : vector<16xf32>
        %parallel_loop3A_867 = vector.shape_cast %mul3A_7 : vector<16xi32> to vector<16x1xi32>
        %parallel_loop3A_868 = vector.shape_cast %parallel_loop3A_867 : vector<16x1xi32> to vector<16xi32>
        %parallel_loop3A_869 = tpu.dynamic_gather %parallel_loop3A_545[%parallel_loop3A_868] in [0] : vector<16xf32>, vector<16xi32> -> vector<16xf32>
        %parallel_loop3A_870 = vector.shape_cast %mul3A_7 : vector<16xi32> to vector<16x1xi32>
        %parallel_loop3A_871 = vector.shape_cast %parallel_loop3A_870 : vector<16x1xi32> to vector<16xi32>
        %parallel_loop3A_872 = tpu.dynamic_gather %parallel_loop3A_866[%parallel_loop3A_871] in [0] : vector<16xf32>, vector<16xi32> -> vector<16xf32>
        %parallel_loop3A_873 = arith.select %lt3A_2, %parallel_loop3A_869, %parallel_loop3A_872 : vector<16xi1>, vector<16xf32>
        %parallel_loop3A_874 = vector.shape_cast %add3A_10 : vector<16xi32> to vector<16x1xi32>
        %parallel_loop3A_875 = vector.shape_cast %parallel_loop3A_874 : vector<16x1xi32> to vector<16xi32>
        %parallel_loop3A_876 = tpu.dynamic_gather %parallel_loop3A_545[%parallel_loop3A_875] in [0] : vector<16xf32>, vector<16xi32> -> vector<16xf32>
        %parallel_loop3A_877 = vector.shape_cast %add3A_10 : vector<16xi32> to vector<16x1xi32>
        %parallel_loop3A_878 = vector.shape_cast %parallel_loop3A_877 : vector<16x1xi32> to vector<16xi32>
        %parallel_loop3A_879 = tpu.dynamic_gather %parallel_loop3A_866[%parallel_loop3A_878] in [0] : vector<16xf32>, vector<16xi32> -> vector<16xf32>
        %parallel_loop3A_880 = arith.select %lt3A_2, %parallel_loop3A_876, %parallel_loop3A_879 : vector<16xi1>, vector<16xf32>
        %parallel_loop3A_881 = arith.addf %parallel_loop3A_873, %parallel_loop3A_880 : vector<16xf32>
        %parallel_loop3A_882 = arith.addi %mul3A_230, %parallel_loop3A_239 : i32
        %parallel_loop3A_883 = arith.index_cast %parallel_loop3A_882 : i32 to index
        %parallel_loop3A_884 = tpu.vector_load %arg24[%parallel_loop3A_883] {strides = array<i32>} : memref<512xf32, #tpu.memory_space<vmem>>, vector<16xf32>,
        %parallel_loop3A_885 = vector.shape_cast %parallel_loop3A_884 : vector<16xf32> to vector<16xf32>
        %parallel_loop3A_886 = vector.shape_cast %parallel_loop3A_815 : vector<16xf32> to vector<16xf32>
        tpu.vector_store %arg24[%parallel_loop3A_883], %parallel_loop3A_886 {strides = array<i32>} : memref<512xf32, #tpu.memory_space<vmem>>, vector<16xf32>,
        %parallel_loop3A_887 = arith.addi %mul3A_230, %parallel_loop3A_239 : i32
        %parallel_loop3A_888 = arith.index_cast %parallel_loop3A_887 : i32 to index
        %parallel_loop3A_889 = tpu.vector_load %arg25[%parallel_loop3A_888] {strides = array<i32>} : memref<512xf32, #tpu.memory_space<vmem>>, vector<16xf32>,
        %parallel_loop3A_890 = vector.shape_cast %parallel_loop3A_889 : vector<16xf32> to vector<16xf32>
        %parallel_loop3A_891 = vector.shape_cast %parallel_loop3A_881 : vector<16xf32> to vector<16xf32>
        tpu.vector_store %arg25[%parallel_loop3A_888], %parallel_loop3A_891 {strides = array<i32>} : memref<512xf32, #tpu.memory_space<vmem>>, vector<16xf32>,
      } {sc.loop_unroll_factor = 1 : i64, sc.parallel_access}
    }
    %scan3A_135 = arith.constant 4 : i32
    %mul3A_136 = arith.constant 512 : i32
    %mul3A_137 = arith.muli %add3A, %mul3A_136 : i32
    %dma_start3A_138 = tpu.memref_slice %arg8[%mul3A_137] : memref<16384xf32, #tpu.memory_space<hbm>> -> memref<512xf32, #tpu.memory_space<hbm>>
    %dma_start3A_139 = tpu.memref_slice %arg8[%mul3A_137] : memref<16384xf32, #tpu.memory_space<hbm>> -> memref<512xf32, #tpu.memory_space<hbm>>
    tpu.enqueue_dma source(%arg24 : memref<512xf32, #tpu.memory_space<vmem>>) target(%dma_start3A_139 : memref<512xf32, #tpu.memory_space<hbm>>) target_semaphore(%arg26 : memref<!tpu.dma_semaphore, #tpu.memory_space<semaphore_mem>>)
    %dma_start3A_140 = tpu.memref_slice %arg9[%mul3A_137] : memref<16384xf32, #tpu.memory_space<hbm>> -> memref<512xf32, #tpu.memory_space<hbm>>
    %dma_start3A_141 = tpu.memref_slice %arg9[%mul3A_137] : memref<16384xf32, #tpu.memory_space<hbm>> -> memref<512xf32, #tpu.memory_space<hbm>>
    tpu.enqueue_dma source(%arg25 : memref<512xf32, #tpu.memory_space<vmem>>) target(%dma_start3A_141 : memref<512xf32, #tpu.memory_space<hbm>>) target_semaphore(%arg27 : memref<!tpu.dma_semaphore, #tpu.memory_space<semaphore_mem>>)
    %dma_wait3A_142 = tpu.memref_slice %arg8[%mul3A_137] : memref<16384xf32, #tpu.memory_space<hbm>> -> memref<512xf32, #tpu.memory_space<hbm>>
    %dma_wait3A_143 = tpu.memref_slice %arg8[%mul3A_137] : memref<16384xf32, #tpu.memory_space<hbm>> -> memref<512xf32, #tpu.memory_space<hbm>>
    tpu.wait_dma2 semaphore(%arg26 : memref<!tpu.dma_semaphore, #tpu.memory_space<semaphore_mem>>) src(%arg24 : memref<512xf32, #tpu.memory_space<vmem>>) dst(%dma_wait3A_143 : memref<512xf32, #tpu.memory_space<hbm>>)
    %dma_wait3A_144 = tpu.memref_slice %arg9[%mul3A_137] : memref<16384xf32, #tpu.memory_space<hbm>> -> memref<512xf32, #tpu.memory_space<hbm>>
    %dma_wait3A_145 = tpu.memref_slice %arg9[%mul3A_137] : memref<16384xf32, #tpu.memory_space<hbm>> -> memref<512xf32, #tpu.memory_space<hbm>>
    tpu.wait_dma2 semaphore(%arg27 : memref<!tpu.dma_semaphore, #tpu.memory_space<semaphore_mem>>) src(%arg25 : memref<512xf32, #tpu.memory_space<vmem>>) dst(%dma_wait3A_145 : memref<512xf32, #tpu.memory_space<hbm>>)
    return
  }
}

</mosaic_0001>

<sc_bundles>
// kernel: kernel.3.cloned.1.call-start
scs
__scs_entry_jumppad:
0x0: {  	(pc) =	sbr.rel $0x88, $3  }
0x1: {  	(tag) =	ssettag $0x0;
	lr =	simm.s32 $0x1  }
0x2: {  	[smem:$0x3F9B] =	sst lr;
	_ =	strace $0xD0000000  }
0x3: {  	_ = 	snop  }
0x4: {  	_ = 	snop  }
0x5: {  	_ = 	snop  }
0x6: {  	_ = 	snop  }
0x7: {  	_ = 	snop  }
__scs_overlays_trampoline_lowered:
0x8: {  	[smem:$0x3FAA] =	sst s0  }
0x9: {  	[smem:$0x3FAB] =	sst s1  }
0xa: {  	[smem:$0x3FAC] =	sst s2  }
0xb: {  	[smem:$0x3FAD] =	sst s3  }
0xc: {  	[smem:$0x3FAE] =	sst s4  }
0xd: {  	[smem:$0x3FAF] =	sst s5  }
0xe: {  	[smem:$0x3FB0] =	sst s6  }
0xf: {  	[smem:$0x3FB1] =	sst s7  }
0x10: {  	[smem:$0x3FB2] =	sst s8  }
0x11: {  	[smem:$0x3FB3] =	sst s9;
	s0 =	simm.s32 @!p0 $0x0  }
0x12: {  	s1 =	sld [smem:$0x3F99];
	s0 =	simm.s32 @p0 $0x1  }
0x13: {  	[smem:$0x3FB4] =	sst s0;
	s0 =	simm.s32 @!p1 $0x0  }
0x14: {  	s2 =	sld [smem:$0x3F98];
	s0 =	simm.s32 @p1 $0x1  }
0x15: {  	[smem:$0x3FB5] =	sst s0;
	s0 =	simm.s32 @!p2 $0x0  }
0x16: {  	s3 =	sld [smem:$0x3FDB];
	s0 =	simm.s32 @p2 $0x1  }
0x17: {  	s4 =	simm.s32 $0x1BF5;
	[smem:$0x3FB7] =	sst s0  }
0x18: {  	s0 =	sld [smem:$0x3F9A];
	_ =	swait.ge [sflag:s4], $0x0  }
0x19: {  	s7 =	sld [smem:$0x3F9B]  }
0x1a: {  	s8 =	sadd.s32 $0xFFFFE003, lr  }
0x1b: {  	s9 =	sadd.s32 $0xFFFFFEF7, lr;
	s5 =	simm.s32 $0xFFFFFFFF;
	p2 =	slt.u32 s8, $0xFFFFF086  }
0x1c: {  	p1 =	slt.u32 s9, $0xF7A;
	s5 =	simm.s32 @!p2 $0x0  }
0x1d: {  	s5 =	simm.s32 @p1 $0x1;
	p0 =	seq.s32 s7, s2  }
0x1e: {  	s7 =	smul.u32 @!p0 $0xF7A, s2;
	p2 =	seq.s32 @!p0 s5, $0x0  }
0x1f: {  	s9 =	smul.u32 $0xF7A, s1;
	s8 =	simm.s32 @!p0 $0x1BF5;
	p2 =	por !p2, p0  }
0x20: {  	[sflag:s8] =	ssyncset.s32 @!p0 $0xFFFFF086;
	s6 =	sadd.s32 @!p0 s3, s7;
	s7 =	simm.s32 @!p0 $0x108  }
0x21: {  	s3 =	sadd.s32 s3, s9;
	s6 =	sadd.s32 @!p0 $0x88, s6;
	s7 =	simm.s32 @p2 $0x1082  }
0x22: {  	[simem:s7], [sflag:s8] =	dma.local @!p0 [hbm:s6], $0xF7A  }
0x23: {  	s9 =	sor.u32 $0xD0000000, s2;
	s6 =	simm.s32 $0x108;
	_ =	swait.ge @!p0 [sflag:s8], $0x0  }
0x24: {  	s3 =	sadd.s32 $0x88, s3;
	s6 =	simm.s32 @!p1 $0x1082;
	[sflag:s4] =	ssyncset.s32 $0xFFFFF086  }
0x25: {  	[simem:s6], [sflag:s4] =	dma.local [hbm:s3], $0xF7A  }
0x26: {  	[smem:$0x3F9B] =	sst s1;
	(tag) =	ssettag s2;
	_ =	strace s9  }
0x27: {  	s1 =	sld [smem:$0x3FAB]  }
0x28: {  	s2 =	sld [smem:$0x3FAC]  }
0x29: {  	s4 =	sld [smem:$0x3FAE]  }
0x2a: {  	p0 =	seq.s32 s5, $0x0;
	s5 =	sld [smem:$0x3FAF]  }
0x2b: {  	s6 =	sld [smem:$0x3FB0]  }
0x2c: {  	s7 =	sld [smem:$0x3FB1]  }
0x2d: {  	s3 =	simm.s32 $0x108;
	s8 =	sld [smem:$0x3FB2]  }
0x2e: {  	s3 =	simm.s32 @!p0 $0x1082;
	s9 =	sld [smem:$0x3FB3]  }
0x2f: {  	lr =	sadd.s32 s0, s3;
	s0 =	sld [smem:$0x3FAA]  }
0x30: {  	s3 =	sld [smem:$0x3FAD]  }
0x31: {  	[smem:$0x3FB6] =	sst s10  }
0x32: {  	s10 =	sld [smem:$0x3FB4];
	_ =	sdelay $0x3  }
0x33: {  	p0 =	seq.s32 s10, $0x1;
	s10 =	sld [smem:$0x3FB6];
	_ =	sdelay $0x3  }
0x34: {  	[smem:$0x3FB6] =	sst s10  }
0x35: {  	s10 =	sld [smem:$0x3FB5];
	_ =	sdelay $0x3  }
0x36: {  	p1 =	seq.s32 s10, $0x1;
	s10 =	sld [smem:$0x3FB6];
	_ =	sdelay $0x3  }
0x37: {  	[smem:$0x3FB6] =	sst s10  }
0x38: {  	s10 =	sld [smem:$0x3FB7]  }
0x39: {  	_ = 	snop;
	(pc) =	sbr.ind lr, $3  }
0x3a: {  	_ = 	snop  }
0x3b: {  	_ = 	snop  }
0x3c: {  	p2 =	seq.s32 s10, $0x1;
	s10 =	sld [smem:$0x3FB6]  }
0x3d: {  	_ =	shalt  }
0x3e: {  	_ =	shalt  }
0x3f: {  	_ =	shalt  }
0x40: {  	_ =	shalt  }
0x41: {  	_ =	shalt  }
0x42: {  	_ =	shalt  }
0x43: {  	_ =	shalt  }
0x44: {  	_ =	shalt  }
0x45: {  	_ =	shalt  }
0x46: {  	_ =	shalt  }
0x47: {  	_ =	shalt  }
0x48: {  	_ =	shalt  }
0x49: {  	_ =	shalt  }
0x4a: {  	_ =	shalt  }
0x4b: {  	_ =	shalt  }
0x4c: {  	_ =	shalt  }
0x4d: {  	_ =	shalt  }
0x4e: {  	_ =	shalt  }
0x4f: {  	_ =	shalt  }
0x50: {  	_ =	shalt  }
0x51: {  	_ =	shalt  }
0x52: {  	_ =	shalt  }
0x53: {  	_ =	shalt  }
0x54: {  	_ =	shalt  }
0x55: {  	_ =	shalt  }
0x56: {  	_ =	shalt  }
0x57: {  	_ =	shalt  }
0x58: {  	_ =	shalt  }
0x59: {  	_ =	shalt  }
0x5a: {  	_ =	shalt  }
0x5b: {  	_ =	shalt  }
0x5c: {  	_ =	shalt  }
0x5d: {  	_ =	shalt  }
0x5e: {  	_ =	shalt  }
0x5f: {  	_ =	shalt  }
0x60: {  	_ =	shalt  }
0x61: {  	_ =	shalt  }
0x62: {  	_ =	shalt  }
0x63: {  	_ =	shalt  }
0x64: {  	_ =	shalt  }
0x65: {  	_ =	shalt  }
0x66: {  	_ =	shalt  }
0x67: {  	_ =	shalt  }
0x68: {  	_ =	shalt  }
0x69: {  	_ =	shalt  }
0x6a: {  	_ =	shalt  }
0x6b: {  	_ =	shalt  }
0x6c: {  	_ =	shalt  }
0x6d: {  	_ =	shalt  }
0x6e: {  	_ =	shalt  }
0x6f: {  	_ =	shalt  }
0x70: {  	_ =	shalt  }
0x71: {  	_ =	shalt  }
0x72: {  	_ =	shalt  }
0x73: {  	_ =	shalt  }
0x74: {  	_ =	shalt  }
0x75: {  	_ =	shalt  }
0x76: {  	_ =	shalt  }
0x77: {  	_ =	shalt  }
0x78: {  	_ =	shalt  }
0x79: {  	_ =	shalt  }
0x7a: {  	_ =	shalt  }
0x7b: {  	_ =	shalt  }
0x7c: {  	_ =	shalt  }
0x7d: {  	_ =	shalt  }
0x7e: {  	_ =	shalt  }
0x7f: {  	_ =	shalt  }
0x80: {  	_ =	shalt  }
0x81: {  	_ =	shalt  }
0x82: {  	_ =	shalt  }
0x83: {  	_ =	shalt  }
0x84: {  	_ =	shalt  }
0x85: {  	_ =	shalt  }
0x86: {  	_ =	shalt  }
0x87: {  	_ =	shalt  }
.Lfunc_end0:
.L_simem_size_0:
called_computation_lowered:
.L_overlay_start_0:
0x88: {  	s2 =	sld [smem:$0x3FD9]  }
0x89: {  	s3 =	sld [smem:$0x3FFE];
	_ =	sdelay $0x1  }
0x8a: {  	s1 =	srdreg.scid  }
0x8b: {  	s0 =	sand.u32 $0x1, s1  }
0x8c: {  	s15 =	sshll.u32 s0, $0xA;
	s2 =	sadd.s32 s3, s2  }
0x8d: {  	s2 =	sadd.s32 s2, s15  }
0x8e: {  	[smem:$0x3FC2] =	sst s2  }
0x8f: {  	_ = 	snop  }
0x90: {  	s2 =	sld [smem:$0x3FC9]  }
0x91: {  	s16 =	sld [smem:$0x3FC8]  }
0x92: {  	s4 =	sld [smem:$0x3FC7]  }
0x93: {  	s5 =	sld [smem:$0x3FD0]  }
0x94: {  	s6 =	sld [smem:$0x3FC6]  }
0x95: {  	s7 =	sld [smem:$0x3FC5]  }
0x96: {  	s9 =	simm.s32 $0xA;
	s10 =	simm.s32 $0x10;
	s8 =	sld [smem:$0x3FC4]  }
0x97: {  	[smem:s10], [sflag:s9] =	dma.local [hbm:s5], $0x1  }
0x98: {  	_ =	swait.eq [sflag:s9], $0x1  }
0x99: {  	[sflag:s9] =	ssyncset.done $0x0  }
0x9a: {  	s17 =	sld [smem:$0x10];
	[sflag:s9] =	ssyncadd.s32 $0xFFFFFFFF  }
0x9b: {  	s18 =	sld [smem:$0x11];
	(tm) =	ssettm $0x1  }
0x9c: {  	s19 =	sld [smem:$0x3FFB];
	_ =	sdelay $0x3  }
0x9d: {  	_ =	strace s19  }
0x9e: {  	s10 =	sld [smem:$0x3FFC];
	_ =	sdelay $0x3  }
0x9f: {  	_ =	strace s10  }
0xa0: {  	s10 =	sld [smem:$0x3FFD];
	_ =	sdelay $0x3  }
0xa1: {  	_ =	strace s10  }
0xa2: {  	_ =	strace $0x8FFFFFFF  }
0xa3: {  	s20 =	sld [smem:$0x3FDB];
	_ =	sdelay $0x1  }
0xa4: {  	s11 =	simm.s32 $_scs_section_size  }
0xa5: {  	s12 =	simm.s32 $_size__tile_overlayer_lowered;
	s13 =	simm.s32 $_tile_overlayer_lowered  }
0xa6: {  	s23 =	simm.s32 $0x1BFF;
	s22 =	sshll.u32 s13, $0x1;
	s10 =	sadd.s32 s11, s20  }
0xa7: {  	s14 =	simm.s32 $0x0;
	s21 =	sshll.u32 s12, $0x1;
	s12 =	sadd.s32 s22, s10  }
0xa8: {  	[timem:s14], [sflag:s23] =	dma.local [hbm:s12], s21  }
0xa9: {  	_ =	swait.ge [sflag:s23], s21  }
0xaa: {  	s11 =	ssub.s32 $0x0, s21;
	[sflag:s23] =	ssyncset.done $0x0  }
0xab: {  	[sflag:s23] =	ssyncadd.s32 s11;
	_ =	sdelay $0x1  }
0xac: {  	s24 =	simm.s32 $0x1B8B  }
0xad: {  	_ =	swait.ge [sflag:s24], $0x1  }
0xae: {  	[sflag:s24] =	ssyncset.done $0x0  }
0xaf: {  	s25 =	simm.s32 $0x1B8E;
	[sflag:s24] =	ssyncadd.s32 $0xFFFFFFFF  }
0xb0: {  	s26 =	simm.s32 $execute0_lowered;
	[smem:$0x3FD2] =	sst s25  }
0xb1: {  	s11 =	sshll.u32 s26, $0x1;
	_ =	strace $0x80000046;
	[dreg:$0x1] =	wrdreg $0xFFFFFFFF  }
0xb2: {  	s28 =	simm.s32 $_size_execute0_lowered;
	s10 =	sadd.s32 s10, s11;
	[dreg:$0x0] =	wrdreg $0x0  }
0xb3: {  	s11 =	sshll.u32 s28, $0x1;
	[dreg:$0x2] =	wrdreg s10  }
0xb4: {  	[dreg:$0x3] =	wrdreg s11  }
0xb5: {  	[dreg:$0x4] =	wrdreg $0xC0  }
0xb6: {  	_ =	task [dreg:s14], $0x5FFFF  }
0xb7: {  	[dreg:$0x1] =	wrdreg $0xFFFFFFFF  }
0xb8: {  	[dreg:$0x0] =	wrdreg $0x60  }
0xb9: {  	[dreg:$0x2] =	wrdreg s2  }
0xba: {  	[dreg:$0x3] =	wrdreg s16  }
0xbb: {  	[dreg:$0x4] =	wrdreg s4  }
0xbc: {  	[dreg:$0x5] =	wrdreg s6  }
0xbd: {  	[dreg:$0x6] =	wrdreg s7  }
0xbe: {  	[dreg:$0x7] =	wrdreg s8  }
0xbf: {  	[dreg:$0x8] =	wrdreg s17  }
0xc0: {  	[dreg:$0x9] =	wrdreg s18  }
0xc1: {  	[dreg:$0xa] =	wrdreg $0x9  }
0xc2: {  	_ =	task.clear_ibuf [dreg:s14], $0xBFFFF;
	_ =	strace $0x90000046  }
0xc3: {  	s29 =	simm.s32 $0x9;
	_ =	strace $0x80000048  }
0xc4: {  	_ =	swait.ge [sflag:s29], $0x1  }
0xc5: {  	[sflag:s29] =	ssyncadd.s32 $0xFFFFFFFF  }
0xc6: {  	_ =	strace $0x90000048  }
0xc7: {  	_ =	sfence  }
0xc8: {  	s30 =	sld [smem:$0x0];
	_ =	sdelay $0x2  }
0xc9: {  	s31 =	sshll.u32 s1, $0xD;
	s1 =	sshrl.u32 s1, $0x2  }
0xca: {  	s3 =	sand.u32 $0x4000, s31;
	s1 =	sadd.s32 s1, s30  }
0xcb: {  	s0 =	sor.u32 s3, s0;
	s1 =	sshll.u32 s1, $0x11  }
0xcc: {  	s0 =	sor.u32 s1, s0  }
0xcd: {  	s0 =	sadd.s32 $0x8F2B, s0  }
0xce: {  	[sflag:s0] =	ssyncadd.remote.s32 $0x1  }
0xcf: {  	_ =	sfence.sel $0xFFFF  }
0xd0: {  	[dreg:$0x0] =	wrdreg $0xFFFFFFFF;
	(pc) =	sbr.abs _section_cstart, $3  }
0xd1: {  	[dreg:$0x1] =	wrdreg $0xFFFFFFFF  }
0xd2: {  	_ =	task.clear_ibuf [dreg:s14], $0x2FFFF;
	_ =	strace $0x9FFFFFFF  }
0xd3: {  	(tm) =	ssettm $0x7FFFFFFF  }
tec
execute0_lowered:
.L_overlay_start_1:
0x0: {  	(tag) =	ssettag $0x1  }
0x1: {  	s0 =	rddreg [dreg:$0x0]  }
0x2: {  	s3 =	rddreg [dreg:$0x1]  }
0x3: {  	s5 =	rddreg [dreg:$0x2]  }
0x4: {  	s6 =	rddreg [dreg:$0x3]  }
0x5: {  	s1 =	rddreg [dreg:$0x4]  }
0x6: {  	s2 =	rddreg [dreg:$0x5]  }
0x7: {  	s13 =	rddreg [dreg:$0x6]  }
0x8: {  	s14 =	rddreg [dreg:$0x7];
	s4 =	simm.s32 $0x0;
	s7 =	srdreg.scid  }
0x9: {  	s9 =	stileid.u32;
	s19 =	simm.s32 $0x1;
	s20 =	simm.s32 $0x40  }
0xa: {  	s29 =	simm.s32 $0x2;
	s30 =	simm.s32 $0x8800;
	s31 =	simm.s32 $0xA800  }
0xb: {  	s23 =	simm.s32 $0x0;
	[smem:$0x7FF] =	sst s4;
	s7 =	sand.u32 $0x1, s7  }
0xc: {  	s9 =	sshll.u32 s9, $0x7;
	s8 =	ssub.s32 $0x2, s7;
	s7 =	sshll.u32 s7, $0x6  }
0xd: {  	_ =	strace $0x80000047;
	s10 =	sshrl.u32 s8, $0x1;
	s15 =	sor.u32 s7, s9  }
0xe: {  	s16 =	ssub.s32 s8, s10;
	s7 =	sadd.s32 s0, s15;
	s26 =	sadd.s32 s3, s15  }
0xf: {  	v0 =	vlaneseq.u32;
	s28 =	sadd.s32 s5, s15;
	s8 =	sadd.s32 s6, s15;
	[dreg:$0x9] =	wrdreg s7  }
0x10: {  	v0 =	vand.u32 $0x7, v0;
	s12 =	sor.u32 $0x8, s15;
	s13 =	sadd.s32 s13, s15;
	[dreg:$0xa] =	wrdreg s26  }
0x11: {  	v0 =	vmul.u32 $0x2, v0;
	s14 =	sadd.s32 s14, s15;
	[dreg:$0xb] =	wrdreg s28;
	s9 =	sadd.s32 s0, s12  }
0x12: {  	s10 =	sadd.s32 s3, s12;
	s11 =	sadd.s32 s5, s12;
	s12 =	sadd.s32 s6, s12  }
0x13: {  	vm0 =	vmmov $0xff;
	v1 =	vor.u32 $0x1, v0;
	s15 =	smax.u32 s16, $0x1;
	s0 =	simm.s32 $0xC800;
	s3 =	simm.s32 $0xE800  }
.LBB2_1:
0x14: {  	s5 =	rddreg [dreg:$0x9]  }
0x15: {  	[tilespmem:s4], [sflag:$0x1] =	stream.linear.gather [hbm4b:s5+s4], $0x40, $0x38;
	[tilespmem:$0x14C00] =	vst v63  }
0x16: {  	s7 =	rddreg [dreg:$0xa];
	s6 =	simm.s32 $0x200  }
0x17: {  	[tilespmem:s6], [sflag:$0x1] =	stream.linear.gather [hbm4b:s7+s4], $0x40, $0x38;
	[tilespmem:$0x14C00] =	vst v63  }
0x18: {  	s16 =	rddreg [dreg:$0xb];
	s7 =	simm.s32 $0x400  }
0x19: {  	[tilespmem:s7], [sflag:$0x1] =	stream.linear.gather [hbm4b:s16+s4], $0x40, $0x38;
	[tilespmem:$0x14C00] =	vst v63  }
0x1a: {  	s17 =	simm.s32 $0x600  }
0x1b: {  	[tilespmem:s17], [sflag:$0x1] =	stream.linear.gather [hbm4b:s8+s4], $0x40, $0x38;
	[tilespmem:$0x14C00] =	vst v63  }
0x1c: {  	_ =	swait.ge [sflag:s19], $0x40  }
0x1d: {  	[sflag:s19] =	ssyncset.done $0x0  }
0x1e: {  	[sflag:s19] =	ssyncadd.s32 $0xFFFFFFC0  }
0x1f: {  	_ =	swait.ge [sflag:s19], $0x40  }
0x20: {  	[sflag:s19] =	ssyncset.done $0x0  }
0x21: {  	[sflag:s19] =	ssyncadd.s32 $0xFFFFFFC0  }
0x22: {  	_ =	swait.ge [sflag:s19], $0x40  }
0x23: {  	[sflag:s19] =	ssyncset.done $0x0  }
0x24: {  	[sflag:s19] =	ssyncadd.s32 $0xFFFFFFC0  }
0x25: {  	_ =	swait.ge [sflag:s19], $0x40  }
0x26: {  	[sflag:s19] =	ssyncset.done $0x0  }
0x27: {  	s16 =	simm.s32 $0x800;
	[sflag:s19] =	ssyncadd.s32 $0xFFFFFFC0  }
0x28: {  	[tilespmem:s16], [sflag:$0x1] =	stream.indirect.gather [hbm4b:s1+s20], $0x80, s4, s20, $0xb8;
	[tilespmem:$0x14C00] =	vst v63  }
0x29: {  	s18 =	simm.s32 $0x2800  }
0x2a: {  	[tilespmem:s18], [sflag:$0x1] =	stream.indirect.gather [hbm4b:s2+s20], $0x80, s6, s20, $0xb8;
	[tilespmem:$0x14C00] =	vst v63  }
0x2b: {  	s21 =	simm.s32 $0x4800  }
0x2c: {  	[tilespmem:s21], [sflag:$0x1] =	stream.indirect.gather [hbm4b:s1+s20], $0x80, s7, s20, $0xb8;
	[tilespmem:$0x14C00] =	vst v63  }
0x2d: {  	s22 =	simm.s32 $0x6800  }
0x2e: {  	[tilespmem:s22], [sflag:$0x1] =	stream.indirect.gather [hbm4b:s1+s20], $0x80, s17, s20, $0xb8;
	[tilespmem:$0x14C00] =	vst v63  }
0x2f: {  	_ = 	snop  }
0x30: {  	[tilespmem:s20], [sflag:$0x2] =	stream.linear.gather [hbm4b:s9+s4], $0x1C0, $0x38;
	[tilespmem:$0x14C00] =	vst v63  }
0x31: {  	s24 =	simm.s32 $0x240  }
0x32: {  	[tilespmem:s24], [sflag:$0x2] =	stream.linear.gather [hbm4b:s10+s4], $0x1C0, $0x38;
	[tilespmem:$0x14C00] =	vst v63  }
0x33: {  	s25 =	simm.s32 $0x440  }
0x34: {  	[tilespmem:s25], [sflag:$0x2] =	stream.linear.gather [hbm4b:s11+s4], $0x1C0, $0x38;
	[tilespmem:$0x14C00] =	vst v63  }
0x35: {  	s26 =	simm.s32 $0x640  }
0x36: {  	[tilespmem:s26], [sflag:$0x2] =	stream.linear.gather [hbm4b:s12+s4], $0x1C0, $0x38;
	[tilespmem:$0x14C00] =	vst v63  }
0x37: {  	_ =	swait.ge [sflag:s29], $0x1C0  }
0x38: {  	[sflag:s29] =	ssyncset.done $0x0  }
0x39: {  	[sflag:s29] =	ssyncadd.s32 $0xFFFFFE40  }
0x3a: {  	_ =	swait.ge [sflag:s29], $0x1C0  }
0x3b: {  	[sflag:s29] =	ssyncset.done $0x0  }
0x3c: {  	[sflag:s29] =	ssyncadd.s32 $0xFFFFFE40  }
0x3d: {  	_ =	swait.ge [sflag:s29], $0x1C0  }
0x3e: {  	[sflag:s29] =	ssyncset.done $0x0  }
0x3f: {  	[sflag:s29] =	ssyncadd.s32 $0xFFFFFE40  }
0x40: {  	s28 =	simm.s32 $0x14800;
	_ =	swait.ge [sflag:s29], $0x1C0  }
0x41: {  	s21 =	simm.s32 $0x0;
	s24 =	simm.s32 $0x14A40;
	[sflag:s29] =	ssyncset.done $0x0  }
0x42: {  	s25 =	simm.s32 $0x14840;
	s26 =	simm.s32 $0x14A00;
	[sflag:s29] =	ssyncadd.s32 $0xFFFFFE40  }
.LBB2_2:
0x43: {  	s22 =	sshll.u32 s21, $0x7  }
0x44: {  	s5 =	sor.u32 $0x40, s22  }
0x45: {  	[tilespmem:s30], [sflag:$0x2] =	stream.indirect.gather [hbm4b:s1+s20], $0x80, s5, s20, $0xb8;
	[tilespmem:$0x14C00] =	vst v63  }
0x46: {  	s16 =	sadd.s32 $0x240, s22  }
0x47: {  	[tilespmem:s31], [sflag:$0x2] =	stream.indirect.gather [hbm4b:s2+s20], $0x80, s16, s20, $0xb8;
	[tilespmem:$0x14C00] =	vst v63  }
0x48: {  	s17 =	sadd.s32 $0x440, s22  }
0x49: {  	[tilespmem:s0], [sflag:$0x2] =	stream.indirect.gather [hbm4b:s1+s20], $0x80, s17, s20, $0xb8;
	[tilespmem:$0x14C00] =	vst v63  }
0x4a: {  	s18 =	sadd.s32 $0x640, s22  }
0x4b: {  	[tilespmem:s3], [sflag:$0x2] =	stream.indirect.gather [hbm4b:s1+s20], $0x80, s18, s20, $0xb8;
	[tilespmem:$0x14C00] =	vst v63  }
0x4c: {  	_ =	swait.ge [sflag:s19], $0x2000  }
0x4d: {  	[sflag:s19] =	ssyncset.done $0x0  }
0x4e: {  	[sflag:s19] =	ssyncadd.s32 $0xFFFFE000  }
0x4f: {  	_ =	swait.ge [sflag:s19], $0x2000  }
0x50: {  	[sflag:s19] =	ssyncset.done $0x0  }
0x51: {  	[sflag:s19] =	ssyncadd.s32 $0xFFFFE000  }
0x52: {  	_ =	swait.ge [sflag:s19], $0x2000  }
0x53: {  	[sflag:s19] =	ssyncset.done $0x0  }
0x54: {  	[sflag:s19] =	ssyncadd.s32 $0xFFFFE000  }
0x55: {  	_ =	swait.ge [sflag:s19], $0x2000  }
0x56: {  	[sflag:s19] =	ssyncset.done $0x0  }
0x57: {  	s5 =	simm.s32 $0x0;
	[sflag:s19] =	ssyncadd.s32 $0xFFFFE000  }
0x58: {  	v2 =	vld [tilespmem:s5+$0x6800]  }
0x59: {  	v3 =	vld [tilespmem:s5+$0x6810]  }
0x5a: {  	v4 =	vld [tilespmem:s5+$0x6820]  }
0x5b: {  	v5 =	vld [tilespmem:s5+$0x6830]  }
0x5c: {  	v6 =	vld [tilespmem:s5+$0x2800]  }
0x5d: {  	v7 =	vld [tilespmem:s5+$0x4800]  }
0x5e: {  	v15 =	vld [tilespmem:s5+$0x2810]  }
0x5f: {  	v22 =	vld [tilespmem:s5+$0x4810]  }
0x60: {  	v8 =	vld [tilespmem:s5+$0x2820]  }
0x61: {  	v9 =	vld [tilespmem:s5+$0x4820]  }
0x62: {  	v10 =	vld [tilespmem:s5+$0x2830]  }
0x63: {  	v13 =	vld [tilespmem:s5+$0x4830]  }
0x64: {  	v12 =	vld [tilespmem:s5+$0x2840]  }
0x65: {  	v14 =	vld [tilespmem:s5+$0x4840]  }
0x66: {  	v16 =	vld [tilespmem:s5+$0x2850]  }
0x67: {  	v18 =	vld [tilespmem:s5+$0x4850]  }
0x68: {  	v17 =	vld [tilespmem:s5+$0x2860]  }
0x69: {  	v19 =	vld [tilespmem:s5+$0x4860]  }
0x6a: {  	v20 =	vld [tilespmem:s5+$0x2870]  }
0x6b: {  	v21 =	vld [tilespmem:s5+$0x4870]  }
0x6c: {  	v11 =	vld [tilespmem:s5+$0x6840]  }
0x6d: {  	s6 =	simm.s32 $0x200;
	s16 =	simm.s32 $0x0;
	v6 =	vsub.f32 v6, v7;
	v7 =	vsub.f32 v15, v22;
	v15 =	vld [tilespmem:s5+$0x6850]  }
.LBB2_3:
0x6e: {  	p0 =	sne.s32 s6, $0x7E00;
	v8 =	vsub.f32 v8, v9;
	v9 =	vsub.f32 v10, v13;
	v10 =	vld [tilespmem:s5+$0x6860]  }
0x6f: {  	v12 =	vsub.f32 v12, v14;
	v13 =	vsub.f32 v16, v18;
	v14 =	vld [tilespmem:s5+$0x6870]  }
0x70: {  	v17 =	vsub.f32 v17, v19;
	v16 =	vld [tilespmem:s5+$0x800];
	v18 =	vsub.f32 v20, v21  }
0x71: {  	v2 =	vadd.f32 v2, v6;
	v3 =	vadd.f32 v3, v7;
	v19 =	vld [tilespmem:s5+$0x810]  }
0x72: {  	v4 =	vadd.f32 v4, v8;
	v5 =	vadd.f32 v5, v9;
	v20 =	vld [tilespmem:s5+$0x820]  }
0x73: {  	v11 =	vadd.f32 v11, v12;
	v15 =	vadd.f32 v15, v13;
	v21 =	vld [tilespmem:s5+$0x830]  }
0x74: {  	v2 =	vand.u32 $0x7FFFFFFF, v2;
	v10 =	vadd.f32 v10, v17;
	v22 =	vld [tilespmem:s5+$0x840];
	v14 =	vadd.f32 v14, v18  }
0x75: {  	v3 =	vand.u32 $0x7FFFFFFF, v3;
	v4 =	vand.u32 $0x7FFFFFFF, v4;
	v5 =	vand.u32 $0x7FFFFFFF, v5;
	v23 =	vld [tilespmem:s5+$0x850]  }
0x76: {  	v11 =	vand.u32 $0x7FFFFFFF, v11;
	v15 =	vand.u32 $0x7FFFFFFF, v15;
	v10 =	vand.u32 $0x7FFFFFFF, v10;
	v24 =	vld [tilespmem:s5+$0x860]  }
0x77: {  	s17 =	sshra.s32 s6, $0x2;
	v26 =	vadd.f32 v3, v2;
	v5 =	vadd.f32 v5, v4;
	v14 =	vand.u32 $0x7FFFFFFF, v14;
	v25 =	vld [tilespmem:s5+$0x870]  }
0x78: {  	v11 =	vadd.f32 v15, v11;
	v10 =	vadd.f32 v14, v10;
	v2 =	vld [tilespmem:s17+$0x6800]  }
0x79: {  	v6 =	vadd.f32 v6, v16;
	v7 =	vadd.f32 v7, v19;
	v3 =	vld [tilespmem:s17+$0x6810]  }
0x7a: {  	v14 =	vadd.f32 v5, v26;
	v10 =	vadd.f32 v10, v11;
	v4 =	vld [tilespmem:s17+$0x6820]  }
0x7b: {  	v6 =	vand.u32 $0x7FFFFFFF, v6;
	v8 =	vadd.f32 v8, v20;
	v9 =	vadd.f32 v9, v21;
	v5 =	vld [tilespmem:s17+$0x6830]  }
0x7c: {  	v7 =	vand.u32 $0x7FFFFFFF, v7;
	v11 =	vadd.f32 v12, v22;
	v10 =	vadd.f32 v10, v14;
	v15 =	vld [tilespmem:s17+$0x2800]  }
0x7d: {  	v12 =	vand.u32 $0x7FFFFFFF, v8;
	v8 =	vadd.f32 v13, v23;
	v13 =	vadd.f32 v17, v24;
	v22 =	vld [tilespmem:s17+$0x4800]  }
0x7e: {  	v9 =	vand.u32 $0x7FFFFFFF, v9;
	v11 =	vand.u32 $0x7FFFFFFF, v11;
	v14 =	vadd.f32 v18, v25;
	v23 =	vld [tilespmem:s17+$0x2810];
	[tilespmem:s5+$0x12800] =	vst v10  }
0x7f: {  	v6 =	vadd.f32 v7, v6;
	v13 =	vand.u32 $0x7FFFFFFF, v13;
	v10 =	vand.u32 $0x7FFFFFFF, v8;
	v24 =	vld [tilespmem:s17+$0x4810]  }
0x80: {  	v12 =	vadd.f32 v9, v12;
	v7 =	vand.u32 $0x7FFFFFFF, v14;
	v11 =	vadd.f32 v10, v11;
	v8 =	vld [tilespmem:s17+$0x2820]  }
0x81: {  	v7 =	vadd.f32 v7, v13;
	v9 =	vld [tilespmem:s17+$0x4820]  }
0x82: {  	v6 =	vadd.f32 v12, v6;
	v10 =	vld [tilespmem:s17+$0x2830]  }
0x83: {  	v7 =	vadd.f32 v7, v11;
	v13 =	vld [tilespmem:s17+$0x4830]  }
0x84: {  	v12 =	vld [tilespmem:s17+$0x2840]  }
0x85: {  	v6 =	vadd.f32 v7, v6;
	v14 =	vld [tilespmem:s17+$0x4840]  }
0x86: {  	v16 =	vld [tilespmem:s17+$0x2850]  }
0x87: {  	v18 =	vld [tilespmem:s17+$0x4850];
	[tilespmem:s5+$0x10800] =	vst v6;
	s5 =	smov.u32 s17  }
0x88: {  	v17 =	vld [tilespmem:s5+$0x2860]  }
.Ltmp0:
0x89: {  	v19 =	vld [tilespmem:s5+$0x4860];
	(pc) =	sbr.rel @p0 .LBB2_3-.Ltmp0, $4  }
0x8a: {  	v20 =	vld [tilespmem:s5+$0x2870]  }
0x8b: {  	v21 =	vld [tilespmem:s5+$0x4870]  }
0x8c: {  	v11 =	vld [tilespmem:s5+$0x6840]  }
0x8d: {  	s6 =	sadd.s32 $0x200, s6;
	v7 =	vsub.f32 v23, v24;
	v6 =	vsub.f32 v15, v22;
	v15 =	vld [tilespmem:s5+$0x6850]  }
0x8e: {  	v8 =	vsub.f32 v8, v9;
	v9 =	vsub.f32 v10, v13;
	v10 =	vld [tilespmem:s5+$0x6860]  }
0x8f: {  	v12 =	vsub.f32 v12, v14;
	v14 =	vld [tilespmem:s5+$0x6870]  }
0x90: {  	v13 =	vsub.f32 v16, v18;
	v16 =	vld [tilespmem:s5+$0x800];
	v17 =	vsub.f32 v17, v19  }
0x91: {  	v19 =	vld [tilespmem:s5+$0x810];
	v2 =	vadd.f32 v2, v6;
	v3 =	vadd.f32 v3, v7  }
0x92: {  	v22 =	vld [tilespmem:s5+$0x840];
	v18 =	vsub.f32 v20, v21;
	v4 =	vadd.f32 v4, v8  }
0x93: {  	v20 =	vld [tilespmem:s5+$0x820];
	v5 =	vadd.f32 v5, v9;
	v11 =	vadd.f32 v11, v12  }
0x94: {  	v21 =	vld [tilespmem:s5+$0x830];
	v2 =	vand.u32 $0x7FFFFFFF, v2;
	v3 =	vand.u32 $0x7FFFFFFF, v3;
	v15 =	vadd.f32 v15, v13  }
0x95: {  	v23 =	vld [tilespmem:s5+$0x850];
	v4 =	vand.u32 $0x7FFFFFFF, v4;
	v5 =	vand.u32 $0x7FFFFFFF, v5;
	v2 =	vadd.f32 v3, v2  }
0x96: {  	v24 =	vld [tilespmem:s5+$0x860];
	v10 =	vadd.f32 v10, v17;
	v14 =	vadd.f32 v14, v18;
	v11 =	vand.u32 $0x7FFFFFFF, v11  }
0x97: {  	v3 =	vld [tilespmem:s5+$0x870];
	v4 =	vadd.f32 v5, v4;
	v6 =	vadd.f32 v6, v16;
	v15 =	vand.u32 $0x7FFFFFFF, v15  }
0x98: {  	v7 =	vadd.f32 v7, v19;
	v10 =	vand.u32 $0x7FFFFFFF, v10;
	v5 =	vadd.f32 v15, v11  }
0x99: {  	v14 =	vand.u32 $0x7FFFFFFF, v14;
	v8 =	vadd.f32 v8, v20;
	v9 =	vadd.f32 v9, v21  }
0x9a: {  	v6 =	vand.u32 $0x7FFFFFFF, v6;
	v11 =	vadd.f32 v12, v22;
	v12 =	vadd.f32 v13, v23  }
0x9b: {  	v7 =	vand.u32 $0x7FFFFFFF, v7;
	v13 =	vadd.f32 v17, v24;
	v10 =	vadd.f32 v14, v10  }
0x9c: {  	v6 =	vadd.f32 v7, v6;
	v8 =	vand.u32 $0x7FFFFFFF, v8;
	v3 =	vadd.f32 v18, v3  }
0x9d: {  	v9 =	vand.u32 $0x7FFFFFFF, v9;
	v11 =	vand.u32 $0x7FFFFFFF, v11;
	v12 =	vand.u32 $0x7FFFFFFF, v12  }
0x9e: {  	v13 =	vand.u32 $0x7FFFFFFF, v13;
	v7 =	vadd.f32 v9, v8;
	v3 =	vand.u32 $0x7FFFFFFF, v3  }
0x9f: {  	v8 =	vadd.f32 v12, v11;
	v3 =	vadd.f32 v3, v13  }
0xa0: {  	v2 =	vadd.f32 v4, v2;
	v4 =	vadd.f32 v10, v5  }
0xa1: {  	v5 =	vadd.f32 v7, v6;
	v3 =	vadd.f32 v3, v8  }
0xa2: {  	v2 =	vadd.f32 v4, v2  }
0xa3: {  	v3 =	vadd.f32 v3, v5  }
0xa4: {  	[tilespmem:s5+$0x12800] =	vst v2  }
0xa5: {  	s17 =	simm.s32 $0x12C00;
	[tilespmem:s5+$0x10800] =	vst v3  }
0xa6: {  	v2 =	vld [tilespmem:s17+$0x0]  }
0xa7: {  	v3 =	vld [tilespmem:s17+$0x80]  }
0xa8: {  	v4 =	vld [tilespmem:s17+$0x100]  }
0xa9: {  	s18 =	simm.s32 $0x10C00;
	v7 =	vld [tilespmem:s17+$0x300]  }
0xaa: {  	v16 =	vld [tilespmem:s18+$0xFFFFFF80]  }
0xab: {  	v5 =	vld [tilespmem:s17+$0x180];
	v8 =	vperm.xlane v2, v1  }
0xac: {  	v6 =	vld [tilespmem:s17+$0x380];
	v2 =	vperm.xlane v2, v0;
	v10 =	vperm.xlane v3, v0  }
0xad: {  	v9 =	vld [tilespmem:s17+$0x280];
	v3 =	vperm.xlane v3, v1;
	v12 =	vperm.xlane v4, v1  }
0xae: {  	v11 =	vld [tilespmem:s17+$0x200];
	v4 =	vperm.xlane v4, v0;
	v13 =	vperm.xlane v7, v0  }
0xaf: {  	v7 =	vperm.xlane v7, v1;
	v22 =	vperm.xlane v16, v0  }
0xb0: {  	v2 =	vsel vm0, v2, v10;
	v10 =	vperm.xlane v5, v0;
	v5 =	vperm.xlane v5, v1  }
0xb1: {  	v3 =	vsel vm0, v8, v3;
	v8 =	vperm.xlane v6, v1;
	v6 =	vperm.xlane v6, v0  }
0xb2: {  	v2 =	vadd.f32 v3, v2;
	v3 =	vsel vm0, v4, v10;
	v4 =	vperm.xlane v9, v0  }
0xb3: {  	v10 =	vperm.xlane v11, v0;
	v5 =	vsel vm0, v12, v5;
	v9 =	vperm.xlane v9, v1  }
0xb4: {  	v6 =	vsel vm0, v13, v6;
	v11 =	vperm.xlane v11, v1;
	v12 =	vperm.xlane v2, v0  }
0xb5: {  	v13 =	vld [tilespmem:s18+$0x0];
	v3 =	vadd.f32 v5, v3;
	v2 =	vperm.xlane v2, v1;
	v5 =	vsel vm0, v7, v8  }
0xb6: {  	v4 =	vsel vm0, v10, v4;
	v7 =	vsel vm0, v11, v9;
	v5 =	vadd.f32 v5, v6  }
0xb7: {  	v9 =	vld [tilespmem:s18+$0x280];
	v6 =	vperm.xlane v3, v0;
	v3 =	vperm.xlane v3, v1;
	v4 =	vadd.f32 v7, v4  }
0xb8: {  	v10 =	vld [tilespmem:s18+$0x80];
	v7 =	vperm.xlane v5, v0;
	v5 =	vperm.xlane v5, v1  }
0xb9: {  	v8 =	vperm.xlane v4, v0;
	v4 =	vperm.xlane v4, v1  }
0xba: {  	v6 =	vsel vm0, v12, v6;
	v2 =	vsel vm0, v2, v3;
	v21 =	vperm.xlane v13, v0  }
0xbb: {  	v17 =	vld [tilespmem:s18+$0xFFFFFF00];
	v13 =	vperm.xlane v13, v1;
	v2 =	vadd.f32 v2, v6;
	v3 =	vsel vm0, v8, v7  }
0xbc: {  	v6 =	vld [tilespmem:s18+$0x100];
	v4 =	vsel vm0, v4, v5;
	v14 =	vperm.xlane v9, v0;
	v9 =	vperm.xlane v9, v1  }
0xbd: {  	v20 =	vperm.xlane v10, v0;
	v10 =	vperm.xlane v10, v1;
	v3 =	vadd.f32 v4, v3;
	v4 =	vld [tilespmem:s18+$0x180]  }
0xbe: {  	v5 =	vld [tilespmem:s18+$0xFFFFFC00];
	v7 =	vperm.xlane v2, v0;
	v12 =	vperm.xlane v2, v1  }
0xbf: {  	v10 =	vsel vm0, v13, v10;
	v13 =	vperm.xlane v16, v1;
	v8 =	vperm.xlane v3, v0  }
0xc0: {  	v23 =	vld [tilespmem:s18+$0xFFFFFC80];
	v20 =	vsel vm0, v21, v20;
	v16 =	vperm.xlane v17, v0;
	v11 =	vperm.xlane v3, v1  }
0xc1: {  	v10 =	vadd.f32 v10, v20;
	v19 =	vperm.xlane v6, v0;
	v7 =	vsel vm0, v7, v8;
	v8 =	vld [tilespmem:s18+$0xFFFFFE80]  }
0xc2: {  	v6 =	vperm.xlane v6, v1;
	v11 =	vsel vm0, v12, v11;
	v12 =	vld [tilespmem:s18+$0xFFFFFE00];
	v18 =	vperm.xlane v4, v0  }
0xc3: {  	v2 =	vmov s28;
	v21 =	vld [tilespmem:s18+$0xFFFFFD80];
	v15 =	vperm.xlane v5, v0;
	v4 =	vperm.xlane v4, v1  }
0xc4: {  	v5 =	vperm.xlane v5, v1;
	v25 =	vperm.xlane v10, v0;
	v18 =	vsel vm0, v19, v18;
	v19 =	vld [tilespmem:s18+$0xFFFFFD00]  }
0xc5: {  	v10 =	vperm.xlane v10, v1;
	v4 =	vsel vm0, v6, v4;
	v6 =	vperm.xlane v17, v1;
	v17 =	vld [tilespmem:s18+$0x200]  }
0xc6: {  	v18 =	vadd.f32 v4, v18;
	v4 =	vsel vm0, v16, v22;
	v22 =	vperm.xlane v23, v1  }
0xc7: {  	v20 =	vperm.xlane v8, v0;
	v24 =	vperm.xlane v12, v1;
	v6 =	vsel vm0, v6, v13  }
0xc8: {  	v12 =	vperm.xlane v12, v0;
	v13 =	vperm.xlane v18, v0;
	v6 =	vadd.f32 v6, v4  }
0xc9: {  	v4 =	vadd.f32 v11, v7;
	v11 =	vperm.xlane v23, v0;
	v23 =	vperm.xlane v21, v1  }
0xca: {  	v26 =	vld [tilespmem:s18+$0x380];
	v22 =	vsel vm0, v5, v22;
	v16 =	vperm.xlane v19, v1;
	v7 =	vperm.xlane v17, v1  }
0xcb: {  	v12 =	vsel vm0, v12, v20;
	v19 =	vperm.xlane v19, v0;
	v5 =	vperm.xlane v6, v0  }
0xcc: {  	v17 =	vperm.xlane v17, v0;
	v13 =	vsel vm0, v25, v13;
	v27 =	vsel vm0, v7, v9  }
0xcd: {  	v28 =	vld [tilespmem:s18+$0x300];
	v7 =	vsel vm0, v15, v11;
	v9 =	vperm.xlane v21, v0;
	v11 =	vperm.xlane v8, v1  }
0xce: {  	v20 =	vld [tilespmem:s17+$0xFFFFFD80];
	v15 =	vperm.xlane v6, v1;
	v6 =	vperm.xlane v18, v1;
	v16 =	vsel vm0, v16, v23  }
0xcf: {  	v8 =	vld [tilespmem:s17+$0xFFFFFE80];
	v7 =	vadd.f32 v22, v7;
	v9 =	vsel vm0, v19, v9;
	v19 =	vperm.xlane v26, v0  }
0xd0: {  	v6 =	vsel vm0, v10, v6;
	v11 =	vsel vm0, v24, v11;
	v24 =	vperm.xlane v26, v1  }
0xd1: {  	v18 =	vperm.xlane v7, v0;
	v16 =	vadd.f32 v16, v9;
	v23 =	vperm.xlane v7, v1  }
0xd2: {  	v25 =	vld [tilespmem:s17+$0xFFFFFC00];
	v9 =	vadd.f32 v6, v13;
	v6 =	vsel vm0, v17, v14;
	v13 =	vperm.xlane v28, v1  }
0xd3: {  	v14 =	vperm.xlane v20, v1;
	v20 =	vperm.xlane v20, v0;
	v21 =	vadd.f32 v27, v6  }
0xd4: {  	v27 =	vadd.f32 v11, v12;
	v11 =	vperm.xlane v28, v0;
	v7 =	vperm.xlane v8, v1  }
0xd5: {  	v3 =	vmov s26;
	v17 =	vld [tilespmem:s17+$0xFFFFFD00];
	v10 =	vperm.xlane v8, v0;
	v6 =	vperm.xlane v9, v0  }
0xd6: {  	v22 =	vperm.xlane v16, v0;
	v26 =	vperm.xlane v16, v1;
	v12 =	vsel vm0, v13, v24  }
0xd7: {  	v8 =	vld [tilespmem:s17+$0xFFFFFC80];
	v13 =	vperm.xlane v25, v1;
	v25 =	vperm.xlane v25, v0;
	v11 =	vsel vm0, v11, v19  }
0xd8: {  	v16 =	vperm.xlane v21, v0;
	v63 =	vperm.xlane v27, v1;
	v30 =	vadd.f32 v12, v11;
	v12 =	vld [tilespmem:s17+$0xFFFFFE00]  }
0xd9: {  	v24 =	vsel vm0, v18, v22;
	v18 =	vperm.xlane v21, v1;
	v23 =	vsel vm0, v23, v26  }
0xda: {  	v29 =	vperm.xlane v17, v0;
	v22 =	vperm.xlane v17, v1;
	v11 =	vsel vm0, v63, v15  }
0xdb: {  	v15 =	vld [tilespmem:s17+$0xFFFFFF80];
	v23 =	vadd.f32 v23, v24;
	v26 =	vperm.xlane v30, v0;
	v24 =	vperm.xlane v30, v1  }
0xdc: {  	s5 =	simm.s32 $0x40;
	v17 =	vld [tilespmem:s17+$0xFFFFFF00];
	v21 =	vperm.xlane v8, v0;
	v19 =	vsel vm0, v29, v20;
	v20 =	vperm.xlane v27, v0  }
.LBB2_5:
0xdd: {  	p0 =	sne.s32 s5, $0xC0;
	v27 =	vperm.xlane v12, v0;
	v12 =	vperm.xlane v12, v1;
	v16 =	vsel vm0, v16, v26;
	s18 =	sadd.s32 $0x800, s18;
	s17 =	sadd.s32 $0x800, s17  }
0xde: {  	v14 =	vsel vm0, v22, v14;
	s6 =	smov.u32 s5;
	s5 =	sadd.s32 $0x40, s5;
	v26 =	vld [tilespmem:s17+$0x0];
	v21 =	vsel vm0, v25, v21;
	v22 =	vperm.xlane v23, v1  }
0xdf: {  	v9 =	vperm.xlane v9, v1;
	v23 =	vperm.xlane v23, v0;
	v18 =	vsel vm0, v18, v24  }
0xe0: {  	v5 =	vsel vm0, v20, v5;
	v14 =	vadd.f32 v14, v19;
	v10 =	vsel vm0, v27, v10  }
0xe1: {  	v8 =	vperm.xlane v8, v1;
	v7 =	vsel vm0, v12, v7;
	v12 =	vperm.xlane v15, v0  }
0xe2: {  	v15 =	vperm.xlane v15, v1;
	v7 =	vadd.f32 v7, v10;
	v10 =	vperm.xlane v17, v1  }
0xe3: {  	v8 =	vsel vm0, v13, v8;
	v13 =	vperm.xlane v17, v0;
	v19 =	vperm.xlane v26, v1  }
0xe4: {  	v8 =	vadd.f32 v8, v21;
	v17 =	vperm.xlane v14, v1;
	v20 =	vperm.xlane v7, v0  }
0xe5: {  	v12 =	vsel vm0, v13, v12;
	v7 =	vperm.xlane v7, v1;
	v13 =	vadd.f32 v18, v16  }
0xe6: {  	v5 =	vadd.f32 v11, v5;
	v16 =	vperm.xlane v8, v0;
	v10 =	vsel vm0, v10, v15  }
0xe7: {  	v10 =	vadd.f32 v10, v12;
	v11 =	vperm.xlane v13, v0;
	v12 =	vperm.xlane v13, v1  }
0xe8: {  	v8 =	vperm.xlane v8, v1;
	v13 =	vperm.xlane v5, v0  }
0xe9: {  	v15 =	vperm.xlane v10, v0;
	v10 =	vperm.xlane v10, v1;
	v6 =	vsel vm0, v6, v11  }
0xea: {  	v5 =	vperm.xlane v5, v1;
	v11 =	vperm.xlane v14, v0;
	v13 =	vsel vm0, v23, v13  }
0xeb: {  	v8 =	vsel vm0, v8, v17;
	v9 =	vsel vm0, v9, v12;
	v14 =	vsel vm0, v20, v15  }
0xec: {  	v5 =	vsel vm0, v22, v5;
	v7 =	vsel vm0, v7, v10;
	v11 =	vsel vm0, v16, v11;
	v12 =	vld [tilespmem:s17+$0x80]  }
0xed: {  	v5 =	vadd.f32 v5, v13;
	v13 =	vperm.xlane v4, v1;
	v7 =	vadd.f32 v7, v14;
	v10 =	vld [tilespmem:s17+$0x100]  }
0xee: {  	v6 =	vadd.f32 v9, v6;
	v4 =	vperm.xlane v4, v0;
	v8 =	vadd.f32 v8, v11;
	v14 =	vld [tilespmem:s17+$0x180]  }
0xef: {  	v9 =	vperm.xlane v26, v0;
	v15 =	vperm.xlane v7, v0;
	v11 =	vld [tilespmem:s17+$0x380]  }
0xf0: {  	v17 =	vperm.xlane v5, v0;
	v7 =	vperm.xlane v7, v1;
	v16 =	vld [tilespmem:s17+$0x300]  }
0xf1: {  	v21 =	vperm.xlane v6, v1;
	v18 =	vperm.xlane v12, v0;
	v20 =	vld [tilespmem:s17+$0x280]  }
0xf2: {  	v12 =	vperm.xlane v12, v1;
	v22 =	vperm.xlane v10, v1;
	v23 =	vld [tilespmem:s17+$0x200]  }
0xf3: {  	v10 =	vperm.xlane v10, v0;
	v9 =	vsel vm0, v9, v18;
	v18 =	vperm.xlane v14, v0  }
0xf4: {  	v12 =	vsel vm0, v19, v12;
	v14 =	vperm.xlane v14, v1;
	v19 =	vperm.xlane v11, v1  }
0xf5: {  	v11 =	vperm.xlane v11, v0;
	v10 =	vsel vm0, v10, v18;
	v18 =	vperm.xlane v16, v0  }
0xf6: {  	v24 =	vperm.xlane v8, v0;
	v9 =	vadd.f32 v12, v9;
	v12 =	vperm.xlane v20, v0  }
0xf7: {  	v5 =	vperm.xlane v5, v1;
	v14 =	vsel vm0, v22, v14;
	v22 =	vperm.xlane v23, v0  }
0xf8: {  	v8 =	vperm.xlane v8, v1;
	v25 =	vperm.xlane v9, v0;
	v11 =	vsel vm0, v18, v11  }
0xf9: {  	v6 =	vperm.xlane v6, v0;
	v10 =	vadd.f32 v14, v10;
	v9 =	vperm.xlane v9, v1  }
0xfa: {  	v16 =	vperm.xlane v16, v1;
	v14 =	vperm.xlane v20, v1;
	v12 =	vsel vm0, v22, v12  }
0xfb: {  	v15 =	vsel vm0, v24, v15;
	v7 =	vsel vm0, v8, v7;
	v18 =	vperm.xlane v10, v0  }
0xfc: {  	v7 =	vadd.f32 v7, v15;
	v8 =	vperm.xlane v10, v1;
	v10 =	vperm.xlane v23, v1  }
0xfd: {  	v6 =	vsel vm0, v17, v6;
	v5 =	vsel vm0, v5, v21;
	v15 =	vsel vm0, v25, v18  }
0xfe: {  	v8 =	vsel vm0, v9, v8;
	v9 =	vsel vm0, v10, v14;
	v10 =	vperm.xlane v7, v0  }
0xff: {  	v5 =	vadd.f32 v5, v6;
	v14 =	vsel vm0, v16, v19;
	v8 =	vadd.f32 v8, v15  }
0x100: {  	s7 =	sshra.s32 s16, $0x2;
	s16 =	smov.u32 s6;
	v7 =	vperm.xlane v7, v1;
	v6 =	vadd.f32 v9, v12;
	v9 =	vadd.f32 v14, v11  }
0x101: {  	v4 =	vsel vm0, v10, v4;
	v11 =	vperm.xlane v8, v0;
	[tilespmem:v2+s7+$0x0 ss:$0x1] =	vst.idx.msk $0xffff, v5  }
0x102: {  	v7 =	vsel vm0, v7, v13;
	v5 =	vperm.xlane v9, v0;
	v9 =	vperm.xlane v9, v1  }
0x103: {  	v10 =	vperm.xlane v6, v0;
	v6 =	vperm.xlane v6, v1;
	v4 =	vadd.f32 v7, v4;
	_ =	sdelay $0x1  }
0x104: {  	v5 =	vsel vm0, v10, v5;
	v6 =	vsel vm0, v6, v9;
	v7 =	vld [tilespmem:s18+$0x280];
	[tilespmem:v3+s7+$0x0 ss:$0x1] =	vst.idx.msk $0xffff, v4  }
0x105: {  	v5 =	vadd.f32 v6, v5;
	v4 =	vld [tilespmem:s18+$0xFFFFFC00]  }
0x106: {  	v6 =	vld [tilespmem:s18+$0x180]  }
0x107: {  	v10 =	vperm.xlane v5, v0;
	v5 =	vperm.xlane v5, v1;
	v9 =	vld [tilespmem:s18+$0x100]  }
0x108: {  	v8 =	vperm.xlane v8, v1;
	v12 =	vld [tilespmem:s18+$0x80]  }
0x109: {  	v10 =	vsel vm0, v11, v10;
	v13 =	vld [tilespmem:s18+$0x0];
	v14 =	vperm.xlane v7, v0;
	v7 =	vperm.xlane v7, v1  }
0x10a: {  	v11 =	vperm.xlane v4, v0;
	v15 =	vperm.xlane v4, v1;
	v16 =	vld [tilespmem:s18+$0xFFFFFF80];
	v4 =	vsel vm0, v8, v5  }
0x10b: {  	v5 =	vld [tilespmem:s18+$0xFFFFFF00];
	v8 =	vperm.xlane v6, v0;
	v6 =	vperm.xlane v6, v1;
	v4 =	vadd.f32 v4, v10  }
0x10c: {  	v10 =	vld [tilespmem:s18+$0xFFFFFE80];
	v17 =	vperm.xlane v9, v0;
	v9 =	vperm.xlane v9, v1  }
0x10d: {  	v18 =	vld [tilespmem:s18+$0xFFFFFE00];
	v19 =	vperm.xlane v12, v0;
	v12 =	vperm.xlane v12, v1  }
0x10e: {  	v20 =	vld [tilespmem:s18+$0xFFFFFD80];
	v21 =	vperm.xlane v13, v0;
	v13 =	vperm.xlane v13, v1;
	v8 =	vsel vm0, v17, v8  }
0x10f: {  	v6 =	vsel vm0, v9, v6;
	v17 =	vld [tilespmem:s18+$0xFFFFFD00];
	v22 =	vperm.xlane v16, v0;
	v16 =	vperm.xlane v16, v1  }
0x110: {  	v9 =	vld [tilespmem:s18+$0xFFFFFC80];
	v23 =	vperm.xlane v5, v0;
	v19 =	vsel vm0, v21, v19;
	v12 =	vsel vm0, v13, v12  }
0x111: {  	v6 =	vadd.f32 v6, v8;
	v5 =	vperm.xlane v5, v1;
	v12 =	vadd.f32 v12, v19;
	v8 =	vld [tilespmem:s18+$0x200]  }
0x112: {  	v13 =	vperm.xlane v10, v0;
	v19 =	vperm.xlane v18, v1;
	v21 =	vsel vm0, v23, v22  }
0x113: {  	v5 =	vsel vm0, v5, v16;
	v16 =	vperm.xlane v12, v0;
	v22 =	vperm.xlane v12, v1  }
0x114: {  	v23 =	vperm.xlane v6, v0;
	v12 =	vperm.xlane v17, v1  }
0x115: {  	v18 =	vperm.xlane v18, v0;
	v21 =	vadd.f32 v5, v21;
	v24 =	vperm.xlane v9, v1  }
0x116: {  	v17 =	vperm.xlane v17, v0;
	v25 =	vperm.xlane v8, v1  }
0x117: {  	v9 =	vperm.xlane v9, v0;
	v15 =	vsel vm0, v15, v24;
	v24 =	vperm.xlane v20, v1;
	v26 =	vld [tilespmem:s18+$0x380]  }
0x118: {  	v5 =	vperm.xlane v21, v0;
	v27 =	vperm.xlane v8, v0;
	v25 =	vsel vm0, v25, v7;
	v28 =	vld [tilespmem:s18+$0x300]  }
0x119: {  	v8 =	vperm.xlane v20, v0;
	v7 =	vsel vm0, v11, v9;
	v11 =	vsel vm0, v18, v13  }
0x11a: {  	v9 =	vperm.xlane v10, v1;
	v7 =	vadd.f32 v15, v7;
	v15 =	vperm.xlane v21, v1;
	v10 =	vld [tilespmem:s17+$0xFFFFFE80]  }
0x11b: {  	v6 =	vperm.xlane v6, v1;
	v13 =	vsel vm0, v12, v24;
	v12 =	vld [tilespmem:s17+$0xFFFFFE00]  }
0x11c: {  	v8 =	vsel vm0, v17, v8;
	v17 =	vperm.xlane v7, v0;
	v18 =	vld [tilespmem:s17+$0xFFFFFD80];
	v20 =	vperm.xlane v26, v0  }
0x11d: {  	v16 =	vsel vm0, v16, v23;
	v6 =	vsel vm0, v22, v6;
	v13 =	vadd.f32 v13, v8;
	v24 =	vld [tilespmem:s17+$0xFFFFFD00]  }
0x11e: {  	v19 =	vsel vm0, v19, v9;
	v9 =	vadd.f32 v6, v16;
	v23 =	vperm.xlane v7, v1;
	v8 =	vld [tilespmem:s17+$0xFFFFFC80]  }
0x11f: {  	v6 =	vsel vm0, v27, v14;
	v21 =	vperm.xlane v28, v1;
	v29 =	vld [tilespmem:s17+$0xFFFFFC00];
	v7 =	vperm.xlane v10, v1  }
0x120: {  	v22 =	vadd.f32 v25, v6;
	v6 =	vperm.xlane v9, v0;
	v10 =	vperm.xlane v10, v0  }
0x121: {  	v25 =	vperm.xlane v13, v0;
	v26 =	vperm.xlane v26, v1  }
0x122: {  	v30 =	vadd.f32 v19, v11;
	v27 =	vperm.xlane v13, v1;
	v16 =	vperm.xlane v22, v0  }
0x123: {  	v11 =	vperm.xlane v28, v0;
	v13 =	vsel vm0, v21, v26;
	v14 =	vperm.xlane v18, v1  }
0x124: {  	v28 =	vsel vm0, v17, v25;
	v25 =	vperm.xlane v30, v1;
	v17 =	vperm.xlane v18, v0  }
.Ltmp1:
0x125: {  	v11 =	vsel vm0, v11, v20;
	v18 =	vperm.xlane v22, v1;
	v19 =	vperm.xlane v24, v0;
	(pc) =	sbr.rel @p0 .LBB2_5-.Ltmp1, $4  }
0x126: {  	v22 =	vperm.xlane v24, v1;
	v24 =	vadd.f32 v13, v11;
	v21 =	vperm.xlane v8, v0  }
0x127: {  	v11 =	vsel vm0, v25, v15;
	v13 =	vperm.xlane v29, v1;
	v19 =	vsel vm0, v19, v17;
	v15 =	vld [tilespmem:s17+$0xFFFFFF80]  }
0x128: {  	v23 =	vsel vm0, v23, v27;
	v20 =	vperm.xlane v30, v0;
	v26 =	vperm.xlane v24, v0;
	v17 =	vld [tilespmem:s17+$0xFFFFFF00]  }
0x129: {  	v23 =	vadd.f32 v23, v28;
	v25 =	vperm.xlane v29, v0;
	v24 =	vperm.xlane v24, v1  }
0x12a: {  	v27 =	vperm.xlane v12, v0  }
0x12b: {  	v12 =	vperm.xlane v12, v1;
	v16 =	vsel vm0, v16, v26;
	v14 =	vsel vm0, v22, v14  }
0x12c: {  	v9 =	vperm.xlane v9, v1;
	v8 =	vperm.xlane v8, v1;
	v5 =	vsel vm0, v20, v5  }
0x12d: {  	v21 =	vsel vm0, v25, v21;
	v22 =	vperm.xlane v23, v1;
	v18 =	vsel vm0, v18, v24  }
0x12e: {  	v14 =	vadd.f32 v14, v19;
	v10 =	vsel vm0, v27, v10;
	v7 =	vsel vm0, v12, v7  }
0x12f: {  	v12 =	vperm.xlane v15, v0;
	v8 =	vsel vm0, v13, v8;
	v13 =	vperm.xlane v15, v1  }
0x130: {  	v16 =	vadd.f32 v18, v16;
	v7 =	vadd.f32 v7, v10;
	v10 =	vperm.xlane v17, v1  }
0x131: {  	v5 =	vadd.f32 v11, v5;
	v15 =	vperm.xlane v17, v0;
	v17 =	vperm.xlane v14, v1  }
0x132: {  	v8 =	vadd.f32 v8, v21;
	v14 =	vperm.xlane v14, v0;
	v11 =	vperm.xlane v16, v1  }
0x133: {  	v19 =	vperm.xlane v7, v0;
	v12 =	vsel vm0, v15, v12;
	v10 =	vsel vm0, v10, v13  }
0x134: {  	v7 =	vperm.xlane v7, v1;
	v13 =	vperm.xlane v8, v0;
	v10 =	vadd.f32 v10, v12  }
0x135: {  	v8 =	vperm.xlane v8, v1;
	v12 =	vperm.xlane v16, v0  }
0x136: {  	v15 =	vperm.xlane v10, v0;
	v10 =	vperm.xlane v10, v1  }
0x137: {  	v16 =	vperm.xlane v5, v0;
	v5 =	vperm.xlane v5, v1  }
0x138: {  	v6 =	vsel vm0, v6, v12;
	v12 =	vsel vm0, v19, v15;
	v7 =	vsel vm0, v7, v10  }
0x139: {  	v8 =	vsel vm0, v8, v17;
	v10 =	vsel vm0, v13, v14;
	v7 =	vadd.f32 v7, v12  }
0x13a: {  	v23 =	vperm.xlane v23, v0;
	v9 =	vsel vm0, v9, v11;
	v8 =	vadd.f32 v8, v10  }
0x13b: {  	v5 =	vsel vm0, v22, v5;
	v10 =	vperm.xlane v7, v0;
	v7 =	vperm.xlane v7, v1  }
0x13c: {  	v12 =	vsel vm0, v23, v16;
	v11 =	vperm.xlane v8, v0;
	v8 =	vperm.xlane v8, v1  }
0x13d: {  	v6 =	vadd.f32 v9, v6;
	v5 =	vadd.f32 v5, v12;
	v12 =	vperm.xlane v4, v1  }
0x13e: {  	v4 =	vperm.xlane v4, v0;
	v9 =	vsel vm0, v11, v10;
	v7 =	vsel vm0, v8, v7  }
0x13f: {  	v8 =	vperm.xlane v5, v0;
	v10 =	vperm.xlane v6, v1;
	v7 =	vadd.f32 v7, v9  }
0x140: {  	v5 =	vperm.xlane v5, v1;
	v6 =	vperm.xlane v6, v0  }
0x141: {  	v9 =	vperm.xlane v7, v0;
	v7 =	vperm.xlane v7, v1  }
0x142: {  	v6 =	vsel vm0, v8, v6;
	v5 =	vsel vm0, v5, v10  }
0x143: {  	v5 =	vadd.f32 v5, v6;
	v4 =	vsel vm0, v9, v4;
	v6 =	vsel vm0, v7, v12  }
0x144: {  	s5 =	sshra.s32 s16, $0x2;
	v4 =	vadd.f32 v6, v4  }
0x145: {  	p0 =	seq.s32 s21, $0x3;
	[tilespmem:v2+s5+$0x0 ss:$0x1] =	vst.idx.msk $0xffff, v5  }
0x146: {  	s6 =	simm.s32 @!p0 $0x40;
	s7 =	simm.s32 @!p0 $0x800;
	[tilespmem:v3+s5+$0x0 ss:$0x1] =	vst.idx.msk $0xffff, v4;
	s5 =	sadd.s32 @!p0 $0x80, s22  }
0x147: {  	[tilespmem:s7], [sflag:$0x1] =	stream.indirect.gather @!p0 [hbm4b:s1+s6], $0x80, s5, s6, $0xb8;
	[tilespmem:$0x14C00] =	vst v63  }
0x148: {  	s5 =	sadd.s32 @!p0 $0x280, s22;
	s7 =	simm.s32 @!p0 $0x2800  }
0x149: {  	[tilespmem:s7], [sflag:$0x1] =	stream.indirect.gather @!p0 [hbm4b:s2+s6], $0x80, s5, s6, $0xb8;
	[tilespmem:$0x14C00] =	vst v63  }
0x14a: {  	s5 =	sadd.s32 @!p0 $0x480, s22;
	s7 =	simm.s32 @!p0 $0x4800  }
0x14b: {  	[tilespmem:s7], [sflag:$0x1] =	stream.indirect.gather @!p0 [hbm4b:s1+s6], $0x80, s5, s6, $0xb8;
	[tilespmem:$0x14C00] =	vst v63  }
0x14c: {  	s5 =	sadd.s32 @!p0 $0x680, s22;
	s7 =	simm.s32 @!p0 $0x6800  }
0x14d: {  	[tilespmem:s7], [sflag:$0x1] =	stream.indirect.gather @!p0 [hbm4b:s1+s6], $0x80, s5, s6, $0xb8;
	[tilespmem:$0x14C00] =	vst v63  }
0x14e: {  	_ =	swait.ge [sflag:s29], $0x2000  }
0x14f: {  	[sflag:s29] =	ssyncset.done $0x0  }
0x150: {  	[sflag:s29] =	ssyncadd.s32 $0xFFFFE000  }
0x151: {  	_ =	swait.ge [sflag:s29], $0x2000  }
0x152: {  	[sflag:s29] =	ssyncset.done $0x0  }
0x153: {  	[sflag:s29] =	ssyncadd.s32 $0xFFFFE000  }
0x154: {  	_ =	swait.ge [sflag:s29], $0x2000  }
0x155: {  	[sflag:s29] =	ssyncset.done $0x0  }
0x156: {  	[sflag:s29] =	ssyncadd.s32 $0xFFFFE000  }
0x157: {  	_ =	swait.ge [sflag:s29], $0x2000  }
0x158: {  	[sflag:s29] =	ssyncset.done $0x0  }
0x159: {  	s5 =	simm.s32 $0x0;
	[sflag:s29] =	ssyncadd.s32 $0xFFFFE000  }
0x15a: {  	v2 =	vld [tilespmem:s5+$0xE800]  }
0x15b: {  	v3 =	vld [tilespmem:s5+$0xE810]  }
0x15c: {  	v4 =	vld [tilespmem:s5+$0xE820]  }
0x15d: {  	v5 =	vld [tilespmem:s5+$0xE830]  }
0x15e: {  	v6 =	vld [tilespmem:s5+$0xA800]  }
0x15f: {  	v7 =	vld [tilespmem:s5+$0xC800]  }
0x160: {  	v15 =	vld [tilespmem:s5+$0xA810]  }
0x161: {  	v22 =	vld [tilespmem:s5+$0xC810]  }
0x162: {  	v8 =	vld [tilespmem:s5+$0xA820]  }
0x163: {  	v9 =	vld [tilespmem:s5+$0xC820]  }
0x164: {  	v10 =	vld [tilespmem:s5+$0xA830]  }
0x165: {  	v13 =	vld [tilespmem:s5+$0xC830]  }
0x166: {  	v12 =	vld [tilespmem:s5+$0xA840]  }
0x167: {  	v14 =	vld [tilespmem:s5+$0xC840]  }
0x168: {  	v16 =	vld [tilespmem:s5+$0xA850]  }
0x169: {  	v18 =	vld [tilespmem:s5+$0xC850]  }
0x16a: {  	v17 =	vld [tilespmem:s5+$0xA860]  }
0x16b: {  	v19 =	vld [tilespmem:s5+$0xC860]  }
0x16c: {  	v20 =	vld [tilespmem:s5+$0xA870]  }
0x16d: {  	v21 =	vld [tilespmem:s5+$0xC870]  }
0x16e: {  	v11 =	vld [tilespmem:s5+$0xE840]  }
0x16f: {  	s16 =	simm.s32 $0x0;
	s6 =	simm.s32 $0x200;
	v6 =	vsub.f32 v6, v7;
	v7 =	vsub.f32 v15, v22;
	v15 =	vld [tilespmem:s5+$0xE850]  }
.LBB2_7:
0x170: {  	p0 =	sne.s32 s6, $0x7E00;
	v8 =	vsub.f32 v8, v9;
	v9 =	vsub.f32 v10, v13;
	v10 =	vld [tilespmem:s5+$0xE860]  }
0x171: {  	v12 =	vsub.f32 v12, v14;
	v13 =	vsub.f32 v16, v18;
	v14 =	vld [tilespmem:s5+$0xE870]  }
0x172: {  	v17 =	vsub.f32 v17, v19;
	v16 =	vld [tilespmem:s5+$0x8800];
	v18 =	vsub.f32 v20, v21  }
0x173: {  	v2 =	vadd.f32 v2, v6;
	v3 =	vadd.f32 v3, v7;
	v19 =	vld [tilespmem:s5+$0x8810]  }
0x174: {  	v4 =	vadd.f32 v4, v8;
	v5 =	vadd.f32 v5, v9;
	v20 =	vld [tilespmem:s5+$0x8820]  }
0x175: {  	v11 =	vadd.f32 v11, v12;
	v15 =	vadd.f32 v15, v13;
	v21 =	vld [tilespmem:s5+$0x8830]  }
0x176: {  	v2 =	vand.u32 $0x7FFFFFFF, v2;
	v10 =	vadd.f32 v10, v17;
	v22 =	vld [tilespmem:s5+$0x8840];
	v14 =	vadd.f32 v14, v18  }
0x177: {  	v3 =	vand.u32 $0x7FFFFFFF, v3;
	v4 =	vand.u32 $0x7FFFFFFF, v4;
	v5 =	vand.u32 $0x7FFFFFFF, v5;
	v23 =	vld [tilespmem:s5+$0x8850]  }
0x178: {  	v11 =	vand.u32 $0x7FFFFFFF, v11;
	v15 =	vand.u32 $0x7FFFFFFF, v15;
	v10 =	vand.u32 $0x7FFFFFFF, v10;
	v24 =	vld [tilespmem:s5+$0x8860]  }
0x179: {  	s17 =	sshra.s32 s6, $0x2;
	v26 =	vadd.f32 v3, v2;
	v5 =	vadd.f32 v5, v4;
	v14 =	vand.u32 $0x7FFFFFFF, v14;
	v25 =	vld [tilespmem:s5+$0x8870]  }
0x17a: {  	v11 =	vadd.f32 v15, v11;
	v10 =	vadd.f32 v14, v10;
	v2 =	vld [tilespmem:s17+$0xE800]  }
0x17b: {  	v6 =	vadd.f32 v6, v16;
	v7 =	vadd.f32 v7, v19;
	v3 =	vld [tilespmem:s17+$0xE810]  }
0x17c: {  	v14 =	vadd.f32 v5, v26;
	v10 =	vadd.f32 v10, v11;
	v4 =	vld [tilespmem:s17+$0xE820]  }
0x17d: {  	v6 =	vand.u32 $0x7FFFFFFF, v6;
	v8 =	vadd.f32 v8, v20;
	v9 =	vadd.f32 v9, v21;
	v5 =	vld [tilespmem:s17+$0xE830]  }
0x17e: {  	v7 =	vand.u32 $0x7FFFFFFF, v7;
	v11 =	vadd.f32 v12, v22;
	v10 =	vadd.f32 v10, v14;
	v15 =	vld [tilespmem:s17+$0xA800]  }
0x17f: {  	v12 =	vand.u32 $0x7FFFFFFF, v8;
	v8 =	vadd.f32 v13, v23;
	v13 =	vadd.f32 v17, v24;
	v22 =	vld [tilespmem:s17+$0xC800]  }
0x180: {  	v9 =	vand.u32 $0x7FFFFFFF, v9;
	v11 =	vand.u32 $0x7FFFFFFF, v11;
	v14 =	vadd.f32 v18, v25;
	v23 =	vld [tilespmem:s17+$0xA810];
	[tilespmem:s5+$0x12800] =	vst v10  }
0x181: {  	v6 =	vadd.f32 v7, v6;
	v13 =	vand.u32 $0x7FFFFFFF, v13;
	v10 =	vand.u32 $0x7FFFFFFF, v8;
	v24 =	vld [tilespmem:s17+$0xC810]  }
0x182: {  	v12 =	vadd.f32 v9, v12;
	v7 =	vand.u32 $0x7FFFFFFF, v14;
	v11 =	vadd.f32 v10, v11;
	v8 =	vld [tilespmem:s17+$0xA820]  }
0x183: {  	v7 =	vadd.f32 v7, v13;
	v9 =	vld [tilespmem:s17+$0xC820]  }
0x184: {  	v6 =	vadd.f32 v12, v6;
	v10 =	vld [tilespmem:s17+$0xA830]  }
0x185: {  	v7 =	vadd.f32 v7, v11;
	v13 =	vld [tilespmem:s17+$0xC830]  }
0x186: {  	v12 =	vld [tilespmem:s17+$0xA840]  }
0x187: {  	v6 =	vadd.f32 v7, v6;
	v14 =	vld [tilespmem:s17+$0xC840]  }
0x188: {  	v16 =	vld [tilespmem:s17+$0xA850]  }
0x189: {  	v18 =	vld [tilespmem:s17+$0xC850];
	[tilespmem:s5+$0x10800] =	vst v6;
	s5 =	smov.u32 s17  }
0x18a: {  	v17 =	vld [tilespmem:s5+$0xA860]  }
.Ltmp2:
0x18b: {  	v19 =	vld [tilespmem:s5+$0xC860];
	(pc) =	sbr.rel @p0 .LBB2_7-.Ltmp2, $4  }
0x18c: {  	v20 =	vld [tilespmem:s5+$0xA870]  }
0x18d: {  	v21 =	vld [tilespmem:s5+$0xC870]  }
0x18e: {  	v11 =	vld [tilespmem:s5+$0xE840]  }
0x18f: {  	s6 =	sadd.s32 $0x200, s6;
	v7 =	vsub.f32 v23, v24;
	v6 =	vsub.f32 v15, v22;
	v15 =	vld [tilespmem:s5+$0xE850]  }
0x190: {  	v8 =	vsub.f32 v8, v9;
	v9 =	vsub.f32 v10, v13;
	v10 =	vld [tilespmem:s5+$0xE860]  }
0x191: {  	v12 =	vsub.f32 v12, v14;
	v14 =	vld [tilespmem:s5+$0xE870]  }
0x192: {  	v13 =	vsub.f32 v16, v18;
	v16 =	vld [tilespmem:s5+$0x8800];
	v17 =	vsub.f32 v17, v19  }
0x193: {  	v19 =	vld [tilespmem:s5+$0x8810];
	v2 =	vadd.f32 v2, v6;
	v3 =	vadd.f32 v3, v7  }
0x194: {  	v22 =	vld [tilespmem:s5+$0x8840];
	v18 =	vsub.f32 v20, v21;
	v4 =	vadd.f32 v4, v8  }
0x195: {  	v20 =	vld [tilespmem:s5+$0x8820];
	v5 =	vadd.f32 v5, v9;
	v11 =	vadd.f32 v11, v12  }
0x196: {  	v21 =	vld [tilespmem:s5+$0x8830];
	v2 =	vand.u32 $0x7FFFFFFF, v2;
	v3 =	vand.u32 $0x7FFFFFFF, v3;
	v15 =	vadd.f32 v15, v13  }
0x197: {  	v23 =	vld [tilespmem:s5+$0x8850];
	v4 =	vand.u32 $0x7FFFFFFF, v4;
	v5 =	vand.u32 $0x7FFFFFFF, v5;
	v2 =	vadd.f32 v3, v2  }
0x198: {  	v24 =	vld [tilespmem:s5+$0x8860];
	v10 =	vadd.f32 v10, v17;
	v14 =	vadd.f32 v14, v18;
	v11 =	vand.u32 $0x7FFFFFFF, v11  }
0x199: {  	v3 =	vld [tilespmem:s5+$0x8870];
	v4 =	vadd.f32 v5, v4;
	v6 =	vadd.f32 v6, v16;
	v15 =	vand.u32 $0x7FFFFFFF, v15  }
0x19a: {  	v7 =	vadd.f32 v7, v19;
	v10 =	vand.u32 $0x7FFFFFFF, v10;
	v5 =	vadd.f32 v15, v11  }
0x19b: {  	v14 =	vand.u32 $0x7FFFFFFF, v14;
	v8 =	vadd.f32 v8, v20;
	v9 =	vadd.f32 v9, v21  }
0x19c: {  	v6 =	vand.u32 $0x7FFFFFFF, v6;
	v11 =	vadd.f32 v12, v22;
	v12 =	vadd.f32 v13, v23  }
0x19d: {  	v7 =	vand.u32 $0x7FFFFFFF, v7;
	v13 =	vadd.f32 v17, v24;
	v10 =	vadd.f32 v14, v10  }
0x19e: {  	v6 =	vadd.f32 v7, v6;
	v8 =	vand.u32 $0x7FFFFFFF, v8;
	v3 =	vadd.f32 v18, v3  }
0x19f: {  	v9 =	vand.u32 $0x7FFFFFFF, v9;
	v11 =	vand.u32 $0x7FFFFFFF, v11;
	v12 =	vand.u32 $0x7FFFFFFF, v12  }
0x1a0: {  	v13 =	vand.u32 $0x7FFFFFFF, v13;
	v7 =	vadd.f32 v9, v8;
	v3 =	vand.u32 $0x7FFFFFFF, v3  }
0x1a1: {  	v8 =	vadd.f32 v12, v11;
	v3 =	vadd.f32 v3, v13  }
0x1a2: {  	v2 =	vadd.f32 v4, v2;
	v4 =	vadd.f32 v10, v5  }
0x1a3: {  	v5 =	vadd.f32 v7, v6;
	v3 =	vadd.f32 v3, v8  }
0x1a4: {  	v2 =	vadd.f32 v4, v2  }
0x1a5: {  	v3 =	vadd.f32 v3, v5  }
0x1a6: {  	[tilespmem:s5+$0x12800] =	vst v2  }
0x1a7: {  	s17 =	simm.s32 $0x12C00;
	[tilespmem:s5+$0x10800] =	vst v3  }
0x1a8: {  	v2 =	vld [tilespmem:s17+$0x0]  }
0x1a9: {  	v3 =	vld [tilespmem:s17+$0x80]  }
0x1aa: {  	v4 =	vld [tilespmem:s17+$0x100]  }
0x1ab: {  	s18 =	simm.s32 $0x10C00;
	v7 =	vld [tilespmem:s17+$0x300]  }
0x1ac: {  	v16 =	vld [tilespmem:s18+$0xFFFFFF80]  }
0x1ad: {  	v5 =	vld [tilespmem:s17+$0x180];
	v8 =	vperm.xlane v2, v1  }
0x1ae: {  	v6 =	vld [tilespmem:s17+$0x380];
	v2 =	vperm.xlane v2, v0;
	v10 =	vperm.xlane v3, v0  }
0x1af: {  	v9 =	vld [tilespmem:s17+$0x280];
	v3 =	vperm.xlane v3, v1;
	v12 =	vperm.xlane v4, v1  }
0x1b0: {  	v11 =	vld [tilespmem:s17+$0x200];
	v4 =	vperm.xlane v4, v0;
	v13 =	vperm.xlane v7, v0  }
0x1b1: {  	v7 =	vperm.xlane v7, v1;
	v22 =	vperm.xlane v16, v0  }
0x1b2: {  	v2 =	vsel vm0, v2, v10;
	v10 =	vperm.xlane v5, v0;
	v5 =	vperm.xlane v5, v1  }
0x1b3: {  	v3 =	vsel vm0, v8, v3;
	v8 =	vperm.xlane v6, v1;
	v6 =	vperm.xlane v6, v0  }
0x1b4: {  	v2 =	vadd.f32 v3, v2;
	v3 =	vsel vm0, v4, v10;
	v4 =	vperm.xlane v9, v0  }
0x1b5: {  	v10 =	vperm.xlane v11, v0;
	v5 =	vsel vm0, v12, v5;
	v9 =	vperm.xlane v9, v1  }
0x1b6: {  	v6 =	vsel vm0, v13, v6;
	v11 =	vperm.xlane v11, v1;
	v12 =	vperm.xlane v2, v0  }
0x1b7: {  	v13 =	vld [tilespmem:s18+$0x0];
	v3 =	vadd.f32 v5, v3;
	v2 =	vperm.xlane v2, v1;
	v5 =	vsel vm0, v7, v8  }
0x1b8: {  	v4 =	vsel vm0, v10, v4;
	v7 =	vsel vm0, v11, v9;
	v5 =	vadd.f32 v5, v6  }
0x1b9: {  	v9 =	vld [tilespmem:s18+$0x280];
	v6 =	vperm.xlane v3, v0;
	v3 =	vperm.xlane v3, v1;
	v4 =	vadd.f32 v7, v4  }
0x1ba: {  	v10 =	vld [tilespmem:s18+$0x80];
	v7 =	vperm.xlane v5, v0;
	v5 =	vperm.xlane v5, v1  }
0x1bb: {  	v8 =	vperm.xlane v4, v0;
	v4 =	vperm.xlane v4, v1  }
0x1bc: {  	v6 =	vsel vm0, v12, v6;
	v2 =	vsel vm0, v2, v3;
	v21 =	vperm.xlane v13, v0  }
0x1bd: {  	v17 =	vld [tilespmem:s18+$0xFFFFFF00];
	v13 =	vperm.xlane v13, v1;
	v2 =	vadd.f32 v2, v6;
	v3 =	vsel vm0, v8, v7  }
0x1be: {  	v6 =	vld [tilespmem:s18+$0x100];
	v4 =	vsel vm0, v4, v5;
	v14 =	vperm.xlane v9, v0;
	v9 =	vperm.xlane v9, v1  }
0x1bf: {  	v20 =	vperm.xlane v10, v0;
	v10 =	vperm.xlane v10, v1;
	v3 =	vadd.f32 v4, v3;
	v4 =	vld [tilespmem:s18+$0x180]  }
0x1c0: {  	v5 =	vld [tilespmem:s18+$0xFFFFFC00];
	v7 =	vperm.xlane v2, v0;
	v12 =	vperm.xlane v2, v1  }
0x1c1: {  	v10 =	vsel vm0, v13, v10;
	v13 =	vperm.xlane v16, v1;
	v8 =	vperm.xlane v3, v0  }
0x1c2: {  	v23 =	vld [tilespmem:s18+$0xFFFFFC80];
	v20 =	vsel vm0, v21, v20;
	v16 =	vperm.xlane v17, v0;
	v11 =	vperm.xlane v3, v1  }
0x1c3: {  	v10 =	vadd.f32 v10, v20;
	v19 =	vperm.xlane v6, v0;
	v7 =	vsel vm0, v7, v8;
	v8 =	vld [tilespmem:s18+$0xFFFFFE80]  }
0x1c4: {  	v6 =	vperm.xlane v6, v1;
	v11 =	vsel vm0, v12, v11;
	v12 =	vld [tilespmem:s18+$0xFFFFFE00];
	v18 =	vperm.xlane v4, v0  }
0x1c5: {  	v2 =	vmov s25;
	v21 =	vld [tilespmem:s18+$0xFFFFFD80];
	v15 =	vperm.xlane v5, v0;
	v4 =	vperm.xlane v4, v1  }
0x1c6: {  	v5 =	vperm.xlane v5, v1;
	v25 =	vperm.xlane v10, v0;
	v18 =	vsel vm0, v19, v18;
	v19 =	vld [tilespmem:s18+$0xFFFFFD00]  }
0x1c7: {  	v10 =	vperm.xlane v10, v1;
	v4 =	vsel vm0, v6, v4;
	v6 =	vperm.xlane v17, v1;
	v17 =	vld [tilespmem:s18+$0x200]  }
0x1c8: {  	v18 =	vadd.f32 v4, v18;
	v4 =	vsel vm0, v16, v22;
	v22 =	vperm.xlane v23, v1  }
0x1c9: {  	v20 =	vperm.xlane v8, v0;
	v24 =	vperm.xlane v12, v1;
	v6 =	vsel vm0, v6, v13  }
0x1ca: {  	v12 =	vperm.xlane v12, v0;
	v13 =	vperm.xlane v18, v0;
	v6 =	vadd.f32 v6, v4  }
0x1cb: {  	v4 =	vadd.f32 v11, v7;
	v11 =	vperm.xlane v23, v0;
	v23 =	vperm.xlane v21, v1  }
0x1cc: {  	v26 =	vld [tilespmem:s18+$0x380];
	v22 =	vsel vm0, v5, v22;
	v16 =	vperm.xlane v19, v1;
	v7 =	vperm.xlane v17, v1  }
0x1cd: {  	v12 =	vsel vm0, v12, v20;
	v19 =	vperm.xlane v19, v0;
	v5 =	vperm.xlane v6, v0  }
0x1ce: {  	v17 =	vperm.xlane v17, v0;
	v13 =	vsel vm0, v25, v13;
	v27 =	vsel vm0, v7, v9  }
0x1cf: {  	v28 =	vld [tilespmem:s18+$0x300];
	v7 =	vsel vm0, v15, v11;
	v9 =	vperm.xlane v21, v0;
	v11 =	vperm.xlane v8, v1  }
0x1d0: {  	v20 =	vld [tilespmem:s17+$0xFFFFFD80];
	v15 =	vperm.xlane v6, v1;
	v6 =	vperm.xlane v18, v1;
	v16 =	vsel vm0, v16, v23  }
0x1d1: {  	v8 =	vld [tilespmem:s17+$0xFFFFFE80];
	v7 =	vadd.f32 v22, v7;
	v9 =	vsel vm0, v19, v9;
	v19 =	vperm.xlane v26, v0  }
0x1d2: {  	v6 =	vsel vm0, v10, v6;
	v11 =	vsel vm0, v24, v11;
	v24 =	vperm.xlane v26, v1  }
0x1d3: {  	v18 =	vperm.xlane v7, v0;
	v16 =	vadd.f32 v16, v9;
	v23 =	vperm.xlane v7, v1  }
0x1d4: {  	v25 =	vld [tilespmem:s17+$0xFFFFFC00];
	v9 =	vadd.f32 v6, v13;
	v6 =	vsel vm0, v17, v14;
	v13 =	vperm.xlane v28, v1  }
0x1d5: {  	v14 =	vperm.xlane v20, v1;
	v20 =	vperm.xlane v20, v0;
	v21 =	vadd.f32 v27, v6  }
0x1d6: {  	v27 =	vadd.f32 v11, v12;
	v11 =	vperm.xlane v28, v0;
	v7 =	vperm.xlane v8, v1  }
0x1d7: {  	v3 =	vmov s24;
	v17 =	vld [tilespmem:s17+$0xFFFFFD00];
	v10 =	vperm.xlane v8, v0;
	v6 =	vperm.xlane v9, v0  }
0x1d8: {  	v22 =	vperm.xlane v16, v0;
	v26 =	vperm.xlane v16, v1;
	v12 =	vsel vm0, v13, v24  }
0x1d9: {  	v8 =	vld [tilespmem:s17+$0xFFFFFC80];
	v13 =	vperm.xlane v25, v1;
	v25 =	vperm.xlane v25, v0;
	v11 =	vsel vm0, v11, v19  }
0x1da: {  	v16 =	vperm.xlane v21, v0;
	v63 =	vperm.xlane v27, v1;
	v30 =	vadd.f32 v12, v11;
	v12 =	vld [tilespmem:s17+$0xFFFFFE00]  }
0x1db: {  	v24 =	vsel vm0, v18, v22;
	v18 =	vperm.xlane v21, v1;
	v23 =	vsel vm0, v23, v26  }
0x1dc: {  	v29 =	vperm.xlane v17, v0;
	v22 =	vperm.xlane v17, v1;
	v11 =	vsel vm0, v63, v15  }
0x1dd: {  	v15 =	vld [tilespmem:s17+$0xFFFFFF80];
	v23 =	vadd.f32 v23, v24;
	v26 =	vperm.xlane v30, v0;
	v24 =	vperm.xlane v30, v1  }
0x1de: {  	s5 =	simm.s32 $0x40;
	v17 =	vld [tilespmem:s17+$0xFFFFFF00];
	v21 =	vperm.xlane v8, v0;
	v19 =	vsel vm0, v29, v20;
	v20 =	vperm.xlane v27, v0  }
.LBB2_9:
0x1df: {  	p0 =	sne.s32 s5, $0xC0;
	v27 =	vperm.xlane v12, v0;
	v12 =	vperm.xlane v12, v1;
	v16 =	vsel vm0, v16, v26;
	s18 =	sadd.s32 $0x800, s18;
	s17 =	sadd.s32 $0x800, s17  }
0x1e0: {  	v14 =	vsel vm0, v22, v14;
	s6 =	smov.u32 s5;
	s5 =	sadd.s32 $0x40, s5;
	v26 =	vld [tilespmem:s17+$0x0];
	v21 =	vsel vm0, v25, v21;
	v22 =	vperm.xlane v23, v1  }
0x1e1: {  	v9 =	vperm.xlane v9, v1;
	v23 =	vperm.xlane v23, v0;
	v18 =	vsel vm0, v18, v24  }
0x1e2: {  	v5 =	vsel vm0, v20, v5;
	v14 =	vadd.f32 v14, v19;
	v10 =	vsel vm0, v27, v10  }
0x1e3: {  	v8 =	vperm.xlane v8, v1;
	v7 =	vsel vm0, v12, v7;
	v12 =	vperm.xlane v15, v0  }
0x1e4: {  	v15 =	vperm.xlane v15, v1;
	v7 =	vadd.f32 v7, v10;
	v10 =	vperm.xlane v17, v1  }
0x1e5: {  	v8 =	vsel vm0, v13, v8;
	v13 =	vperm.xlane v17, v0;
	v19 =	vperm.xlane v26, v1  }
0x1e6: {  	v8 =	vadd.f32 v8, v21;
	v17 =	vperm.xlane v14, v1;
	v20 =	vperm.xlane v7, v0  }
0x1e7: {  	v12 =	vsel vm0, v13, v12;
	v7 =	vperm.xlane v7, v1;
	v13 =	vadd.f32 v18, v16  }
0x1e8: {  	v5 =	vadd.f32 v11, v5;
	v16 =	vperm.xlane v8, v0;
	v10 =	vsel vm0, v10, v15  }
0x1e9: {  	v10 =	vadd.f32 v10, v12;
	v11 =	vperm.xlane v13, v0;
	v12 =	vperm.xlane v13, v1  }
0x1ea: {  	v8 =	vperm.xlane v8, v1;
	v13 =	vperm.xlane v5, v0  }
0x1eb: {  	v15 =	vperm.xlane v10, v0;
	v10 =	vperm.xlane v10, v1;
	v6 =	vsel vm0, v6, v11  }
0x1ec: {  	v5 =	vperm.xlane v5, v1;
	v11 =	vperm.xlane v14, v0;
	v13 =	vsel vm0, v23, v13  }
0x1ed: {  	v8 =	vsel vm0, v8, v17;
	v9 =	vsel vm0, v9, v12;
	v14 =	vsel vm0, v20, v15  }
0x1ee: {  	v5 =	vsel vm0, v22, v5;
	v7 =	vsel vm0, v7, v10;
	v11 =	vsel vm0, v16, v11;
	v12 =	vld [tilespmem:s17+$0x80]  }
0x1ef: {  	v5 =	vadd.f32 v5, v13;
	v13 =	vperm.xlane v4, v1;
	v7 =	vadd.f32 v7, v14;
	v10 =	vld [tilespmem:s17+$0x100]  }
0x1f0: {  	v6 =	vadd.f32 v9, v6;
	v4 =	vperm.xlane v4, v0;
	v8 =	vadd.f32 v8, v11;
	v14 =	vld [tilespmem:s17+$0x180]  }
0x1f1: {  	v9 =	vperm.xlane v26, v0;
	v15 =	vperm.xlane v7, v0;
	v11 =	vld [tilespmem:s17+$0x380]  }
0x1f2: {  	v17 =	vperm.xlane v5, v0;
	v7 =	vperm.xlane v7, v1;
	v16 =	vld [tilespmem:s17+$0x300]  }
0x1f3: {  	v21 =	vperm.xlane v6, v1;
	v18 =	vperm.xlane v12, v0;
	v20 =	vld [tilespmem:s17+$0x280]  }
0x1f4: {  	v12 =	vperm.xlane v12, v1;
	v22 =	vperm.xlane v10, v1;
	v23 =	vld [tilespmem:s17+$0x200]  }
0x1f5: {  	v10 =	vperm.xlane v10, v0;
	v9 =	vsel vm0, v9, v18;
	v18 =	vperm.xlane v14, v0  }
0x1f6: {  	v12 =	vsel vm0, v19, v12;
	v14 =	vperm.xlane v14, v1;
	v19 =	vperm.xlane v11, v1  }
0x1f7: {  	v11 =	vperm.xlane v11, v0;
	v10 =	vsel vm0, v10, v18;
	v18 =	vperm.xlane v16, v0  }
0x1f8: {  	v24 =	vperm.xlane v8, v0;
	v9 =	vadd.f32 v12, v9;
	v12 =	vperm.xlane v20, v0  }
0x1f9: {  	v5 =	vperm.xlane v5, v1;
	v14 =	vsel vm0, v22, v14;
	v22 =	vperm.xlane v23, v0  }
0x1fa: {  	v8 =	vperm.xlane v8, v1;
	v25 =	vperm.xlane v9, v0;
	v11 =	vsel vm0, v18, v11  }
0x1fb: {  	v6 =	vperm.xlane v6, v0;
	v10 =	vadd.f32 v14, v10;
	v9 =	vperm.xlane v9, v1  }
0x1fc: {  	v16 =	vperm.xlane v16, v1;
	v14 =	vperm.xlane v20, v1;
	v12 =	vsel vm0, v22, v12  }
0x1fd: {  	v15 =	vsel vm0, v24, v15;
	v7 =	vsel vm0, v8, v7;
	v18 =	vperm.xlane v10, v0  }
0x1fe: {  	v7 =	vadd.f32 v7, v15;
	v8 =	vperm.xlane v10, v1;
	v10 =	vperm.xlane v23, v1  }
0x1ff: {  	v6 =	vsel vm0, v17, v6;
	v5 =	vsel vm0, v5, v21;
	v15 =	vsel vm0, v25, v18  }
0x200: {  	v8 =	vsel vm0, v9, v8;
	v9 =	vsel vm0, v10, v14;
	v10 =	vperm.xlane v7, v0  }
0x201: {  	v5 =	vadd.f32 v5, v6;
	v14 =	vsel vm0, v16, v19;
	v8 =	vadd.f32 v8, v15  }
0x202: {  	s7 =	sshra.s32 s16, $0x2;
	s16 =	smov.u32 s6;
	v7 =	vperm.xlane v7, v1;
	v6 =	vadd.f32 v9, v12;
	v9 =	vadd.f32 v14, v11  }
0x203: {  	v4 =	vsel vm0, v10, v4;
	v11 =	vperm.xlane v8, v0;
	[tilespmem:v2+s7+$0x0 ss:$0x1] =	vst.idx.msk $0xffff, v5  }
0x204: {  	v7 =	vsel vm0, v7, v13;
	v5 =	vperm.xlane v9, v0;
	v9 =	vperm.xlane v9, v1  }
0x205: {  	v10 =	vperm.xlane v6, v0;
	v6 =	vperm.xlane v6, v1;
	v4 =	vadd.f32 v7, v4;
	_ =	sdelay $0x1  }
0x206: {  	v5 =	vsel vm0, v10, v5;
	v6 =	vsel vm0, v6, v9;
	v7 =	vld [tilespmem:s18+$0x280];
	[tilespmem:v3+s7+$0x0 ss:$0x1] =	vst.idx.msk $0xffff, v4  }
0x207: {  	v5 =	vadd.f32 v6, v5;
	v4 =	vld [tilespmem:s18+$0xFFFFFC00]  }
0x208: {  	v6 =	vld [tilespmem:s18+$0x180]  }
0x209: {  	v10 =	vperm.xlane v5, v0;
	v5 =	vperm.xlane v5, v1;
	v9 =	vld [tilespmem:s18+$0x100]  }
0x20a: {  	v8 =	vperm.xlane v8, v1;
	v12 =	vld [tilespmem:s18+$0x80]  }
0x20b: {  	v10 =	vsel vm0, v11, v10;
	v13 =	vld [tilespmem:s18+$0x0];
	v14 =	vperm.xlane v7, v0;
	v7 =	vperm.xlane v7, v1  }
0x20c: {  	v11 =	vperm.xlane v4, v0;
	v15 =	vperm.xlane v4, v1;
	v16 =	vld [tilespmem:s18+$0xFFFFFF80];
	v4 =	vsel vm0, v8, v5  }
0x20d: {  	v5 =	vld [tilespmem:s18+$0xFFFFFF00];
	v8 =	vperm.xlane v6, v0;
	v6 =	vperm.xlane v6, v1;
	v4 =	vadd.f32 v4, v10  }
0x20e: {  	v10 =	vld [tilespmem:s18+$0xFFFFFE80];
	v17 =	vperm.xlane v9, v0;
	v9 =	vperm.xlane v9, v1  }
0x20f: {  	v18 =	vld [tilespmem:s18+$0xFFFFFE00];
	v19 =	vperm.xlane v12, v0;
	v12 =	vperm.xlane v12, v1  }
0x210: {  	v20 =	vld [tilespmem:s18+$0xFFFFFD80];
	v21 =	vperm.xlane v13, v0;
	v13 =	vperm.xlane v13, v1;
	v8 =	vsel vm0, v17, v8  }
0x211: {  	v6 =	vsel vm0, v9, v6;
	v17 =	vld [tilespmem:s18+$0xFFFFFD00];
	v22 =	vperm.xlane v16, v0;
	v16 =	vperm.xlane v16, v1  }
0x212: {  	v9 =	vld [tilespmem:s18+$0xFFFFFC80];
	v23 =	vperm.xlane v5, v0;
	v19 =	vsel vm0, v21, v19;
	v12 =	vsel vm0, v13, v12  }
0x213: {  	v6 =	vadd.f32 v6, v8;
	v5 =	vperm.xlane v5, v1;
	v12 =	vadd.f32 v12, v19;
	v8 =	vld [tilespmem:s18+$0x200]  }
0x214: {  	v13 =	vperm.xlane v10, v0;
	v19 =	vperm.xlane v18, v1;
	v21 =	vsel vm0, v23, v22  }
0x215: {  	v5 =	vsel vm0, v5, v16;
	v16 =	vperm.xlane v12, v0;
	v22 =	vperm.xlane v12, v1  }
0x216: {  	v23 =	vperm.xlane v6, v0;
	v12 =	vperm.xlane v17, v1  }
0x217: {  	v18 =	vperm.xlane v18, v0;
	v21 =	vadd.f32 v5, v21;
	v24 =	vperm.xlane v9, v1  }
0x218: {  	v17 =	vperm.xlane v17, v0;
	v25 =	vperm.xlane v8, v1  }
0x219: {  	v9 =	vperm.xlane v9, v0;
	v15 =	vsel vm0, v15, v24;
	v24 =	vperm.xlane v20, v1;
	v26 =	vld [tilespmem:s18+$0x380]  }
0x21a: {  	v5 =	vperm.xlane v21, v0;
	v27 =	vperm.xlane v8, v0;
	v25 =	vsel vm0, v25, v7;
	v28 =	vld [tilespmem:s18+$0x300]  }
0x21b: {  	v8 =	vperm.xlane v20, v0;
	v7 =	vsel vm0, v11, v9;
	v11 =	vsel vm0, v18, v13  }
0x21c: {  	v9 =	vperm.xlane v10, v1;
	v7 =	vadd.f32 v15, v7;
	v15 =	vperm.xlane v21, v1;
	v10 =	vld [tilespmem:s17+$0xFFFFFE80]  }
0x21d: {  	v6 =	vperm.xlane v6, v1;
	v13 =	vsel vm0, v12, v24;
	v12 =	vld [tilespmem:s17+$0xFFFFFE00]  }
0x21e: {  	v8 =	vsel vm0, v17, v8;
	v17 =	vperm.xlane v7, v0;
	v18 =	vld [tilespmem:s17+$0xFFFFFD80];
	v20 =	vperm.xlane v26, v0  }
0x21f: {  	v16 =	vsel vm0, v16, v23;
	v6 =	vsel vm0, v22, v6;
	v13 =	vadd.f32 v13, v8;
	v24 =	vld [tilespmem:s17+$0xFFFFFD00]  }
0x220: {  	v19 =	vsel vm0, v19, v9;
	v9 =	vadd.f32 v6, v16;
	v23 =	vperm.xlane v7, v1;
	v8 =	vld [tilespmem:s17+$0xFFFFFC80]  }
0x221: {  	v6 =	vsel vm0, v27, v14;
	v21 =	vperm.xlane v28, v1;
	v29 =	vld [tilespmem:s17+$0xFFFFFC00];
	v7 =	vperm.xlane v10, v1  }
0x222: {  	v22 =	vadd.f32 v25, v6;
	v6 =	vperm.xlane v9, v0;
	v10 =	vperm.xlane v10, v0  }
0x223: {  	v25 =	vperm.xlane v13, v0;
	v26 =	vperm.xlane v26, v1  }
0x224: {  	v30 =	vadd.f32 v19, v11;
	v27 =	vperm.xlane v13, v1;
	v16 =	vperm.xlane v22, v0  }
0x225: {  	v11 =	vperm.xlane v28, v0;
	v13 =	vsel vm0, v21, v26;
	v14 =	vperm.xlane v18, v1  }
0x226: {  	v28 =	vsel vm0, v17, v25;
	v25 =	vperm.xlane v30, v1;
	v17 =	vperm.xlane v18, v0  }
.Ltmp3:
0x227: {  	v11 =	vsel vm0, v11, v20;
	v18 =	vperm.xlane v22, v1;
	v19 =	vperm.xlane v24, v0;
	(pc) =	sbr.rel @p0 .LBB2_9-.Ltmp3, $4  }
0x228: {  	v22 =	vperm.xlane v24, v1;
	v24 =	vadd.f32 v13, v11;
	v21 =	vperm.xlane v8, v0  }
0x229: {  	v11 =	vsel vm0, v25, v15;
	v13 =	vperm.xlane v29, v1;
	v19 =	vsel vm0, v19, v17;
	v15 =	vld [tilespmem:s17+$0xFFFFFF80]  }
0x22a: {  	v23 =	vsel vm0, v23, v27;
	v20 =	vperm.xlane v30, v0;
	v26 =	vperm.xlane v24, v0;
	v17 =	vld [tilespmem:s17+$0xFFFFFF00]  }
0x22b: {  	v23 =	vadd.f32 v23, v28;
	v25 =	vperm.xlane v29, v0;
	v24 =	vperm.xlane v24, v1  }
0x22c: {  	v27 =	vperm.xlane v12, v0  }
0x22d: {  	v39 =	vperm.xlane v12, v1;
	v16 =	vsel vm0, v16, v26;
	v14 =	vsel vm0, v22, v14  }
0x22e: {  	v9 =	vperm.xlane v9, v1;
	v8 =	vperm.xlane v8, v1;
	v5 =	vsel vm0, v20, v5  }
0x22f: {  	v58 =	vperm.xlane v4, v1;
	v59 =	vperm.xlane v4, v0;
	v21 =	vsel vm0, v25, v21  }
0x230: {  	v40 =	vperm.xlane v23, v1;
	v41 =	vperm.xlane v23, v0;
	v14 =	vadd.f32 v14, v19  }
0x231: {  	v5 =	vadd.f32 v11, v5;
	v10 =	vsel vm0, v27, v10;
	v7 =	vsel vm0, v39, v7  }
0x232: {  	v42 =	vperm.xlane v15, v0;
	v8 =	vsel vm0, v13, v8;
	v44 =	vperm.xlane v15, v1  }
0x233: {  	v7 =	vadd.f32 v7, v10;
	v43 =	vperm.xlane v17, v1;
	v45 =	vperm.xlane v17, v0  }
0x234: {  	v8 =	vadd.f32 v8, v21;
	v46 =	vperm.xlane v14, v1;
	v52 =	vperm.xlane v5, v0  }
0x235: {  	v14 =	vperm.xlane v14, v0;
	v12 =	vsel vm0, v45, v42;
	v10 =	vsel vm0, v43, v44  }
0x236: {  	v47 =	vperm.xlane v7, v0;
	v7 =	vperm.xlane v7, v1;
	v10 =	vadd.f32 v10, v12  }
0x237: {  	v18 =	vsel vm0, v18, v24;
	v48 =	vperm.xlane v8, v0;
	v8 =	vperm.xlane v8, v1  }
0x238: {  	v16 =	vadd.f32 v18, v16;
	v51 =	vperm.xlane v10, v0;
	v10 =	vperm.xlane v10, v1  }
0x239: {  	v5 =	vperm.xlane v5, v1;
	v8 =	vsel vm0, v8, v46;
	v54 =	vsel vm0, v48, v14  }
0x23a: {  	v8 =	vadd.f32 v8, v54;
	v53 =	vsel vm0, v47, v51;
	v7 =	vsel vm0, v7, v10  }
0x23b: {  	v49 =	vperm.xlane v16, v0;
	v50 =	vperm.xlane v16, v1;
	v7 =	vadd.f32 v7, v53  }
0x23c: {  	v55 =	vsel vm0, v41, v52;
	v57 =	vperm.xlane v8, v0;
	v8 =	vperm.xlane v8, v1  }
0x23d: {  	v5 =	vsel vm0, v40, v5;
	v56 =	vperm.xlane v7, v0;
	v7 =	vperm.xlane v7, v1  }
0x23e: {  	v6 =	vsel vm0, v6, v49;
	v9 =	vsel vm0, v9, v50;
	v5 =	vadd.f32 v5, v55  }
0x23f: {  	v6 =	vadd.f32 v9, v6;
	v60 =	vsel vm0, v57, v56;
	v7 =	vsel vm0, v8, v7  }
0x240: {  	v61 =	vperm.xlane v5, v0;
	v5 =	vperm.xlane v5, v1;
	v7 =	vadd.f32 v7, v60  }
0x241: {  	s21 =	sadd.s32 $0x1, s21;
	v62 =	vperm.xlane v6, v1;
	v6 =	vperm.xlane v6, v0  }
0x242: {  	p0 =	sne.s32 s21, $0x4;
	v9 =	vperm.xlane v7, v0;
	v7 =	vperm.xlane v7, v1  }
.Ltmp4:
0x243: {  	v6 =	vsel vm0, v61, v6;
	v5 =	vsel vm0, v5, v62;
	(pc) =	sbr.rel @p0 .LBB2_2-.Ltmp4, $4  }
0x244: {  	v5 =	vadd.f32 v5, v6;
	v4 =	vsel vm0, v9, v59;
	v63 =	vsel vm0, v7, v58  }
0x245: {  	s5 =	sshra.s32 s16, $0x2;
	v4 =	vadd.f32 v63, v4  }
0x246: {  	s28 =	sadd.s32 $0x80, s28;
	[tilespmem:v2+s5+$0x0 ss:$0x1] =	vst.idx.msk $0xffff, v5  }
0x247: {  	s26 =	sadd.s32 $0x80, s26;
	s24 =	sadd.s32 $0x80, s24;
	s25 =	sadd.s32 $0x80, s25;
	[tilespmem:v3+s5+$0x0 ss:$0x1] =	vst.idx.msk $0xffff, v4  }
0x248: {  	s5 =	simm.s32 $0x14800  }
0x249: {  	[hbm4b:s13+s4] =	stream.linear.scatter [tilespmem:s5], [sflag:$0x1], $0x200, $0x38;
	[tilespmem:$0x14C00] =	vst v63  }
0x24a: {  	s28 =	simm.s32 $0x14A00;
	s23 =	sadd.s32 $0x1, s23  }
0x24b: {  	[hbm4b:s14+s4] =	stream.linear.scatter [tilespmem:s28], [sflag:$0x2], $0x200, $0x38;
	[tilespmem:$0x14C00] =	vst v63  }
0x24c: {  	p0 =	sne.s32 s23, s15;
	_ =	swait.ge [sflag:s19], $0x200  }
.Ltmp5:
0x24d: {  	[sflag:s19] =	ssyncset.done $0x0;
	(pc) =	sbr.rel @p0 .LBB2_1-.Ltmp5, $4  }
0x24e: {  	[sflag:s19] =	ssyncadd.s32 $0xFFFFFE00  }
0x24f: {  	_ =	swait.ge [sflag:s29], $0x200  }
0x250: {  	[sflag:s29] =	ssyncset.done $0x0  }
0x251: {  	[sflag:s29] =	ssyncadd.s32 $0xFFFFFE00  }
0x252: {  	_ =	sfence.sel $0x180000  }
0x253: {  	[bflag:$0x0] =	sbarrier.arrive $0xFFFF  }
0x254: {  	_ =	strace $0x90000047  }
0x255: {  	s0 =	stileid.u32;
	[bflag:$0x2] =	sbarrier.arrive $0xFFFF  }
0x256: {  	p0 =	sne.s32 s0, $0x0;
	s0 =	rddreg [dreg:$0x8]  }
0x257: {  	s0 =	sadd.s32 @!p0 $0x100000, s0  }
0x258: {  	[sflag:s0] =	ssyncadd.tile.s32 @!p0 $0x1;
	_ =	shalt  }
.Lfunc_end2:
_tile_overlayer_lowered:
.L_overlay_start_2:
0x259: {  	(tag) =	ssettag $0x2  }
0x25a: {  	s0 =	rddreg [dreg:$0x0];
	s2 =	stileid.u32  }
0x25b: {  	s1 =	rddreg [dreg:$0x1];
	p0 =	sne.s32 s2, $0x0  }
0x25c: {  	s3 =	rddreg [dreg:$0x2];
	[bflag:$0x3] =	sbarrier.arrive $0xFFFF;
	s2 =	simm.s32 @!p0 $0x1C03  }
0x25d: {  	[timem:s3], [sflag:s2] =	dma.local @!p0 [hbm:s0], s1  }
0x25e: {  	s0 =	simm.s32 @!p0 $0x3  }
0x25f: {  	_ =	swait.ge @!p0 [sflag:s0], s1  }
0x260: {  	s1 =	ssub.s32 @!p0 $0x0, s1;
	[sflag:s0] =	ssyncset.done @!p0 $0x0  }
0x261: {  	[sflag:s0] =	ssyncadd.s32 @!p0 s1  }
0x262: {  	[bflag:$0x3] =	sbarrier.arrive $0xFFFF  }
0x263: {  	_ =	shalt  }

</sc_bundles>
